<compile_context>
chip_gen: v7x
topology: tpu7x:2x2x1
jax: 0.10.2.dev20260603
libtpu: 0.0.44.dev20260713+nightly
codegen_flags: <defaults>
</compile_context>

<pallas_src>
import functools

import jax
import jax.numpy as jnp
from jax import lax
from jax.experimental import pallas as pl
from jax.experimental.pallas import tpu as pltpu
from jax.experimental.pallas import tpu_sc as plsc

NUM_CLUSTERS = 64
D_MODEL = 768
N_POINTS = 2048
TOP_K = 10

P_BLOCK = 128
GRID = N_POINTS // P_BLOCK
LANE = 128
N_CHUNKS = D_MODEL // LANE

OUT_ROWS = N_POINTS * TOP_K

NC = 2
NS = 16
NW = NC * NS
B_PER_W = OUT_ROWS // NW
SC_CHUNK = 64
N_SC_CHUNKS = B_PER_W // SC_CHUNK


N_CAND = 16


def _topk_body(xb_ref, c_ref, idx_ref):
    xb = xb_ref[:, :]
    c = c_ref[:, :]

    g_t = lax.dot_general(c, xb, (((1,), (1,)), ((), ())),
                          precision=lax.Precision.HIGHEST)
    cn2 = jnp.sum(c * c, axis=1)
    s_t = cn2[:, None] - 2.0 * g_t

    subl64 = lax.broadcasted_iota(jnp.int32, (NUM_CLUSTERS, P_BLOCK), 0)
    cand_rows = []
    for k in range(N_CAND):
        m = jnp.min(s_t, axis=0, keepdims=True)
        idxk = jnp.min(jnp.where(s_t == m, subl64, NUM_CLUSTERS), axis=0,
                       keepdims=True)
        cand_rows.append(idxk)
        s_t = jnp.where(subl64 == idxk, jnp.inf, s_t)

    c_hi = c.astype(jnp.bfloat16)
    r1 = c - c_hi.astype(jnp.float32)
    c_mid = r1.astype(jnp.bfloat16)
    c_lo = (r1 - c_mid.astype(jnp.float32)).astype(jnp.bfloat16)
    c3 = jnp.concatenate([c_hi, c_mid, c_lo], axis=0)
    subl192 = lax.broadcasted_iota(jnp.int32, (3 * NUM_CLUSTERS, P_BLOCK),
                                   0) & (NUM_CLUSTERS - 1)
    dist_rows = []
    for k in range(N_CAND):
        onehot3 = (subl192 == cand_rows[k]).astype(jnp.bfloat16)
        csel = lax.dot_general(onehot3, c3, (((0,), (0,)), ((), ())),
                               preferred_element_type=jnp.float32)
        diff = xb - csel
        sq = diff * diff
        s = jnp.sum(sq[:, 0:LANE], axis=1)
        for j in range(1, N_CHUNKS):
            s = s + jnp.sum(sq[:, j * LANE:(j + 1) * LANE], axis=1)
        dist_rows.append(s)
    d = jnp.sqrt(jnp.stack(dist_rows, axis=0))
    ids = jnp.concatenate(cand_rows, axis=0)

    for k in range(TOP_K):
        m = jnp.min(d, axis=0, keepdims=True)
        idk = jnp.min(jnp.where(d == m, ids, NUM_CLUSTERS), axis=0,
                      keepdims=True)
        idx_ref[k:k + 1, :] = idk
        d = jnp.where(ids == idk, jnp.inf, d)


_SC_MESH = plsc.VectorSubcoreMesh(core_axis_name="c", subcore_axis_name="s")


@functools.partial(
    pl.kernel,
    mesh=_SC_MESH,
    out_type=jax.ShapeDtypeStruct((OUT_ROWS, D_MODEL), jnp.float32),
    scratch_types=[
        pltpu.VMEM((B_PER_W,), jnp.int32),
        pltpu.VMEM((SC_CHUNK, D_MODEL), jnp.float32),
        pltpu.VMEM((SC_CHUNK, D_MODEL), jnp.float32),
        pltpu.SemaphoreType.DMA,
        pltpu.SemaphoreType.DMA,
    ],
)
def _sc_gather(table_hbm, idx_hbm, out_hbm, idx_v, rows_a, rows_b, sem_a,
               sem_b):
    wid = lax.axis_index("s") * NC + lax.axis_index("c")
    base = wid * B_PER_W
    pltpu.sync_copy(idx_hbm.at[pl.ds(base, B_PER_W)], idx_v)
    bufs = (rows_a, rows_b)
    sems = (sem_a, sem_b)
    copies = [None, None]
    copies[0] = pltpu.async_copy(
        table_hbm.at[idx_v.at[pl.ds(0, SC_CHUNK)]], bufs[0], sems[0])
    for c in range(N_SC_CHUNKS):
        nxt = c + 1
        if nxt < N_SC_CHUNKS:
            copies[nxt % 2] = pltpu.async_copy(
                table_hbm.at[idx_v.at[pl.ds(nxt * SC_CHUNK, SC_CHUNK)]],
                bufs[nxt % 2], sems[nxt % 2])
        copies[c % 2].wait()
        pltpu.sync_copy(bufs[c % 2],
                        out_hbm.at[pl.ds(base + c * SC_CHUNK, SC_CHUNK)])


def kernel(x, cluster_centers):
    indices = pl.pallas_call(
        _topk_body,
        grid=(GRID,),
        in_specs=[
            pl.BlockSpec((P_BLOCK, D_MODEL), lambda i: (i, 0)),
            pl.BlockSpec((NUM_CLUSTERS, D_MODEL), lambda i: (0, 0)),
        ],
        out_specs=pl.BlockSpec((TOP_K, P_BLOCK), lambda i: (0, i)),
        out_shape=jax.ShapeDtypeStruct((TOP_K, N_POINTS), jnp.int32),
    )(x, cluster_centers)

    idx_flat = jnp.reshape(jnp.transpose(indices), (OUT_ROWS,))
    out = _sc_gather(x, idx_flat)
    return jnp.reshape(out, (1, OUT_ROWS, D_MODEL))

# --- scband reference (transcript-rebuilt; emitter-appended) ---
"""Pipeline reference for scband-differentiable-kmeans-77043123356280 (READ-ONLY COPY).

The authoritative reference and input builder live on the scoring server;
editing this copy changes nothing except your own understanding.
"""

import jax, jax.numpy as jnp
import numpy as np

NUM_CLUSTERS = 64
D_MODEL = 768
N_POINTS = 2048
TOP_K = 10

def setup_inputs(seed: int = 0) -> dict:
    key = jax.random.key(seed)
    k1, k2 = jax.random.split(key)
    x = jax.random.normal(k1, (N_POINTS, D_MODEL), dtype=jnp.float32)
    # keras 'uniform' initializer default: RandomUniform(-0.05, 0.05)
    cluster_centers = jax.random.uniform(k2, (NUM_CLUSTERS, D_MODEL), dtype=jnp.float32, minval=-0.05, maxval=0.05)
    return {"x": x, "cluster_centers": cluster_centers}

def reference(x, cluster_centers):
    # distances: [N, K] = ||x[i] - c[j]||_2
    diff = x[:, None, :] - cluster_centers[None, :, :]
    distances = jnp.linalg.norm(diff, axis=-1)
    # top_k of negative distances -> indices of 10 closest clusters per point
    _, indices = jax.lax.top_k(-distances, k=TOP_K)
    # NOTE: faithful to original TF: indices (values in [0, num_clusters)) gather rows of x along axis 0
    closest_points = jnp.take(x, indices, axis=0)  # [N, 10, D]
    return jnp.reshape(closest_points, (1, -1, x.shape[-1]))

if __name__ == "__main__":
    import jax
    _d = setup_inputs()
    print(jax.jit(kernel)(*tuple(_d.values())))

</pallas_src>

<mosaic_0001>
#map = affine_map<(d0, d1) -> (0, 0)>
#map1 = affine_map<(d0, d1) -> (0)>
module attributes {stable_mosaic.version = 14 : i64} {
  func.func @_sc_gather(%arg0: i32, %arg1: i32, %arg2: memref<2048x768xf32, #tpu.memory_space<hbm>>, %arg3: memref<20480xi32, #tpu.memory_space<hbm>>, %arg4: memref<20480x768xf32, #tpu.memory_space<hbm>>, %arg5: memref<640xi32, #tpu.memory_space<vmem>>, %arg6: memref<64x768xf32, #tpu.memory_space<vmem>>, %arg7: memref<64x768xf32, #tpu.memory_space<vmem>>, %arg8: memref<!tpu.dma_semaphore, #tpu.memory_space<semaphore_mem>>, %arg9: memref<!tpu.dma_semaphore, #tpu.memory_space<semaphore_mem>>) attributes {dimension_semantics = [#tpu.dimension_semantics<core_parallel>, #tpu.dimension_semantics<subcore_parallel>], iteration_bounds = array<i64: 2, 16>, scalar_prefetch = 0 : i64, scratch_operands = 5 : i64, tpu.core_type = #tpu.core_type<sc_vector_subcore>, window_params = [{transform_indices = #map}, {transform_indices = #map1}, {transform_indices = #map}]} {
    %mul3A = arith.constant 2 : i32
    %mul3A_0 = arith.muli %arg1, %mul3A : i32
    %add3A = arith.addi %mul3A_0, %arg0 : i32
    %mul3A_1 = arith.constant 640 : i32
    %mul3A_2 = arith.muli %add3A, %mul3A_1 : i32
    "tpu.region"() ({
      %run_scoped3A = tpu.sem_alloc : memref<!tpu.dma_semaphore, #tpu.memory_space<semaphore_mem>>
      %dma_start3A_121 = tpu.memref_slice %arg3[%mul3A_2] : memref<20480xi32, #tpu.memory_space<hbm>> -> memref<640xi32, #tpu.memory_space<hbm>>
      %dma_start3A_122 = tpu.memref_slice %arg3[%mul3A_2] : memref<20480xi32, #tpu.memory_space<hbm>> -> memref<640xi32, #tpu.memory_space<hbm>>
      tpu.enqueue_dma source(%dma_start3A_122 : memref<640xi32, #tpu.memory_space<hbm>>) target(%arg5 : memref<640xi32, #tpu.memory_space<vmem>>) target_semaphore(%run_scoped3A : memref<!tpu.dma_semaphore, #tpu.memory_space<semaphore_mem>>)
      %dma_wait3A_123 = tpu.memref_slice %arg3[%mul3A_2] : memref<20480xi32, #tpu.memory_space<hbm>> -> memref<640xi32, #tpu.memory_space<hbm>>
      %dma_wait3A_124 = tpu.memref_slice %arg3[%mul3A_2] : memref<20480xi32, #tpu.memory_space<hbm>> -> memref<640xi32, #tpu.memory_space<hbm>>
      tpu.wait_dma2 semaphore(%run_scoped3A : memref<!tpu.dma_semaphore, #tpu.memory_space<semaphore_mem>>) src(%dma_wait3A_124 : memref<640xi32, #tpu.memory_space<hbm>>) dst(%arg5 : memref<640xi32, #tpu.memory_space<vmem>>)
      tpu.yield
    }) : () -> ()
    %dma_start3A = arith.constant 0 : i32
    %dma_start3A_3 = tpu.memref_slice %arg5[%dma_start3A] : memref<640xi32, #tpu.memory_space<vmem>> -> memref<64xi32, #tpu.memory_space<vmem>>
    %dma_start3A_4 = arith.constant 0 : i32
    %dma_start3A_5 = arith.constant 0 : i32
    %dma_start3A_6 = tpu.memref_slice %arg2[%dma_start3A_4, %dma_start3A_5] : memref<2048x768xf32, #tpu.memory_space<hbm>> -> memref<2048x768xf32, #tpu.memory_space<hbm>>
    tpu.enqueue_indirect_dma source(%dma_start3A_6 : memref<2048x768xf32, #tpu.memory_space<hbm>>) target(%arg6 : memref<64x768xf32, #tpu.memory_space<vmem>>) offsets(%dma_start3A_3 : memref<64xi32, #tpu.memory_space<vmem>>) semaphore(%arg8 : memref<!tpu.dma_semaphore, #tpu.memory_space<semaphore_mem>>)
    %dma_start3A_7 = arith.constant 64 : i32
    %dma_start3A_8 = tpu.memref_slice %arg5[%dma_start3A_7] : memref<640xi32, #tpu.memory_space<vmem>> -> memref<64xi32, #tpu.memory_space<vmem>>
    %dma_start3A_9 = arith.constant 0 : i32
    %dma_start3A_10 = arith.constant 0 : i32
    %dma_start3A_11 = tpu.memref_slice %arg2[%dma_start3A_9, %dma_start3A_10] : memref<2048x768xf32, #tpu.memory_space<hbm>> -> memref<2048x768xf32, #tpu.memory_space<hbm>>
    tpu.enqueue_indirect_dma source(%dma_start3A_11 : memref<2048x768xf32, #tpu.memory_space<hbm>>) target(%arg7 : memref<64x768xf32, #tpu.memory_space<vmem>>) offsets(%dma_start3A_8 : memref<64xi32, #tpu.memory_space<vmem>>) semaphore(%arg9 : memref<!tpu.dma_semaphore, #tpu.memory_space<semaphore_mem>>)
    %dma_wait3A = arith.constant 0 : i32
    %dma_wait3A_12 = tpu.memref_slice %arg5[%dma_wait3A] : memref<640xi32, #tpu.memory_space<vmem>> -> memref<64xi32, #tpu.memory_space<vmem>>
    %dma_wait3A_13 = arith.constant 0 : i32
    %dma_wait3A_14 = arith.constant 0 : i32
    %dma_wait3A_15 = tpu.memref_slice %arg2[%dma_wait3A_13, %dma_wait3A_14] : memref<2048x768xf32, #tpu.memory_space<hbm>> -> memref<2048x768xf32, #tpu.memory_space<hbm>>
    tpu.wait_indirect_dma semaphore(%arg8 : memref<!tpu.dma_semaphore, #tpu.memory_space<semaphore_mem>>) src(%dma_wait3A_15 : memref<2048x768xf32, #tpu.memory_space<hbm>>) dst(%arg6 : memref<64x768xf32, #tpu.memory_space<vmem>>)
    %add3A_16 = arith.constant 0 : i32
    %add3A_17 = arith.addi %mul3A_2, %add3A_16 : i32
    "tpu.region"() ({
      %run_scoped3A = tpu.sem_alloc : memref<!tpu.dma_semaphore, #tpu.memory_space<semaphore_mem>>
      %dma_start3A_121 = arith.constant 0 : i32
      %dma_start3A_122 = tpu.memref_slice %arg4[%add3A_17, %dma_start3A_121] : memref<20480x768xf32, #tpu.memory_space<hbm>> -> memref<64x768xf32, #tpu.memory_space<hbm>>
      %dma_start3A_123 = arith.constant 0 : i32
      %dma_start3A_124 = tpu.memref_slice %arg4[%add3A_17, %dma_start3A_123] : memref<20480x768xf32, #tpu.memory_space<hbm>> -> memref<64x768xf32, #tpu.memory_space<hbm>>
      tpu.enqueue_dma source(%arg6 : memref<64x768xf32, #tpu.memory_space<vmem>>) target(%dma_start3A_124 : memref<64x768xf32, #tpu.memory_space<hbm>>) target_semaphore(%run_scoped3A : memref<!tpu.dma_semaphore, #tpu.memory_space<semaphore_mem>>)
      %dma_wait3A_125 = arith.constant 0 : i32
      %dma_wait3A_126 = tpu.memref_slice %arg4[%add3A_17, %dma_wait3A_125] : memref<20480x768xf32, #tpu.memory_space<hbm>> -> memref<64x768xf32, #tpu.memory_space<hbm>>
      %dma_wait3A_127 = arith.constant 0 : i32
      %dma_wait3A_128 = tpu.memref_slice %arg4[%add3A_17, %dma_wait3A_127] : memref<20480x768xf32, #tpu.memory_space<hbm>> -> memref<64x768xf32, #tpu.memory_space<hbm>>
      tpu.wait_dma2 semaphore(%run_scoped3A : memref<!tpu.dma_semaphore, #tpu.memory_space<semaphore_mem>>) src(%arg6 : memref<64x768xf32, #tpu.memory_space<vmem>>) dst(%dma_wait3A_128 : memref<64x768xf32, #tpu.memory_space<hbm>>)
      tpu.yield
    }) : () -> ()
    %dma_start3A_18 = arith.constant 128 : i32
    %dma_start3A_19 = tpu.memref_slice %arg5[%dma_start3A_18] : memref<640xi32, #tpu.memory_space<vmem>> -> memref<64xi32, #tpu.memory_space<vmem>>
    %dma_start3A_20 = arith.constant 0 : i32
    %dma_start3A_21 = arith.constant 0 : i32
    %dma_start3A_22 = tpu.memref_slice %arg2[%dma_start3A_20, %dma_start3A_21] : memref<2048x768xf32, #tpu.memory_space<hbm>> -> memref<2048x768xf32, #tpu.memory_space<hbm>>
    tpu.enqueue_indirect_dma source(%dma_start3A_22 : memref<2048x768xf32, #tpu.memory_space<hbm>>) target(%arg6 : memref<64x768xf32, #tpu.memory_space<vmem>>) offsets(%dma_start3A_19 : memref<64xi32, #tpu.memory_space<vmem>>) semaphore(%arg8 : memref<!tpu.dma_semaphore, #tpu.memory_space<semaphore_mem>>)
    %dma_wait3A_23 = arith.constant 64 : i32
    %dma_wait3A_24 = tpu.memref_slice %arg5[%dma_wait3A_23] : memref<640xi32, #tpu.memory_space<vmem>> -> memref<64xi32, #tpu.memory_space<vmem>>
    %dma_wait3A_25 = arith.constant 0 : i32
    %dma_wait3A_26 = arith.constant 0 : i32
    %dma_wait3A_27 = tpu.memref_slice %arg2[%dma_wait3A_25, %dma_wait3A_26] : memref<2048x768xf32, #tpu.memory_space<hbm>> -> memref<2048x768xf32, #tpu.memory_space<hbm>>
    tpu.wait_indirect_dma semaphore(%arg9 : memref<!tpu.dma_semaphore, #tpu.memory_space<semaphore_mem>>) src(%dma_wait3A_27 : memref<2048x768xf32, #tpu.memory_space<hbm>>) dst(%arg7 : memref<64x768xf32, #tpu.memory_space<vmem>>)
    %add3A_28 = arith.constant 64 : i32
    %add3A_29 = arith.addi %mul3A_2, %add3A_28 : i32
    "tpu.region"() ({
      %run_scoped3A = tpu.sem_alloc : memref<!tpu.dma_semaphore, #tpu.memory_space<semaphore_mem>>
      %dma_start3A_121 = arith.constant 0 : i32
      %dma_start3A_122 = tpu.memref_slice %arg4[%add3A_29, %dma_start3A_121] : memref<20480x768xf32, #tpu.memory_space<hbm>> -> memref<64x768xf32, #tpu.memory_space<hbm>>
      %dma_start3A_123 = arith.constant 0 : i32
      %dma_start3A_124 = tpu.memref_slice %arg4[%add3A_29, %dma_start3A_123] : memref<20480x768xf32, #tpu.memory_space<hbm>> -> memref<64x768xf32, #tpu.memory_space<hbm>>
      tpu.enqueue_dma source(%arg7 : memref<64x768xf32, #tpu.memory_space<vmem>>) target(%dma_start3A_124 : memref<64x768xf32, #tpu.memory_space<hbm>>) target_semaphore(%run_scoped3A : memref<!tpu.dma_semaphore, #tpu.memory_space<semaphore_mem>>)
      %dma_wait3A_125 = arith.constant 0 : i32
      %dma_wait3A_126 = tpu.memref_slice %arg4[%add3A_29, %dma_wait3A_125] : memref<20480x768xf32, #tpu.memory_space<hbm>> -> memref<64x768xf32, #tpu.memory_space<hbm>>
      %dma_wait3A_127 = arith.constant 0 : i32
      %dma_wait3A_128 = tpu.memref_slice %arg4[%add3A_29, %dma_wait3A_127] : memref<20480x768xf32, #tpu.memory_space<hbm>> -> memref<64x768xf32, #tpu.memory_space<hbm>>
      tpu.wait_dma2 semaphore(%run_scoped3A : memref<!tpu.dma_semaphore, #tpu.memory_space<semaphore_mem>>) src(%arg7 : memref<64x768xf32, #tpu.memory_space<vmem>>) dst(%dma_wait3A_128 : memref<64x768xf32, #tpu.memory_space<hbm>>)
      tpu.yield
    }) : () -> ()
    %dma_start3A_30 = arith.constant 192 : i32
    %dma_start3A_31 = tpu.memref_slice %arg5[%dma_start3A_30] : memref<640xi32, #tpu.memory_space<vmem>> -> memref<64xi32, #tpu.memory_space<vmem>>
    %dma_start3A_32 = arith.constant 0 : i32
    %dma_start3A_33 = arith.constant 0 : i32
    %dma_start3A_34 = tpu.memref_slice %arg2[%dma_start3A_32, %dma_start3A_33] : memref<2048x768xf32, #tpu.memory_space<hbm>> -> memref<2048x768xf32, #tpu.memory_space<hbm>>
    tpu.enqueue_indirect_dma source(%dma_start3A_34 : memref<2048x768xf32, #tpu.memory_space<hbm>>) target(%arg7 : memref<64x768xf32, #tpu.memory_space<vmem>>) offsets(%dma_start3A_31 : memref<64xi32, #tpu.memory_space<vmem>>) semaphore(%arg9 : memref<!tpu.dma_semaphore, #tpu.memory_space<semaphore_mem>>)
    %dma_wait3A_35 = arith.constant 128 : i32
    %dma_wait3A_36 = tpu.memref_slice %arg5[%dma_wait3A_35] : memref<640xi32, #tpu.memory_space<vmem>> -> memref<64xi32, #tpu.memory_space<vmem>>
    %dma_wait3A_37 = arith.constant 0 : i32
    %dma_wait3A_38 = arith.constant 0 : i32
    %dma_wait3A_39 = tpu.memref_slice %arg2[%dma_wait3A_37, %dma_wait3A_38] : memref<2048x768xf32, #tpu.memory_space<hbm>> -> memref<2048x768xf32, #tpu.memory_space<hbm>>
    tpu.wait_indirect_dma semaphore(%arg8 : memref<!tpu.dma_semaphore, #tpu.memory_space<semaphore_mem>>) src(%dma_wait3A_39 : memref<2048x768xf32, #tpu.memory_space<hbm>>) dst(%arg6 : memref<64x768xf32, #tpu.memory_space<vmem>>)
    %add3A_40 = arith.constant 128 : i32
    %add3A_41 = arith.addi %mul3A_2, %add3A_40 : i32
    "tpu.region"() ({
      %run_scoped3A = tpu.sem_alloc : memref<!tpu.dma_semaphore, #tpu.memory_space<semaphore_mem>>
      %dma_start3A_121 = arith.constant 0 : i32
      %dma_start3A_122 = tpu.memref_slice %arg4[%add3A_41, %dma_start3A_121] : memref<20480x768xf32, #tpu.memory_space<hbm>> -> memref<64x768xf32, #tpu.memory_space<hbm>>
      %dma_start3A_123 = arith.constant 0 : i32
      %dma_start3A_124 = tpu.memref_slice %arg4[%add3A_41, %dma_start3A_123] : memref<20480x768xf32, #tpu.memory_space<hbm>> -> memref<64x768xf32, #tpu.memory_space<hbm>>
      tpu.enqueue_dma source(%arg6 : memref<64x768xf32, #tpu.memory_space<vmem>>) target(%dma_start3A_124 : memref<64x768xf32, #tpu.memory_space<hbm>>) target_semaphore(%run_scoped3A : memref<!tpu.dma_semaphore, #tpu.memory_space<semaphore_mem>>)
      %dma_wait3A_125 = arith.constant 0 : i32
      %dma_wait3A_126 = tpu.memref_slice %arg4[%add3A_41, %dma_wait3A_125] : memref<20480x768xf32, #tpu.memory_space<hbm>> -> memref<64x768xf32, #tpu.memory_space<hbm>>
      %dma_wait3A_127 = arith.constant 0 : i32
      %dma_wait3A_128 = tpu.memref_slice %arg4[%add3A_41, %dma_wait3A_127] : memref<20480x768xf32, #tpu.memory_space<hbm>> -> memref<64x768xf32, #tpu.memory_space<hbm>>
      tpu.wait_dma2 semaphore(%run_scoped3A : memref<!tpu.dma_semaphore, #tpu.memory_space<semaphore_mem>>) src(%arg6 : memref<64x768xf32, #tpu.memory_space<vmem>>) dst(%dma_wait3A_128 : memref<64x768xf32, #tpu.memory_space<hbm>>)
      tpu.yield
    }) : () -> ()
    %dma_start3A_42 = arith.constant 256 : i32
    %dma_start3A_43 = tpu.memref_slice %arg5[%dma_start3A_42] : memref<640xi32, #tpu.memory_space<vmem>> -> memref<64xi32, #tpu.memory_space<vmem>>
    %dma_start3A_44 = arith.constant 0 : i32
    %dma_start3A_45 = arith.constant 0 : i32
    %dma_start3A_46 = tpu.memref_slice %arg2[%dma_start3A_44, %dma_start3A_45] : memref<2048x768xf32, #tpu.memory_space<hbm>> -> memref<2048x768xf32, #tpu.memory_space<hbm>>
    tpu.enqueue_indirect_dma source(%dma_start3A_46 : memref<2048x768xf32, #tpu.memory_space<hbm>>) target(%arg6 : memref<64x768xf32, #tpu.memory_space<vmem>>) offsets(%dma_start3A_43 : memref<64xi32, #tpu.memory_space<vmem>>) semaphore(%arg8 : memref<!tpu.dma_semaphore, #tpu.memory_space<semaphore_mem>>)
    %dma_wait3A_47 = arith.constant 192 : i32
    %dma_wait3A_48 = tpu.memref_slice %arg5[%dma_wait3A_47] : memref<640xi32, #tpu.memory_space<vmem>> -> memref<64xi32, #tpu.memory_space<vmem>>
    %dma_wait3A_49 = arith.constant 0 : i32
    %dma_wait3A_50 = arith.constant 0 : i32
    %dma_wait3A_51 = tpu.memref_slice %arg2[%dma_wait3A_49, %dma_wait3A_50] : memref<2048x768xf32, #tpu.memory_space<hbm>> -> memref<2048x768xf32, #tpu.memory_space<hbm>>
    tpu.wait_indirect_dma semaphore(%arg9 : memref<!tpu.dma_semaphore, #tpu.memory_space<semaphore_mem>>) src(%dma_wait3A_51 : memref<2048x768xf32, #tpu.memory_space<hbm>>) dst(%arg7 : memref<64x768xf32, #tpu.memory_space<vmem>>)
    %add3A_52 = arith.constant 192 : i32
    %add3A_53 = arith.addi %mul3A_2, %add3A_52 : i32
    "tpu.region"() ({
      %run_scoped3A = tpu.sem_alloc : memref<!tpu.dma_semaphore, #tpu.memory_space<semaphore_mem>>
      %dma_start3A_121 = arith.constant 0 : i32
      %dma_start3A_122 = tpu.memref_slice %arg4[%add3A_53, %dma_start3A_121] : memref<20480x768xf32, #tpu.memory_space<hbm>> -> memref<64x768xf32, #tpu.memory_space<hbm>>
      %dma_start3A_123 = arith.constant 0 : i32
      %dma_start3A_124 = tpu.memref_slice %arg4[%add3A_53, %dma_start3A_123] : memref<20480x768xf32, #tpu.memory_space<hbm>> -> memref<64x768xf32, #tpu.memory_space<hbm>>
      tpu.enqueue_dma source(%arg7 : memref<64x768xf32, #tpu.memory_space<vmem>>) target(%dma_start3A_124 : memref<64x768xf32, #tpu.memory_space<hbm>>) target_semaphore(%run_scoped3A : memref<!tpu.dma_semaphore, #tpu.memory_space<semaphore_mem>>)
      %dma_wait3A_125 = arith.constant 0 : i32
      %dma_wait3A_126 = tpu.memref_slice %arg4[%add3A_53, %dma_wait3A_125] : memref<20480x768xf32, #tpu.memory_space<hbm>> -> memref<64x768xf32, #tpu.memory_space<hbm>>
      %dma_wait3A_127 = arith.constant 0 : i32
      %dma_wait3A_128 = tpu.memref_slice %arg4[%add3A_53, %dma_wait3A_127] : memref<20480x768xf32, #tpu.memory_space<hbm>> -> memref<64x768xf32, #tpu.memory_space<hbm>>
      tpu.wait_dma2 semaphore(%run_scoped3A : memref<!tpu.dma_semaphore, #tpu.memory_space<semaphore_mem>>) src(%arg7 : memref<64x768xf32, #tpu.memory_space<vmem>>) dst(%dma_wait3A_128 : memref<64x768xf32, #tpu.memory_space<hbm>>)
      tpu.yield
    }) : () -> ()
    %dma_start3A_54 = arith.constant 320 : i32
    %dma_start3A_55 = tpu.memref_slice %arg5[%dma_start3A_54] : memref<640xi32, #tpu.memory_space<vmem>> -> memref<64xi32, #tpu.memory_space<vmem>>
    %dma_start3A_56 = arith.constant 0 : i32
    %dma_start3A_57 = arith.constant 0 : i32
    %dma_start3A_58 = tpu.memref_slice %arg2[%dma_start3A_56, %dma_start3A_57] : memref<2048x768xf32, #tpu.memory_space<hbm>> -> memref<2048x768xf32, #tpu.memory_space<hbm>>
    tpu.enqueue_indirect_dma source(%dma_start3A_58 : memref<2048x768xf32, #tpu.memory_space<hbm>>) target(%arg7 : memref<64x768xf32, #tpu.memory_space<vmem>>) offsets(%dma_start3A_55 : memref<64xi32, #tpu.memory_space<vmem>>) semaphore(%arg9 : memref<!tpu.dma_semaphore, #tpu.memory_space<semaphore_mem>>)
    %dma_wait3A_59 = arith.constant 256 : i32
    %dma_wait3A_60 = tpu.memref_slice %arg5[%dma_wait3A_59] : memref<640xi32, #tpu.memory_space<vmem>> -> memref<64xi32, #tpu.memory_space<vmem>>
    %dma_wait3A_61 = arith.constant 0 : i32
    %dma_wait3A_62 = arith.constant 0 : i32
    %dma_wait3A_63 = tpu.memref_slice %arg2[%dma_wait3A_61, %dma_wait3A_62] : memref<2048x768xf32, #tpu.memory_space<hbm>> -> memref<2048x768xf32, #tpu.memory_space<hbm>>
    tpu.wait_indirect_dma semaphore(%arg8 : memref<!tpu.dma_semaphore, #tpu.memory_space<semaphore_mem>>) src(%dma_wait3A_63 : memref<2048x768xf32, #tpu.memory_space<hbm>>) dst(%arg6 : memref<64x768xf32, #tpu.memory_space<vmem>>)
    %add3A_64 = arith.constant 256 : i32
    %add3A_65 = arith.addi %mul3A_2, %add3A_64 : i32
    "tpu.region"() ({
      %run_scoped3A = tpu.sem_alloc : memref<!tpu.dma_semaphore, #tpu.memory_space<semaphore_mem>>
      %dma_start3A_121 = arith.constant 0 : i32
      %dma_start3A_122 = tpu.memref_slice %arg4[%add3A_65, %dma_start3A_121] : memref<20480x768xf32, #tpu.memory_space<hbm>> -> memref<64x768xf32, #tpu.memory_space<hbm>>
      %dma_start3A_123 = arith.constant 0 : i32
      %dma_start3A_124 = tpu.memref_slice %arg4[%add3A_65, %dma_start3A_123] : memref<20480x768xf32, #tpu.memory_space<hbm>> -> memref<64x768xf32, #tpu.memory_space<hbm>>
      tpu.enqueue_dma source(%arg6 : memref<64x768xf32, #tpu.memory_space<vmem>>) target(%dma_start3A_124 : memref<64x768xf32, #tpu.memory_space<hbm>>) target_semaphore(%run_scoped3A : memref<!tpu.dma_semaphore, #tpu.memory_space<semaphore_mem>>)
      %dma_wait3A_125 = arith.constant 0 : i32
      %dma_wait3A_126 = tpu.memref_slice %arg4[%add3A_65, %dma_wait3A_125] : memref<20480x768xf32, #tpu.memory_space<hbm>> -> memref<64x768xf32, #tpu.memory_space<hbm>>
      %dma_wait3A_127 = arith.constant 0 : i32
      %dma_wait3A_128 = tpu.memref_slice %arg4[%add3A_65, %dma_wait3A_127] : memref<20480x768xf32, #tpu.memory_space<hbm>> -> memref<64x768xf32, #tpu.memory_space<hbm>>
      tpu.wait_dma2 semaphore(%run_scoped3A : memref<!tpu.dma_semaphore, #tpu.memory_space<semaphore_mem>>) src(%arg6 : memref<64x768xf32, #tpu.memory_space<vmem>>) dst(%dma_wait3A_128 : memref<64x768xf32, #tpu.memory_space<hbm>>)
      tpu.yield
    }) : () -> ()
    %dma_start3A_66 = arith.constant 384 : i32
    %dma_start3A_67 = tpu.memref_slice %arg5[%dma_start3A_66] : memref<640xi32, #tpu.memory_space<vmem>> -> memref<64xi32, #tpu.memory_space<vmem>>
    %dma_start3A_68 = arith.constant 0 : i32
    %dma_start3A_69 = arith.constant 0 : i32
    %dma_start3A_70 = tpu.memref_slice %arg2[%dma_start3A_68, %dma_start3A_69] : memref<2048x768xf32, #tpu.memory_space<hbm>> -> memref<2048x768xf32, #tpu.memory_space<hbm>>
    tpu.enqueue_indirect_dma source(%dma_start3A_70 : memref<2048x768xf32, #tpu.memory_space<hbm>>) target(%arg6 : memref<64x768xf32, #tpu.memory_space<vmem>>) offsets(%dma_start3A_67 : memref<64xi32, #tpu.memory_space<vmem>>) semaphore(%arg8 : memref<!tpu.dma_semaphore, #tpu.memory_space<semaphore_mem>>)
    %dma_wait3A_71 = arith.constant 320 : i32
    %dma_wait3A_72 = tpu.memref_slice %arg5[%dma_wait3A_71] : memref<640xi32, #tpu.memory_space<vmem>> -> memref<64xi32, #tpu.memory_space<vmem>>
    %dma_wait3A_73 = arith.constant 0 : i32
    %dma_wait3A_74 = arith.constant 0 : i32
    %dma_wait3A_75 = tpu.memref_slice %arg2[%dma_wait3A_73, %dma_wait3A_74] : memref<2048x768xf32, #tpu.memory_space<hbm>> -> memref<2048x768xf32, #tpu.memory_space<hbm>>
    tpu.wait_indirect_dma semaphore(%arg9 : memref<!tpu.dma_semaphore, #tpu.memory_space<semaphore_mem>>) src(%dma_wait3A_75 : memref<2048x768xf32, #tpu.memory_space<hbm>>) dst(%arg7 : memref<64x768xf32, #tpu.memory_space<vmem>>)
    %add3A_76 = arith.constant 320 : i32
    %add3A_77 = arith.addi %mul3A_2, %add3A_76 : i32
    "tpu.region"() ({
      %run_scoped3A = tpu.sem_alloc : memref<!tpu.dma_semaphore, #tpu.memory_space<semaphore_mem>>
      %dma_start3A_121 = arith.constant 0 : i32
      %dma_start3A_122 = tpu.memref_slice %arg4[%add3A_77, %dma_start3A_121] : memref<20480x768xf32, #tpu.memory_space<hbm>> -> memref<64x768xf32, #tpu.memory_space<hbm>>
      %dma_start3A_123 = arith.constant 0 : i32
      %dma_start3A_124 = tpu.memref_slice %arg4[%add3A_77, %dma_start3A_123] : memref<20480x768xf32, #tpu.memory_space<hbm>> -> memref<64x768xf32, #tpu.memory_space<hbm>>
      tpu.enqueue_dma source(%arg7 : memref<64x768xf32, #tpu.memory_space<vmem>>) target(%dma_start3A_124 : memref<64x768xf32, #tpu.memory_space<hbm>>) target_semaphore(%run_scoped3A : memref<!tpu.dma_semaphore, #tpu.memory_space<semaphore_mem>>)
      %dma_wait3A_125 = arith.constant 0 : i32
      %dma_wait3A_126 = tpu.memref_slice %arg4[%add3A_77, %dma_wait3A_125] : memref<20480x768xf32, #tpu.memory_space<hbm>> -> memref<64x768xf32, #tpu.memory_space<hbm>>
      %dma_wait3A_127 = arith.constant 0 : i32
      %dma_wait3A_128 = tpu.memref_slice %arg4[%add3A_77, %dma_wait3A_127] : memref<20480x768xf32, #tpu.memory_space<hbm>> -> memref<64x768xf32, #tpu.memory_space<hbm>>
      tpu.wait_dma2 semaphore(%run_scoped3A : memref<!tpu.dma_semaphore, #tpu.memory_space<semaphore_mem>>) src(%arg7 : memref<64x768xf32, #tpu.memory_space<vmem>>) dst(%dma_wait3A_128 : memref<64x768xf32, #tpu.memory_space<hbm>>)
      tpu.yield
    }) : () -> ()
    %dma_start3A_78 = arith.constant 448 : i32
    %dma_start3A_79 = tpu.memref_slice %arg5[%dma_start3A_78] : memref<640xi32, #tpu.memory_space<vmem>> -> memref<64xi32, #tpu.memory_space<vmem>>
    %dma_start3A_80 = arith.constant 0 : i32
    %dma_start3A_81 = arith.constant 0 : i32
    %dma_start3A_82 = tpu.memref_slice %arg2[%dma_start3A_80, %dma_start3A_81] : memref<2048x768xf32, #tpu.memory_space<hbm>> -> memref<2048x768xf32, #tpu.memory_space<hbm>>
    tpu.enqueue_indirect_dma source(%dma_start3A_82 : memref<2048x768xf32, #tpu.memory_space<hbm>>) target(%arg7 : memref<64x768xf32, #tpu.memory_space<vmem>>) offsets(%dma_start3A_79 : memref<64xi32, #tpu.memory_space<vmem>>) semaphore(%arg9 : memref<!tpu.dma_semaphore, #tpu.memory_space<semaphore_mem>>)
    %dma_wait3A_83 = arith.constant 384 : i32
    %dma_wait3A_84 = tpu.memref_slice %arg5[%dma_wait3A_83] : memref<640xi32, #tpu.memory_space<vmem>> -> memref<64xi32, #tpu.memory_space<vmem>>
    %dma_wait3A_85 = arith.constant 0 : i32
    %dma_wait3A_86 = arith.constant 0 : i32
    %dma_wait3A_87 = tpu.memref_slice %arg2[%dma_wait3A_85, %dma_wait3A_86] : memref<2048x768xf32, #tpu.memory_space<hbm>> -> memref<2048x768xf32, #tpu.memory_space<hbm>>
    tpu.wait_indirect_dma semaphore(%arg8 : memref<!tpu.dma_semaphore, #tpu.memory_space<semaphore_mem>>) src(%dma_wait3A_87 : memref<2048x768xf32, #tpu.memory_space<hbm>>) dst(%arg6 : memref<64x768xf32, #tpu.memory_space<vmem>>)
    %add3A_88 = arith.constant 384 : i32
    %add3A_89 = arith.addi %mul3A_2, %add3A_88 : i32
    "tpu.region"() ({
      %run_scoped3A = tpu.sem_alloc : memref<!tpu.dma_semaphore, #tpu.memory_space<semaphore_mem>>
      %dma_start3A_121 = arith.constant 0 : i32
      %dma_start3A_122 = tpu.memref_slice %arg4[%add3A_89, %dma_start3A_121] : memref<20480x768xf32, #tpu.memory_space<hbm>> -> memref<64x768xf32, #tpu.memory_space<hbm>>
      %dma_start3A_123 = arith.constant 0 : i32
      %dma_start3A_124 = tpu.memref_slice %arg4[%add3A_89, %dma_start3A_123] : memref<20480x768xf32, #tpu.memory_space<hbm>> -> memref<64x768xf32, #tpu.memory_space<hbm>>
      tpu.enqueue_dma source(%arg6 : memref<64x768xf32, #tpu.memory_space<vmem>>) target(%dma_start3A_124 : memref<64x768xf32, #tpu.memory_space<hbm>>) target_semaphore(%run_scoped3A : memref<!tpu.dma_semaphore, #tpu.memory_space<semaphore_mem>>)
      %dma_wait3A_125 = arith.constant 0 : i32
      %dma_wait3A_126 = tpu.memref_slice %arg4[%add3A_89, %dma_wait3A_125] : memref<20480x768xf32, #tpu.memory_space<hbm>> -> memref<64x768xf32, #tpu.memory_space<hbm>>
      %dma_wait3A_127 = arith.constant 0 : i32
      %dma_wait3A_128 = tpu.memref_slice %arg4[%add3A_89, %dma_wait3A_127] : memref<20480x768xf32, #tpu.memory_space<hbm>> -> memref<64x768xf32, #tpu.memory_space<hbm>>
      tpu.wait_dma2 semaphore(%run_scoped3A : memref<!tpu.dma_semaphore, #tpu.memory_space<semaphore_mem>>) src(%arg6 : memref<64x768xf32, #tpu.memory_space<vmem>>) dst(%dma_wait3A_128 : memref<64x768xf32, #tpu.memory_space<hbm>>)
      tpu.yield
    }) : () -> ()
    %dma_start3A_90 = arith.constant 512 : i32
    %dma_start3A_91 = tpu.memref_slice %arg5[%dma_start3A_90] : memref<640xi32, #tpu.memory_space<vmem>> -> memref<64xi32, #tpu.memory_space<vmem>>
    %dma_start3A_92 = arith.constant 0 : i32
    %dma_start3A_93 = arith.constant 0 : i32
    %dma_start3A_94 = tpu.memref_slice %arg2[%dma_start3A_92, %dma_start3A_93] : memref<2048x768xf32, #tpu.memory_space<hbm>> -> memref<2048x768xf32, #tpu.memory_space<hbm>>
    tpu.enqueue_indirect_dma source(%dma_start3A_94 : memref<2048x768xf32, #tpu.memory_space<hbm>>) target(%arg6 : memref<64x768xf32, #tpu.memory_space<vmem>>) offsets(%dma_start3A_91 : memref<64xi32, #tpu.memory_space<vmem>>) semaphore(%arg8 : memref<!tpu.dma_semaphore, #tpu.memory_space<semaphore_mem>>)
    %dma_wait3A_95 = arith.constant 448 : i32
    %dma_wait3A_96 = tpu.memref_slice %arg5[%dma_wait3A_95] : memref<640xi32, #tpu.memory_space<vmem>> -> memref<64xi32, #tpu.memory_space<vmem>>
    %dma_wait3A_97 = arith.constant 0 : i32
    %dma_wait3A_98 = arith.constant 0 : i32
    %dma_wait3A_99 = tpu.memref_slice %arg2[%dma_wait3A_97, %dma_wait3A_98] : memref<2048x768xf32, #tpu.memory_space<hbm>> -> memref<2048x768xf32, #tpu.memory_space<hbm>>
    tpu.wait_indirect_dma semaphore(%arg9 : memref<!tpu.dma_semaphore, #tpu.memory_space<semaphore_mem>>) src(%dma_wait3A_99 : memref<2048x768xf32, #tpu.memory_space<hbm>>) dst(%arg7 : memref<64x768xf32, #tpu.memory_space<vmem>>)
    %add3A_100 = arith.constant 448 : i32
    %add3A_101 = arith.addi %mul3A_2, %add3A_100 : i32
    "tpu.region"() ({
      %run_scoped3A = tpu.sem_alloc : memref<!tpu.dma_semaphore, #tpu.memory_space<semaphore_mem>>
      %dma_start3A_121 = arith.constant 0 : i32
      %dma_start3A_122 = tpu.memref_slice %arg4[%add3A_101, %dma_start3A_121] : memref<20480x768xf32, #tpu.memory_space<hbm>> -> memref<64x768xf32, #tpu.memory_space<hbm>>
      %dma_start3A_123 = arith.constant 0 : i32
      %dma_start3A_124 = tpu.memref_slice %arg4[%add3A_101, %dma_start3A_123] : memref<20480x768xf32, #tpu.memory_space<hbm>> -> memref<64x768xf32, #tpu.memory_space<hbm>>
      tpu.enqueue_dma source(%arg7 : memref<64x768xf32, #tpu.memory_space<vmem>>) target(%dma_start3A_124 : memref<64x768xf32, #tpu.memory_space<hbm>>) target_semaphore(%run_scoped3A : memref<!tpu.dma_semaphore, #tpu.memory_space<semaphore_mem>>)
      %dma_wait3A_125 = arith.constant 0 : i32
      %dma_wait3A_126 = tpu.memref_slice %arg4[%add3A_101, %dma_wait3A_125] : memref<20480x768xf32, #tpu.memory_space<hbm>> -> memref<64x768xf32, #tpu.memory_space<hbm>>
      %dma_wait3A_127 = arith.constant 0 : i32
      %dma_wait3A_128 = tpu.memref_slice %arg4[%add3A_101, %dma_wait3A_127] : memref<20480x768xf32, #tpu.memory_space<hbm>> -> memref<64x768xf32, #tpu.memory_space<hbm>>
      tpu.wait_dma2 semaphore(%run_scoped3A : memref<!tpu.dma_semaphore, #tpu.memory_space<semaphore_mem>>) src(%arg7 : memref<64x768xf32, #tpu.memory_space<vmem>>) dst(%dma_wait3A_128 : memref<64x768xf32, #tpu.memory_space<hbm>>)
      tpu.yield
    }) : () -> ()
    %dma_start3A_102 = arith.constant 576 : i32
    %dma_start3A_103 = tpu.memref_slice %arg5[%dma_start3A_102] : memref<640xi32, #tpu.memory_space<vmem>> -> memref<64xi32, #tpu.memory_space<vmem>>
    %dma_start3A_104 = arith.constant 0 : i32
    %dma_start3A_105 = arith.constant 0 : i32
    %dma_start3A_106 = tpu.memref_slice %arg2[%dma_start3A_104, %dma_start3A_105] : memref<2048x768xf32, #tpu.memory_space<hbm>> -> memref<2048x768xf32, #tpu.memory_space<hbm>>
    tpu.enqueue_indirect_dma source(%dma_start3A_106 : memref<2048x768xf32, #tpu.memory_space<hbm>>) target(%arg7 : memref<64x768xf32, #tpu.memory_space<vmem>>) offsets(%dma_start3A_103 : memref<64xi32, #tpu.memory_space<vmem>>) semaphore(%arg9 : memref<!tpu.dma_semaphore, #tpu.memory_space<semaphore_mem>>)
    %dma_wait3A_107 = arith.constant 512 : i32
    %dma_wait3A_108 = tpu.memref_slice %arg5[%dma_wait3A_107] : memref<640xi32, #tpu.memory_space<vmem>> -> memref<64xi32, #tpu.memory_space<vmem>>
    %dma_wait3A_109 = arith.constant 0 : i32
    %dma_wait3A_110 = arith.constant 0 : i32
    %dma_wait3A_111 = tpu.memref_slice %arg2[%dma_wait3A_109, %dma_wait3A_110] : memref<2048x768xf32, #tpu.memory_space<hbm>> -> memref<2048x768xf32, #tpu.memory_space<hbm>>
    tpu.wait_indirect_dma semaphore(%arg8 : memref<!tpu.dma_semaphore, #tpu.memory_space<semaphore_mem>>) src(%dma_wait3A_111 : memref<2048x768xf32, #tpu.memory_space<hbm>>) dst(%arg6 : memref<64x768xf32, #tpu.memory_space<vmem>>)
    %add3A_112 = arith.constant 512 : i32
    %add3A_113 = arith.addi %mul3A_2, %add3A_112 : i32
    "tpu.region"() ({
      %run_scoped3A = tpu.sem_alloc : memref<!tpu.dma_semaphore, #tpu.memory_space<semaphore_mem>>
      %dma_start3A_121 = arith.constant 0 : i32
      %dma_start3A_122 = tpu.memref_slice %arg4[%add3A_113, %dma_start3A_121] : memref<20480x768xf32, #tpu.memory_space<hbm>> -> memref<64x768xf32, #tpu.memory_space<hbm>>
      %dma_start3A_123 = arith.constant 0 : i32
      %dma_start3A_124 = tpu.memref_slice %arg4[%add3A_113, %dma_start3A_123] : memref<20480x768xf32, #tpu.memory_space<hbm>> -> memref<64x768xf32, #tpu.memory_space<hbm>>
      tpu.enqueue_dma source(%arg6 : memref<64x768xf32, #tpu.memory_space<vmem>>) target(%dma_start3A_124 : memref<64x768xf32, #tpu.memory_space<hbm>>) target_semaphore(%run_scoped3A : memref<!tpu.dma_semaphore, #tpu.memory_space<semaphore_mem>>)
      %dma_wait3A_125 = arith.constant 0 : i32
      %dma_wait3A_126 = tpu.memref_slice %arg4[%add3A_113, %dma_wait3A_125] : memref<20480x768xf32, #tpu.memory_space<hbm>> -> memref<64x768xf32, #tpu.memory_space<hbm>>
      %dma_wait3A_127 = arith.constant 0 : i32
      %dma_wait3A_128 = tpu.memref_slice %arg4[%add3A_113, %dma_wait3A_127] : memref<20480x768xf32, #tpu.memory_space<hbm>> -> memref<64x768xf32, #tpu.memory_space<hbm>>
      tpu.wait_dma2 semaphore(%run_scoped3A : memref<!tpu.dma_semaphore, #tpu.memory_space<semaphore_mem>>) src(%arg6 : memref<64x768xf32, #tpu.memory_space<vmem>>) dst(%dma_wait3A_128 : memref<64x768xf32, #tpu.memory_space<hbm>>)
      tpu.yield
    }) : () -> ()
    %dma_wait3A_114 = arith.constant 576 : i32
    %dma_wait3A_115 = tpu.memref_slice %arg5[%dma_wait3A_114] : memref<640xi32, #tpu.memory_space<vmem>> -> memref<64xi32, #tpu.memory_space<vmem>>
    %dma_wait3A_116 = arith.constant 0 : i32
    %dma_wait3A_117 = arith.constant 0 : i32
    %dma_wait3A_118 = tpu.memref_slice %arg2[%dma_wait3A_116, %dma_wait3A_117] : memref<2048x768xf32, #tpu.memory_space<hbm>> -> memref<2048x768xf32, #tpu.memory_space<hbm>>
    tpu.wait_indirect_dma semaphore(%arg9 : memref<!tpu.dma_semaphore, #tpu.memory_space<semaphore_mem>>) src(%dma_wait3A_118 : memref<2048x768xf32, #tpu.memory_space<hbm>>) dst(%arg7 : memref<64x768xf32, #tpu.memory_space<vmem>>)
    %add3A_119 = arith.constant 576 : i32
    %add3A_120 = arith.addi %mul3A_2, %add3A_119 : i32
    "tpu.region"() ({
      %run_scoped3A = tpu.sem_alloc : memref<!tpu.dma_semaphore, #tpu.memory_space<semaphore_mem>>
      %dma_start3A_121 = arith.constant 0 : i32
      %dma_start3A_122 = tpu.memref_slice %arg4[%add3A_120, %dma_start3A_121] : memref<20480x768xf32, #tpu.memory_space<hbm>> -> memref<64x768xf32, #tpu.memory_space<hbm>>
      %dma_start3A_123 = arith.constant 0 : i32
      %dma_start3A_124 = tpu.memref_slice %arg4[%add3A_120, %dma_start3A_123] : memref<20480x768xf32, #tpu.memory_space<hbm>> -> memref<64x768xf32, #tpu.memory_space<hbm>>
      tpu.enqueue_dma source(%arg7 : memref<64x768xf32, #tpu.memory_space<vmem>>) target(%dma_start3A_124 : memref<64x768xf32, #tpu.memory_space<hbm>>) target_semaphore(%run_scoped3A : memref<!tpu.dma_semaphore, #tpu.memory_space<semaphore_mem>>)
      %dma_wait3A_125 = arith.constant 0 : i32
      %dma_wait3A_126 = tpu.memref_slice %arg4[%add3A_120, %dma_wait3A_125] : memref<20480x768xf32, #tpu.memory_space<hbm>> -> memref<64x768xf32, #tpu.memory_space<hbm>>
      %dma_wait3A_127 = arith.constant 0 : i32
      %dma_wait3A_128 = tpu.memref_slice %arg4[%add3A_120, %dma_wait3A_127] : memref<20480x768xf32, #tpu.memory_space<hbm>> -> memref<64x768xf32, #tpu.memory_space<hbm>>
      tpu.wait_dma2 semaphore(%run_scoped3A : memref<!tpu.dma_semaphore, #tpu.memory_space<semaphore_mem>>) src(%arg7 : memref<64x768xf32, #tpu.memory_space<vmem>>) dst(%dma_wait3A_128 : memref<64x768xf32, #tpu.memory_space<hbm>>)
      tpu.yield
    }) : () -> ()
    return
  }
}

module attributes {stable_mosaic.version = 14 : i64} {
  func.func @_topk_body(%arg0: i32, %arg1: memref<128x768xf32, #tpu.memory_space<vmem>>, %arg2: memref<64x768xf32, #tpu.memory_space<vmem>>, %arg3: memref<10x128xi32, #tpu.memory_space<vmem>>) attributes {dimension_semantics = [#tpu.dimension_semantics<arbitrary>], iteration_bounds = array<i64: 16>, scalar_prefetch = 0 : i64, scratch_operands = 0 : i64, tpu.core_type = #tpu.core_type<tc>, window_params = [{transform_indices = @transform_0, window_bounds = array<i64: 128, 768>}, {pipeline_mode = #tpu.pipeline_mode<synchronous>, transform_indices = @transform_1, window_bounds = array<i64: 64, 768>}, {transform_indices = @transform_2, window_bounds = array<i64: 10, 128>}]} {
    %get3A = arith.constant 0 : index
    %get3A_0 = arith.constant 0 : index
    %get3A_1 = vector.load %arg1[%get3A, %get3A_0] : memref<128x768xf32, #tpu.memory_space<vmem>>, vector<128x768xf32>
    %get3A_2 = arith.constant 0 : index
    %get3A_3 = arith.constant 0 : index
    %get3A_4 = vector.load %arg2[%get3A_2, %get3A_3] : memref<64x768xf32, #tpu.memory_space<vmem>>, vector<64x768xf32>
    %dot_general3A = arith.constant dense<0.000000e+00> : vector<64x128xf32>
    %dot_general3A_5 = tpu.matmul %get3A_4, %get3A_1, %dot_general3A {dimension_numbers = #tpu.dot_dimension_numbers<[1], [1], [0], [0], [0, 0, 1, 0], [], []>, precision = #tpu.contract_precision<fp32>, transpose_lhs_hint = false} : vector<64x768xf32>, vector<128x768xf32>, vector<64x128xf32> -> vector<64x128xf32>
    %mul3A = arith.mulf %get3A_4, %get3A_4 : vector<64x768xf32>
    %reduce_sum3A = arith.constant dense<0.000000e+00> : vector<64xf32>
    %reduce_sum3A_6 = vector.multi_reduction <add>, %mul3A, %reduce_sum3A [1] : vector<64x768xf32> to vector<64xf32>
    %broadcast_in_dim3A = vector.shape_cast %reduce_sum3A_6 : vector<64xf32> to vector<64x1xf32>
    %mul3A_7 = arith.constant 2.000000e+00 : f32
    %mul3A_8 = vector.broadcast %mul3A_7 : f32 to vector<64x128xf32>
    %mul3A_9 = arith.mulf %mul3A_8, %dot_general3A_5 : vector<64x128xf32>
    %sub3A = vector.broadcast %broadcast_in_dim3A : vector<64x1xf32> to vector<64x128xf32>
    %sub3A_10 = arith.subf %sub3A, %mul3A_9 : vector<64x128xf32>
    %iota3A = tpu.iota {dimensions = array<i32: 0>} : vector<64x128xi32>
    %reduce_min3A = arith.constant dense<0x7F800000> : vector<128xf32>
    %reduce_min3A_11 = vector.multi_reduction <minimumf>, %sub3A_10, %reduce_min3A [0] : vector<64x128xf32> to vector<128xf32>
    %broadcast_in_dim3A_12 = vector.shape_cast %reduce_min3A_11 : vector<128xf32> to vector<1x128xf32>
    %eq3A = vector.broadcast %broadcast_in_dim3A_12 : vector<1x128xf32> to vector<64x128xf32>
    %eq3A_13 = arith.cmpf oeq, %sub3A_10, %eq3A : vector<64x128xf32>
    %jit3A = arith.constant 64 : i32
    %broadcast_in_dim3A_14 = vector.broadcast %jit3A : i32 to vector<64x128xi32>
    %select_n3A = arith.select %eq3A_13, %iota3A, %broadcast_in_dim3A_14 : vector<64x128xi1>, vector<64x128xi32>
    %reduce_min3A_15 = arith.constant dense<2147483647> : vector<128xi32>
    %reduce_min3A_16 = vector.multi_reduction <minsi>, %select_n3A, %reduce_min3A_15 [0] : vector<64x128xi32> to vector<128xi32>
    %broadcast_in_dim3A_17 = vector.shape_cast %reduce_min3A_16 : vector<128xi32> to vector<1x128xi32>
    %eq3A_18 = vector.broadcast %broadcast_in_dim3A_17 : vector<1x128xi32> to vector<64x128xi32>
    %eq3A_19 = arith.cmpi eq, %iota3A, %eq3A_18 : vector<64x128xi32>
    %jit3A_20 = arith.constant 0x7F800000 : f32
    %broadcast_in_dim3A_21 = vector.broadcast %jit3A_20 : f32 to vector<64x128xf32>
    %select_n3A_22 = arith.select %eq3A_19, %broadcast_in_dim3A_21, %sub3A_10 : vector<64x128xi1>, vector<64x128xf32>
    %reduce_min3A_23 = arith.constant dense<0x7F800000> : vector<128xf32>
    %reduce_min3A_24 = vector.multi_reduction <minimumf>, %select_n3A_22, %reduce_min3A_23 [0] : vector<64x128xf32> to vector<128xf32>
    %broadcast_in_dim3A_25 = vector.shape_cast %reduce_min3A_24 : vector<128xf32> to vector<1x128xf32>
    %eq3A_26 = vector.broadcast %broadcast_in_dim3A_25 : vector<1x128xf32> to vector<64x128xf32>
    %eq3A_27 = arith.cmpf oeq, %select_n3A_22, %eq3A_26 : vector<64x128xf32>
    %jit3A_28 = arith.constant 64 : i32
    %broadcast_in_dim3A_29 = vector.broadcast %jit3A_28 : i32 to vector<64x128xi32>
    %select_n3A_30 = arith.select %eq3A_27, %iota3A, %broadcast_in_dim3A_29 : vector<64x128xi1>, vector<64x128xi32>
    %reduce_min3A_31 = arith.constant dense<2147483647> : vector<128xi32>
    %reduce_min3A_32 = vector.multi_reduction <minsi>, %select_n3A_30, %reduce_min3A_31 [0] : vector<64x128xi32> to vector<128xi32>
    %broadcast_in_dim3A_33 = vector.shape_cast %reduce_min3A_32 : vector<128xi32> to vector<1x128xi32>
    %eq3A_34 = vector.broadcast %broadcast_in_dim3A_33 : vector<1x128xi32> to vector<64x128xi32>
    %eq3A_35 = arith.cmpi eq, %iota3A, %eq3A_34 : vector<64x128xi32>
    %jit3A_36 = arith.constant 0x7F800000 : f32
    %broadcast_in_dim3A_37 = vector.broadcast %jit3A_36 : f32 to vector<64x128xf32>
    %select_n3A_38 = arith.select %eq3A_35, %broadcast_in_dim3A_37, %select_n3A_22 : vector<64x128xi1>, vector<64x128xf32>
    %reduce_min3A_39 = arith.constant dense<0x7F800000> : vector<128xf32>
    %reduce_min3A_40 = vector.multi_reduction <minimumf>, %select_n3A_38, %reduce_min3A_39 [0] : vector<64x128xf32> to vector<128xf32>
    %broadcast_in_dim3A_41 = vector.shape_cast %reduce_min3A_40 : vector<128xf32> to vector<1x128xf32>
    %eq3A_42 = vector.broadcast %broadcast_in_dim3A_41 : vector<1x128xf32> to vector<64x128xf32>
    %eq3A_43 = arith.cmpf oeq, %select_n3A_38, %eq3A_42 : vector<64x128xf32>
    %jit3A_44 = arith.constant 64 : i32
    %broadcast_in_dim3A_45 = vector.broadcast %jit3A_44 : i32 to vector<64x128xi32>
    %select_n3A_46 = arith.select %eq3A_43, %iota3A, %broadcast_in_dim3A_45 : vector<64x128xi1>, vector<64x128xi32>
    %reduce_min3A_47 = arith.constant dense<2147483647> : vector<128xi32>
    %reduce_min3A_48 = vector.multi_reduction <minsi>, %select_n3A_46, %reduce_min3A_47 [0] : vector<64x128xi32> to vector<128xi32>
    %broadcast_in_dim3A_49 = vector.shape_cast %reduce_min3A_48 : vector<128xi32> to vector<1x128xi32>
    %eq3A_50 = vector.broadcast %broadcast_in_dim3A_49 : vector<1x128xi32> to vector<64x128xi32>
    %eq3A_51 = arith.cmpi eq, %iota3A, %eq3A_50 : vector<64x128xi32>
    %jit3A_52 = arith.constant 0x7F800000 : f32
    %broadcast_in_dim3A_53 = vector.broadcast %jit3A_52 : f32 to vector<64x128xf32>
    %select_n3A_54 = arith.select %eq3A_51, %broadcast_in_dim3A_53, %select_n3A_38 : vector<64x128xi1>, vector<64x128xf32>
    %reduce_min3A_55 = arith.constant dense<0x7F800000> : vector<128xf32>
    %reduce_min3A_56 = vector.multi_reduction <minimumf>, %select_n3A_54, %reduce_min3A_55 [0] : vector<64x128xf32> to vector<128xf32>
    %broadcast_in_dim3A_57 = vector.shape_cast %reduce_min3A_56 : vector<128xf32> to vector<1x128xf32>
    %eq3A_58 = vector.broadcast %broadcast_in_dim3A_57 : vector<1x128xf32> to vector<64x128xf32>
    %eq3A_59 = arith.cmpf oeq, %select_n3A_54, %eq3A_58 : vector<64x128xf32>
    %jit3A_60 = arith.constant 64 : i32
    %broadcast_in_dim3A_61 = vector.broadcast %jit3A_60 : i32 to vector<64x128xi32>
    %select_n3A_62 = arith.select %eq3A_59, %iota3A, %broadcast_in_dim3A_61 : vector<64x128xi1>, vector<64x128xi32>
    %reduce_min3A_63 = arith.constant dense<2147483647> : vector<128xi32>
    %reduce_min3A_64 = vector.multi_reduction <minsi>, %select_n3A_62, %reduce_min3A_63 [0] : vector<64x128xi32> to vector<128xi32>
    %broadcast_in_dim3A_65 = vector.shape_cast %reduce_min3A_64 : vector<128xi32> to vector<1x128xi32>
    %eq3A_66 = vector.broadcast %broadcast_in_dim3A_65 : vector<1x128xi32> to vector<64x128xi32>
    %eq3A_67 = arith.cmpi eq, %iota3A, %eq3A_66 : vector<64x128xi32>
    %jit3A_68 = arith.constant 0x7F800000 : f32
    %broadcast_in_dim3A_69 = vector.broadcast %jit3A_68 : f32 to vector<64x128xf32>
    %select_n3A_70 = arith.select %eq3A_67, %broadcast_in_dim3A_69, %select_n3A_54 : vector<64x128xi1>, vector<64x128xf32>
    %reduce_min3A_71 = arith.constant dense<0x7F800000> : vector<128xf32>
    %reduce_min3A_72 = vector.multi_reduction <minimumf>, %select_n3A_70, %reduce_min3A_71 [0] : vector<64x128xf32> to vector<128xf32>
    %broadcast_in_dim3A_73 = vector.shape_cast %reduce_min3A_72 : vector<128xf32> to vector<1x128xf32>
    %eq3A_74 = vector.broadcast %broadcast_in_dim3A_73 : vector<1x128xf32> to vector<64x128xf32>
    %eq3A_75 = arith.cmpf oeq, %select_n3A_70, %eq3A_74 : vector<64x128xf32>
    %jit3A_76 = arith.constant 64 : i32
    %broadcast_in_dim3A_77 = vector.broadcast %jit3A_76 : i32 to vector<64x128xi32>
    %select_n3A_78 = arith.select %eq3A_75, %iota3A, %broadcast_in_dim3A_77 : vector<64x128xi1>, vector<64x128xi32>
    %reduce_min3A_79 = arith.constant dense<2147483647> : vector<128xi32>
    %reduce_min3A_80 = vector.multi_reduction <minsi>, %select_n3A_78, %reduce_min3A_79 [0] : vector<64x128xi32> to vector<128xi32>
    %broadcast_in_dim3A_81 = vector.shape_cast %reduce_min3A_80 : vector<128xi32> to vector<1x128xi32>
    %eq3A_82 = vector.broadcast %broadcast_in_dim3A_81 : vector<1x128xi32> to vector<64x128xi32>
    %eq3A_83 = arith.cmpi eq, %iota3A, %eq3A_82 : vector<64x128xi32>
    %jit3A_84 = arith.constant 0x7F800000 : f32
    %broadcast_in_dim3A_85 = vector.broadcast %jit3A_84 : f32 to vector<64x128xf32>
    %select_n3A_86 = arith.select %eq3A_83, %broadcast_in_dim3A_85, %select_n3A_70 : vector<64x128xi1>, vector<64x128xf32>
    %reduce_min3A_87 = arith.constant dense<0x7F800000> : vector<128xf32>
    %reduce_min3A_88 = vector.multi_reduction <minimumf>, %select_n3A_86, %reduce_min3A_87 [0] : vector<64x128xf32> to vector<128xf32>
    %broadcast_in_dim3A_89 = vector.shape_cast %reduce_min3A_88 : vector<128xf32> to vector<1x128xf32>
    %eq3A_90 = vector.broadcast %broadcast_in_dim3A_89 : vector<1x128xf32> to vector<64x128xf32>
    %eq3A_91 = arith.cmpf oeq, %select_n3A_86, %eq3A_90 : vector<64x128xf32>
    %jit3A_92 = arith.constant 64 : i32
    %broadcast_in_dim3A_93 = vector.broadcast %jit3A_92 : i32 to vector<64x128xi32>
    %select_n3A_94 = arith.select %eq3A_91, %iota3A, %broadcast_in_dim3A_93 : vector<64x128xi1>, vector<64x128xi32>
    %reduce_min3A_95 = arith.constant dense<2147483647> : vector<128xi32>
    %reduce_min3A_96 = vector.multi_reduction <minsi>, %select_n3A_94, %reduce_min3A_95 [0] : vector<64x128xi32> to vector<128xi32>
    %broadcast_in_dim3A_97 = vector.shape_cast %reduce_min3A_96 : vector<128xi32> to vector<1x128xi32>
    %eq3A_98 = vector.broadcast %broadcast_in_dim3A_97 : vector<1x128xi32> to vector<64x128xi32>
    %eq3A_99 = arith.cmpi eq, %iota3A, %eq3A_98 : vector<64x128xi32>
    %jit3A_100 = arith.constant 0x7F800000 : f32
    %broadcast_in_dim3A_101 = vector.broadcast %jit3A_100 : f32 to vector<64x128xf32>
    %select_n3A_102 = arith.select %eq3A_99, %broadcast_in_dim3A_101, %select_n3A_86 : vector<64x128xi1>, vector<64x128xf32>
    %reduce_min3A_103 = arith.constant dense<0x7F800000> : vector<128xf32>
    %reduce_min3A_104 = vector.multi_reduction <minimumf>, %select_n3A_102, %reduce_min3A_103 [0] : vector<64x128xf32> to vector<128xf32>
    %broadcast_in_dim3A_105 = vector.shape_cast %reduce_min3A_104 : vector<128xf32> to vector<1x128xf32>
    %eq3A_106 = vector.broadcast %broadcast_in_dim3A_105 : vector<1x128xf32> to vector<64x128xf32>
    %eq3A_107 = arith.cmpf oeq, %select_n3A_102, %eq3A_106 : vector<64x128xf32>
    %jit3A_108 = arith.constant 64 : i32
    %broadcast_in_dim3A_109 = vector.broadcast %jit3A_108 : i32 to vector<64x128xi32>
    %select_n3A_110 = arith.select %eq3A_107, %iota3A, %broadcast_in_dim3A_109 : vector<64x128xi1>, vector<64x128xi32>
    %reduce_min3A_111 = arith.constant dense<2147483647> : vector<128xi32>
    %reduce_min3A_112 = vector.multi_reduction <minsi>, %select_n3A_110, %reduce_min3A_111 [0] : vector<64x128xi32> to vector<128xi32>
    %broadcast_in_dim3A_113 = vector.shape_cast %reduce_min3A_112 : vector<128xi32> to vector<1x128xi32>
    %eq3A_114 = vector.broadcast %broadcast_in_dim3A_113 : vector<1x128xi32> to vector<64x128xi32>
    %eq3A_115 = arith.cmpi eq, %iota3A, %eq3A_114 : vector<64x128xi32>
    %jit3A_116 = arith.constant 0x7F800000 : f32
    %broadcast_in_dim3A_117 = vector.broadcast %jit3A_116 : f32 to vector<64x128xf32>
    %select_n3A_118 = arith.select %eq3A_115, %broadcast_in_dim3A_117, %select_n3A_102 : vector<64x128xi1>, vector<64x128xf32>
    %reduce_min3A_119 = arith.constant dense<0x7F800000> : vector<128xf32>
    %reduce_min3A_120 = vector.multi_reduction <minimumf>, %select_n3A_118, %reduce_min3A_119 [0] : vector<64x128xf32> to vector<128xf32>
    %broadcast_in_dim3A_121 = vector.shape_cast %reduce_min3A_120 : vector<128xf32> to vector<1x128xf32>
    %eq3A_122 = vector.broadcast %broadcast_in_dim3A_121 : vector<1x128xf32> to vector<64x128xf32>
    %eq3A_123 = arith.cmpf oeq, %select_n3A_118, %eq3A_122 : vector<64x128xf32>
    %jit3A_124 = arith.constant 64 : i32
    %broadcast_in_dim3A_125 = vector.broadcast %jit3A_124 : i32 to vector<64x128xi32>
    %select_n3A_126 = arith.select %eq3A_123, %iota3A, %broadcast_in_dim3A_125 : vector<64x128xi1>, vector<64x128xi32>
    %reduce_min3A_127 = arith.constant dense<2147483647> : vector<128xi32>
    %reduce_min3A_128 = vector.multi_reduction <minsi>, %select_n3A_126, %reduce_min3A_127 [0] : vector<64x128xi32> to vector<128xi32>
    %broadcast_in_dim3A_129 = vector.shape_cast %reduce_min3A_128 : vector<128xi32> to vector<1x128xi32>
    %eq3A_130 = vector.broadcast %broadcast_in_dim3A_129 : vector<1x128xi32> to vector<64x128xi32>
    %eq3A_131 = arith.cmpi eq, %iota3A, %eq3A_130 : vector<64x128xi32>
    %jit3A_132 = arith.constant 0x7F800000 : f32
    %broadcast_in_dim3A_133 = vector.broadcast %jit3A_132 : f32 to vector<64x128xf32>
    %select_n3A_134 = arith.select %eq3A_131, %broadcast_in_dim3A_133, %select_n3A_118 : vector<64x128xi1>, vector<64x128xf32>
    %reduce_min3A_135 = arith.constant dense<0x7F800000> : vector<128xf32>
    %reduce_min3A_136 = vector.multi_reduction <minimumf>, %select_n3A_134, %reduce_min3A_135 [0] : vector<64x128xf32> to vector<128xf32>
    %broadcast_in_dim3A_137 = vector.shape_cast %reduce_min3A_136 : vector<128xf32> to vector<1x128xf32>
    %eq3A_138 = vector.broadcast %broadcast_in_dim3A_137 : vector<1x128xf32> to vector<64x128xf32>
    %eq3A_139 = arith.cmpf oeq, %select_n3A_134, %eq3A_138 : vector<64x128xf32>
    %jit3A_140 = arith.constant 64 : i32
    %broadcast_in_dim3A_141 = vector.broadcast %jit3A_140 : i32 to vector<64x128xi32>
    %select_n3A_142 = arith.select %eq3A_139, %iota3A, %broadcast_in_dim3A_141 : vector<64x128xi1>, vector<64x128xi32>
    %reduce_min3A_143 = arith.constant dense<2147483647> : vector<128xi32>
    %reduce_min3A_144 = vector.multi_reduction <minsi>, %select_n3A_142, %reduce_min3A_143 [0] : vector<64x128xi32> to vector<128xi32>
    %broadcast_in_dim3A_145 = vector.shape_cast %reduce_min3A_144 : vector<128xi32> to vector<1x128xi32>
    %eq3A_146 = vector.broadcast %broadcast_in_dim3A_145 : vector<1x128xi32> to vector<64x128xi32>
    %eq3A_147 = arith.cmpi eq, %iota3A, %eq3A_146 : vector<64x128xi32>
    %jit3A_148 = arith.constant 0x7F800000 : f32
    %broadcast_in_dim3A_149 = vector.broadcast %jit3A_148 : f32 to vector<64x128xf32>
    %select_n3A_150 = arith.select %eq3A_147, %broadcast_in_dim3A_149, %select_n3A_134 : vector<64x128xi1>, vector<64x128xf32>
    %reduce_min3A_151 = arith.constant dense<0x7F800000> : vector<128xf32>
    %reduce_min3A_152 = vector.multi_reduction <minimumf>, %select_n3A_150, %reduce_min3A_151 [0] : vector<64x128xf32> to vector<128xf32>
    %broadcast_in_dim3A_153 = vector.shape_cast %reduce_min3A_152 : vector<128xf32> to vector<1x128xf32>
    %eq3A_154 = vector.broadcast %broadcast_in_dim3A_153 : vector<1x128xf32> to vector<64x128xf32>
    %eq3A_155 = arith.cmpf oeq, %select_n3A_150, %eq3A_154 : vector<64x128xf32>
    %jit3A_156 = arith.constant 64 : i32
    %broadcast_in_dim3A_157 = vector.broadcast %jit3A_156 : i32 to vector<64x128xi32>
    %select_n3A_158 = arith.select %eq3A_155, %iota3A, %broadcast_in_dim3A_157 : vector<64x128xi1>, vector<64x128xi32>
    %reduce_min3A_159 = arith.constant dense<2147483647> : vector<128xi32>
    %reduce_min3A_160 = vector.multi_reduction <minsi>, %select_n3A_158, %reduce_min3A_159 [0] : vector<64x128xi32> to vector<128xi32>
    %broadcast_in_dim3A_161 = vector.shape_cast %reduce_min3A_160 : vector<128xi32> to vector<1x128xi32>
    %eq3A_162 = vector.broadcast %broadcast_in_dim3A_161 : vector<1x128xi32> to vector<64x128xi32>
    %eq3A_163 = arith.cmpi eq, %iota3A, %eq3A_162 : vector<64x128xi32>
    %jit3A_164 = arith.constant 0x7F800000 : f32
    %broadcast_in_dim3A_165 = vector.broadcast %jit3A_164 : f32 to vector<64x128xf32>
    %select_n3A_166 = arith.select %eq3A_163, %broadcast_in_dim3A_165, %select_n3A_150 : vector<64x128xi1>, vector<64x128xf32>
    %reduce_min3A_167 = arith.constant dense<0x7F800000> : vector<128xf32>
    %reduce_min3A_168 = vector.multi_reduction <minimumf>, %select_n3A_166, %reduce_min3A_167 [0] : vector<64x128xf32> to vector<128xf32>
    %broadcast_in_dim3A_169 = vector.shape_cast %reduce_min3A_168 : vector<128xf32> to vector<1x128xf32>
    %eq3A_170 = vector.broadcast %broadcast_in_dim3A_169 : vector<1x128xf32> to vector<64x128xf32>
    %eq3A_171 = arith.cmpf oeq, %select_n3A_166, %eq3A_170 : vector<64x128xf32>
    %jit3A_172 = arith.constant 64 : i32
    %broadcast_in_dim3A_173 = vector.broadcast %jit3A_172 : i32 to vector<64x128xi32>
    %select_n3A_174 = arith.select %eq3A_171, %iota3A, %broadcast_in_dim3A_173 : vector<64x128xi1>, vector<64x128xi32>
    %reduce_min3A_175 = arith.constant dense<2147483647> : vector<128xi32>
    %reduce_min3A_176 = vector.multi_reduction <minsi>, %select_n3A_174, %reduce_min3A_175 [0] : vector<64x128xi32> to vector<128xi32>
    %broadcast_in_dim3A_177 = vector.shape_cast %reduce_min3A_176 : vector<128xi32> to vector<1x128xi32>
    %eq3A_178 = vector.broadcast %broadcast_in_dim3A_177 : vector<1x128xi32> to vector<64x128xi32>
    %eq3A_179 = arith.cmpi eq, %iota3A, %eq3A_178 : vector<64x128xi32>
    %jit3A_180 = arith.constant 0x7F800000 : f32
    %broadcast_in_dim3A_181 = vector.broadcast %jit3A_180 : f32 to vector<64x128xf32>
    %select_n3A_182 = arith.select %eq3A_179, %broadcast_in_dim3A_181, %select_n3A_166 : vector<64x128xi1>, vector<64x128xf32>
    %reduce_min3A_183 = arith.constant dense<0x7F800000> : vector<128xf32>
    %reduce_min3A_184 = vector.multi_reduction <minimumf>, %select_n3A_182, %reduce_min3A_183 [0] : vector<64x128xf32> to vector<128xf32>
    %broadcast_in_dim3A_185 = vector.shape_cast %reduce_min3A_184 : vector<128xf32> to vector<1x128xf32>
    %eq3A_186 = vector.broadcast %broadcast_in_dim3A_185 : vector<1x128xf32> to vector<64x128xf32>
    %eq3A_187 = arith.cmpf oeq, %select_n3A_182, %eq3A_186 : vector<64x128xf32>
    %jit3A_188 = arith.constant 64 : i32
    %broadcast_in_dim3A_189 = vector.broadcast %jit3A_188 : i32 to vector<64x128xi32>
    %select_n3A_190 = arith.select %eq3A_187, %iota3A, %broadcast_in_dim3A_189 : vector<64x128xi1>, vector<64x128xi32>
    %reduce_min3A_191 = arith.constant dense<2147483647> : vector<128xi32>
    %reduce_min3A_192 = vector.multi_reduction <minsi>, %select_n3A_190, %reduce_min3A_191 [0] : vector<64x128xi32> to vector<128xi32>
    %broadcast_in_dim3A_193 = vector.shape_cast %reduce_min3A_192 : vector<128xi32> to vector<1x128xi32>
    %eq3A_194 = vector.broadcast %broadcast_in_dim3A_193 : vector<1x128xi32> to vector<64x128xi32>
    %eq3A_195 = arith.cmpi eq, %iota3A, %eq3A_194 : vector<64x128xi32>
    %jit3A_196 = arith.constant 0x7F800000 : f32
    %broadcast_in_dim3A_197 = vector.broadcast %jit3A_196 : f32 to vector<64x128xf32>
    %select_n3A_198 = arith.select %eq3A_195, %broadcast_in_dim3A_197, %select_n3A_182 : vector<64x128xi1>, vector<64x128xf32>
    %reduce_min3A_199 = arith.constant dense<0x7F800000> : vector<128xf32>
    %reduce_min3A_200 = vector.multi_reduction <minimumf>, %select_n3A_198, %reduce_min3A_199 [0] : vector<64x128xf32> to vector<128xf32>
    %broadcast_in_dim3A_201 = vector.shape_cast %reduce_min3A_200 : vector<128xf32> to vector<1x128xf32>
    %eq3A_202 = vector.broadcast %broadcast_in_dim3A_201 : vector<1x128xf32> to vector<64x128xf32>
    %eq3A_203 = arith.cmpf oeq, %select_n3A_198, %eq3A_202 : vector<64x128xf32>
    %jit3A_204 = arith.constant 64 : i32
    %broadcast_in_dim3A_205 = vector.broadcast %jit3A_204 : i32 to vector<64x128xi32>
    %select_n3A_206 = arith.select %eq3A_203, %iota3A, %broadcast_in_dim3A_205 : vector<64x128xi1>, vector<64x128xi32>
    %reduce_min3A_207 = arith.constant dense<2147483647> : vector<128xi32>
    %reduce_min3A_208 = vector.multi_reduction <minsi>, %select_n3A_206, %reduce_min3A_207 [0] : vector<64x128xi32> to vector<128xi32>
    %broadcast_in_dim3A_209 = vector.shape_cast %reduce_min3A_208 : vector<128xi32> to vector<1x128xi32>
    %eq3A_210 = vector.broadcast %broadcast_in_dim3A_209 : vector<1x128xi32> to vector<64x128xi32>
    %eq3A_211 = arith.cmpi eq, %iota3A, %eq3A_210 : vector<64x128xi32>
    %jit3A_212 = arith.constant 0x7F800000 : f32
    %broadcast_in_dim3A_213 = vector.broadcast %jit3A_212 : f32 to vector<64x128xf32>
    %select_n3A_214 = arith.select %eq3A_211, %broadcast_in_dim3A_213, %select_n3A_198 : vector<64x128xi1>, vector<64x128xf32>
    %reduce_min3A_215 = arith.constant dense<0x7F800000> : vector<128xf32>
    %reduce_min3A_216 = vector.multi_reduction <minimumf>, %select_n3A_214, %reduce_min3A_215 [0] : vector<64x128xf32> to vector<128xf32>
    %broadcast_in_dim3A_217 = vector.shape_cast %reduce_min3A_216 : vector<128xf32> to vector<1x128xf32>
    %eq3A_218 = vector.broadcast %broadcast_in_dim3A_217 : vector<1x128xf32> to vector<64x128xf32>
    %eq3A_219 = arith.cmpf oeq, %select_n3A_214, %eq3A_218 : vector<64x128xf32>
    %jit3A_220 = arith.constant 64 : i32
    %broadcast_in_dim3A_221 = vector.broadcast %jit3A_220 : i32 to vector<64x128xi32>
    %select_n3A_222 = arith.select %eq3A_219, %iota3A, %broadcast_in_dim3A_221 : vector<64x128xi1>, vector<64x128xi32>
    %reduce_min3A_223 = arith.constant dense<2147483647> : vector<128xi32>
    %reduce_min3A_224 = vector.multi_reduction <minsi>, %select_n3A_222, %reduce_min3A_223 [0] : vector<64x128xi32> to vector<128xi32>
    %broadcast_in_dim3A_225 = vector.shape_cast %reduce_min3A_224 : vector<128xi32> to vector<1x128xi32>
    %eq3A_226 = vector.broadcast %broadcast_in_dim3A_225 : vector<1x128xi32> to vector<64x128xi32>
    %eq3A_227 = arith.cmpi eq, %iota3A, %eq3A_226 : vector<64x128xi32>
    %jit3A_228 = arith.constant 0x7F800000 : f32
    %broadcast_in_dim3A_229 = vector.broadcast %jit3A_228 : f32 to vector<64x128xf32>
    %select_n3A_230 = arith.select %eq3A_227, %broadcast_in_dim3A_229, %select_n3A_214 : vector<64x128xi1>, vector<64x128xf32>
    %reduce_min3A_231 = arith.constant dense<0x7F800000> : vector<128xf32>
    %reduce_min3A_232 = vector.multi_reduction <minimumf>, %select_n3A_230, %reduce_min3A_231 [0] : vector<64x128xf32> to vector<128xf32>
    %broadcast_in_dim3A_233 = vector.shape_cast %reduce_min3A_232 : vector<128xf32> to vector<1x128xf32>
    %eq3A_234 = vector.broadcast %broadcast_in_dim3A_233 : vector<1x128xf32> to vector<64x128xf32>
    %eq3A_235 = arith.cmpf oeq, %select_n3A_230, %eq3A_234 : vector<64x128xf32>
    %jit3A_236 = arith.constant 64 : i32
    %broadcast_in_dim3A_237 = vector.broadcast %jit3A_236 : i32 to vector<64x128xi32>
    %select_n3A_238 = arith.select %eq3A_235, %iota3A, %broadcast_in_dim3A_237 : vector<64x128xi1>, vector<64x128xi32>
    %reduce_min3A_239 = arith.constant dense<2147483647> : vector<128xi32>
    %reduce_min3A_240 = vector.multi_reduction <minsi>, %select_n3A_238, %reduce_min3A_239 [0] : vector<64x128xi32> to vector<128xi32>
    %broadcast_in_dim3A_241 = vector.shape_cast %reduce_min3A_240 : vector<128xi32> to vector<1x128xi32>
    %eq3A_242 = vector.broadcast %broadcast_in_dim3A_241 : vector<1x128xi32> to vector<64x128xi32>
    %eq3A_243 = arith.cmpi eq, %iota3A, %eq3A_242 : vector<64x128xi32>
    %jit3A_244 = arith.constant 0x7F800000 : f32
    %broadcast_in_dim3A_245 = vector.broadcast %jit3A_244 : f32 to vector<64x128xf32>
    %select_n3A_246 = arith.select %eq3A_243, %broadcast_in_dim3A_245, %select_n3A_230 : vector<64x128xi1>, vector<64x128xf32>
    %reduce_min3A_247 = arith.constant dense<0x7F800000> : vector<128xf32>
    %reduce_min3A_248 = vector.multi_reduction <minimumf>, %select_n3A_246, %reduce_min3A_247 [0] : vector<64x128xf32> to vector<128xf32>
    %broadcast_in_dim3A_249 = vector.shape_cast %reduce_min3A_248 : vector<128xf32> to vector<1x128xf32>
    %eq3A_250 = vector.broadcast %broadcast_in_dim3A_249 : vector<1x128xf32> to vector<64x128xf32>
    %eq3A_251 = arith.cmpf oeq, %select_n3A_246, %eq3A_250 : vector<64x128xf32>
    %jit3A_252 = arith.constant 64 : i32
    %broadcast_in_dim3A_253 = vector.broadcast %jit3A_252 : i32 to vector<64x128xi32>
    %select_n3A_254 = arith.select %eq3A_251, %iota3A, %broadcast_in_dim3A_253 : vector<64x128xi1>, vector<64x128xi32>
    %reduce_min3A_255 = arith.constant dense<2147483647> : vector<128xi32>
    %reduce_min3A_256 = vector.multi_reduction <minsi>, %select_n3A_254, %reduce_min3A_255 [0] : vector<64x128xi32> to vector<128xi32>
    %broadcast_in_dim3A_257 = vector.shape_cast %reduce_min3A_256 : vector<128xi32> to vector<1x128xi32>
    %convert_element_type3A = arith.truncf %get3A_4 : vector<64x768xf32> to vector<64x768xbf16>
    %convert_element_type3A_258 = arith.extf %convert_element_type3A : vector<64x768xbf16> to vector<64x768xf32>
    %sub3A_259 = arith.subf %get3A_4, %convert_element_type3A_258 : vector<64x768xf32>
    %convert_element_type3A_260 = arith.truncf %sub3A_259 : vector<64x768xf32> to vector<64x768xbf16>
    %convert_element_type3A_261 = arith.extf %convert_element_type3A_260 : vector<64x768xbf16> to vector<64x768xf32>
    %sub3A_262 = arith.subf %sub3A_259, %convert_element_type3A_261 : vector<64x768xf32>
    %convert_element_type3A_263 = arith.truncf %sub3A_262 : vector<64x768xf32> to vector<64x768xbf16>
    %concatenate3A = tpu.concatenate %convert_element_type3A, %convert_element_type3A_260, %convert_element_type3A_263 in 0 : vector<64x768xbf16>, vector<64x768xbf16>, vector<64x768xbf16> -> vector<192x768xbf16>
    %iota3A_264 = tpu.iota {dimensions = array<i32: 0>} : vector<192x128xi32>
    %and3A = arith.constant 63 : i32
    %and3A_265 = vector.broadcast %and3A : i32 to vector<192x128xi32>
    %and3A_266 = arith.andi %iota3A_264, %and3A_265 : vector<192x128xi32>
    %eq3A_267 = vector.broadcast %broadcast_in_dim3A_17 : vector<1x128xi32> to vector<192x128xi32>
    %eq3A_268 = arith.cmpi eq, %and3A_266, %eq3A_267 : vector<192x128xi32>
    %convert_element_type3A_269 = arith.extui %eq3A_268 : vector<192x128xi1> to vector<192x128xi32>
    %convert_element_type3A_270 = arith.sitofp %convert_element_type3A_269 : vector<192x128xi32> to vector<192x128xf32>
    %convert_element_type3A_271 = arith.truncf %convert_element_type3A_270 : vector<192x128xf32> to vector<192x128xbf16>
    %dot_general3A_272 = arith.constant dense<0.000000e+00> : vector<128x768xf32>
    %dot_general3A_273 = tpu.matmul %convert_element_type3A_271, %concatenate3A, %dot_general3A_272 {dimension_numbers = #tpu.dot_dimension_numbers<[0], [0], [1], [1], [0, 1, 1, 1], [], []>, transpose_lhs_hint = false} : vector<192x128xbf16>, vector<192x768xbf16>, vector<128x768xf32> -> vector<128x768xf32>
    %sub3A_274 = arith.subf %get3A_1, %dot_general3A_273 : vector<128x768xf32>
    %mul3A_275 = arith.mulf %sub3A_274, %sub3A_274 : vector<128x768xf32>
    %slice3A = vector.extract_strided_slice %mul3A_275 {offsets = [0, 0], sizes = [128, 128], strides = [1, 1]} : vector<128x768xf32> to vector<128x128xf32>
    %reduce_sum3A_276 = arith.constant dense<0.000000e+00> : vector<128xf32>
    %reduce_sum3A_277 = vector.multi_reduction <add>, %slice3A, %reduce_sum3A_276 [1] : vector<128x128xf32> to vector<128xf32>
    %slice3A_278 = vector.extract_strided_slice %mul3A_275 {offsets = [0, 128], sizes = [128, 128], strides = [1, 1]} : vector<128x768xf32> to vector<128x128xf32>
    %reduce_sum3A_279 = arith.constant dense<0.000000e+00> : vector<128xf32>
    %reduce_sum3A_280 = vector.multi_reduction <add>, %slice3A_278, %reduce_sum3A_279 [1] : vector<128x128xf32> to vector<128xf32>
    %add3A = arith.addf %reduce_sum3A_277, %reduce_sum3A_280 : vector<128xf32>
    %slice3A_281 = vector.extract_strided_slice %mul3A_275 {offsets = [0, 256], sizes = [128, 128], strides = [1, 1]} : vector<128x768xf32> to vector<128x128xf32>
    %reduce_sum3A_282 = arith.constant dense<0.000000e+00> : vector<128xf32>
    %reduce_sum3A_283 = vector.multi_reduction <add>, %slice3A_281, %reduce_sum3A_282 [1] : vector<128x128xf32> to vector<128xf32>
    %add3A_284 = arith.addf %add3A, %reduce_sum3A_283 : vector<128xf32>
    %slice3A_285 = vector.extract_strided_slice %mul3A_275 {offsets = [0, 384], sizes = [128, 128], strides = [1, 1]} : vector<128x768xf32> to vector<128x128xf32>
    %reduce_sum3A_286 = arith.constant dense<0.000000e+00> : vector<128xf32>
    %reduce_sum3A_287 = vector.multi_reduction <add>, %slice3A_285, %reduce_sum3A_286 [1] : vector<128x128xf32> to vector<128xf32>
    %add3A_288 = arith.addf %add3A_284, %reduce_sum3A_287 : vector<128xf32>
    %slice3A_289 = vector.extract_strided_slice %mul3A_275 {offsets = [0, 512], sizes = [128, 128], strides = [1, 1]} : vector<128x768xf32> to vector<128x128xf32>
    %reduce_sum3A_290 = arith.constant dense<0.000000e+00> : vector<128xf32>
    %reduce_sum3A_291 = vector.multi_reduction <add>, %slice3A_289, %reduce_sum3A_290 [1] : vector<128x128xf32> to vector<128xf32>
    %add3A_292 = arith.addf %add3A_288, %reduce_sum3A_291 : vector<128xf32>
    %slice3A_293 = vector.extract_strided_slice %mul3A_275 {offsets = [0, 640], sizes = [128, 128], strides = [1, 1]} : vector<128x768xf32> to vector<128x128xf32>
    %reduce_sum3A_294 = arith.constant dense<0.000000e+00> : vector<128xf32>
    %reduce_sum3A_295 = vector.multi_reduction <add>, %slice3A_293, %reduce_sum3A_294 [1] : vector<128x128xf32> to vector<128xf32>
    %add3A_296 = arith.addf %add3A_292, %reduce_sum3A_295 : vector<128xf32>
    %eq3A_297 = vector.broadcast %broadcast_in_dim3A_33 : vector<1x128xi32> to vector<192x128xi32>
    %eq3A_298 = arith.cmpi eq, %and3A_266, %eq3A_297 : vector<192x128xi32>
    %convert_element_type3A_299 = arith.extui %eq3A_298 : vector<192x128xi1> to vector<192x128xi32>
    %convert_element_type3A_300 = arith.sitofp %convert_element_type3A_299 : vector<192x128xi32> to vector<192x128xf32>
    %convert_element_type3A_301 = arith.truncf %convert_element_type3A_300 : vector<192x128xf32> to vector<192x128xbf16>
    %dot_general3A_302 = arith.constant dense<0.000000e+00> : vector<128x768xf32>
    %dot_general3A_303 = tpu.matmul %convert_element_type3A_301, %concatenate3A, %dot_general3A_302 {dimension_numbers = #tpu.dot_dimension_numbers<[0], [0], [1], [1], [0, 1, 1, 1], [], []>, transpose_lhs_hint = false} : vector<192x128xbf16>, vector<192x768xbf16>, vector<128x768xf32> -> vector<128x768xf32>
    %sub3A_304 = arith.subf %get3A_1, %dot_general3A_303 : vector<128x768xf32>
    %mul3A_305 = arith.mulf %sub3A_304, %sub3A_304 : vector<128x768xf32>
    %slice3A_306 = vector.extract_strided_slice %mul3A_305 {offsets = [0, 0], sizes = [128, 128], strides = [1, 1]} : vector<128x768xf32> to vector<128x128xf32>
    %reduce_sum3A_307 = arith.constant dense<0.000000e+00> : vector<128xf32>
    %reduce_sum3A_308 = vector.multi_reduction <add>, %slice3A_306, %reduce_sum3A_307 [1] : vector<128x128xf32> to vector<128xf32>
    %slice3A_309 = vector.extract_strided_slice %mul3A_305 {offsets = [0, 128], sizes = [128, 128], strides = [1, 1]} : vector<128x768xf32> to vector<128x128xf32>
    %reduce_sum3A_310 = arith.constant dense<0.000000e+00> : vector<128xf32>
    %reduce_sum3A_311 = vector.multi_reduction <add>, %slice3A_309, %reduce_sum3A_310 [1] : vector<128x128xf32> to vector<128xf32>
    %add3A_312 = arith.addf %reduce_sum3A_308, %reduce_sum3A_311 : vector<128xf32>
    %slice3A_313 = vector.extract_strided_slice %mul3A_305 {offsets = [0, 256], sizes = [128, 128], strides = [1, 1]} : vector<128x768xf32> to vector<128x128xf32>
    %reduce_sum3A_314 = arith.constant dense<0.000000e+00> : vector<128xf32>
    %reduce_sum3A_315 = vector.multi_reduction <add>, %slice3A_313, %reduce_sum3A_314 [1] : vector<128x128xf32> to vector<128xf32>
    %add3A_316 = arith.addf %add3A_312, %reduce_sum3A_315 : vector<128xf32>
    %slice3A_317 = vector.extract_strided_slice %mul3A_305 {offsets = [0, 384], sizes = [128, 128], strides = [1, 1]} : vector<128x768xf32> to vector<128x128xf32>
    %reduce_sum3A_318 = arith.constant dense<0.000000e+00> : vector<128xf32>
    %reduce_sum3A_319 = vector.multi_reduction <add>, %slice3A_317, %reduce_sum3A_318 [1] : vector<128x128xf32> to vector<128xf32>
    %add3A_320 = arith.addf %add3A_316, %reduce_sum3A_319 : vector<128xf32>
    %slice3A_321 = vector.extract_strided_slice %mul3A_305 {offsets = [0, 512], sizes = [128, 128], strides = [1, 1]} : vector<128x768xf32> to vector<128x128xf32>
    %reduce_sum3A_322 = arith.constant dense<0.000000e+00> : vector<128xf32>
    %reduce_sum3A_323 = vector.multi_reduction <add>, %slice3A_321, %reduce_sum3A_322 [1] : vector<128x128xf32> to vector<128xf32>
    %add3A_324 = arith.addf %add3A_320, %reduce_sum3A_323 : vector<128xf32>
    %slice3A_325 = vector.extract_strided_slice %mul3A_305 {offsets = [0, 640], sizes = [128, 128], strides = [1, 1]} : vector<128x768xf32> to vector<128x128xf32>
    %reduce_sum3A_326 = arith.constant dense<0.000000e+00> : vector<128xf32>
    %reduce_sum3A_327 = vector.multi_reduction <add>, %slice3A_325, %reduce_sum3A_326 [1] : vector<128x128xf32> to vector<128xf32>
    %add3A_328 = arith.addf %add3A_324, %reduce_sum3A_327 : vector<128xf32>
    %eq3A_329 = vector.broadcast %broadcast_in_dim3A_49 : vector<1x128xi32> to vector<192x128xi32>
    %eq3A_330 = arith.cmpi eq, %and3A_266, %eq3A_329 : vector<192x128xi32>
    %convert_element_type3A_331 = arith.extui %eq3A_330 : vector<192x128xi1> to vector<192x128xi32>
    %convert_element_type3A_332 = arith.sitofp %convert_element_type3A_331 : vector<192x128xi32> to vector<192x128xf32>
    %convert_element_type3A_333 = arith.truncf %convert_element_type3A_332 : vector<192x128xf32> to vector<192x128xbf16>
    %dot_general3A_334 = arith.constant dense<0.000000e+00> : vector<128x768xf32>
    %dot_general3A_335 = tpu.matmul %convert_element_type3A_333, %concatenate3A, %dot_general3A_334 {dimension_numbers = #tpu.dot_dimension_numbers<[0], [0], [1], [1], [0, 1, 1, 1], [], []>, transpose_lhs_hint = false} : vector<192x128xbf16>, vector<192x768xbf16>, vector<128x768xf32> -> vector<128x768xf32>
    %sub3A_336 = arith.subf %get3A_1, %dot_general3A_335 : vector<128x768xf32>
    %mul3A_337 = arith.mulf %sub3A_336, %sub3A_336 : vector<128x768xf32>
    %slice3A_338 = vector.extract_strided_slice %mul3A_337 {offsets = [0, 0], sizes = [128, 128], strides = [1, 1]} : vector<128x768xf32> to vector<128x128xf32>
    %reduce_sum3A_339 = arith.constant dense<0.000000e+00> : vector<128xf32>
    %reduce_sum3A_340 = vector.multi_reduction <add>, %slice3A_338, %reduce_sum3A_339 [1] : vector<128x128xf32> to vector<128xf32>
    %slice3A_341 = vector.extract_strided_slice %mul3A_337 {offsets = [0, 128], sizes = [128, 128], strides = [1, 1]} : vector<128x768xf32> to vector<128x128xf32>
    %reduce_sum3A_342 = arith.constant dense<0.000000e+00> : vector<128xf32>
    %reduce_sum3A_343 = vector.multi_reduction <add>, %slice3A_341, %reduce_sum3A_342 [1] : vector<128x128xf32> to vector<128xf32>
    %add3A_344 = arith.addf %reduce_sum3A_340, %reduce_sum3A_343 : vector<128xf32>
    %slice3A_345 = vector.extract_strided_slice %mul3A_337 {offsets = [0, 256], sizes = [128, 128], strides = [1, 1]} : vector<128x768xf32> to vector<128x128xf32>
    %reduce_sum3A_346 = arith.constant dense<0.000000e+00> : vector<128xf32>
    %reduce_sum3A_347 = vector.multi_reduction <add>, %slice3A_345, %reduce_sum3A_346 [1] : vector<128x128xf32> to vector<128xf32>
    %add3A_348 = arith.addf %add3A_344, %reduce_sum3A_347 : vector<128xf32>
    %slice3A_349 = vector.extract_strided_slice %mul3A_337 {offsets = [0, 384], sizes = [128, 128], strides = [1, 1]} : vector<128x768xf32> to vector<128x128xf32>
    %reduce_sum3A_350 = arith.constant dense<0.000000e+00> : vector<128xf32>
    %reduce_sum3A_351 = vector.multi_reduction <add>, %slice3A_349, %reduce_sum3A_350 [1] : vector<128x128xf32> to vector<128xf32>
    %add3A_352 = arith.addf %add3A_348, %reduce_sum3A_351 : vector<128xf32>
    %slice3A_353 = vector.extract_strided_slice %mul3A_337 {offsets = [0, 512], sizes = [128, 128], strides = [1, 1]} : vector<128x768xf32> to vector<128x128xf32>
    %reduce_sum3A_354 = arith.constant dense<0.000000e+00> : vector<128xf32>
    %reduce_sum3A_355 = vector.multi_reduction <add>, %slice3A_353, %reduce_sum3A_354 [1] : vector<128x128xf32> to vector<128xf32>
    %add3A_356 = arith.addf %add3A_352, %reduce_sum3A_355 : vector<128xf32>
    %slice3A_357 = vector.extract_strided_slice %mul3A_337 {offsets = [0, 640], sizes = [128, 128], strides = [1, 1]} : vector<128x768xf32> to vector<128x128xf32>
    %reduce_sum3A_358 = arith.constant dense<0.000000e+00> : vector<128xf32>
    %reduce_sum3A_359 = vector.multi_reduction <add>, %slice3A_357, %reduce_sum3A_358 [1] : vector<128x128xf32> to vector<128xf32>
    %add3A_360 = arith.addf %add3A_356, %reduce_sum3A_359 : vector<128xf32>
    %eq3A_361 = vector.broadcast %broadcast_in_dim3A_65 : vector<1x128xi32> to vector<192x128xi32>
    %eq3A_362 = arith.cmpi eq, %and3A_266, %eq3A_361 : vector<192x128xi32>
    %convert_element_type3A_363 = arith.extui %eq3A_362 : vector<192x128xi1> to vector<192x128xi32>
    %convert_element_type3A_364 = arith.sitofp %convert_element_type3A_363 : vector<192x128xi32> to vector<192x128xf32>
    %convert_element_type3A_365 = arith.truncf %convert_element_type3A_364 : vector<192x128xf32> to vector<192x128xbf16>
    %dot_general3A_366 = arith.constant dense<0.000000e+00> : vector<128x768xf32>
    %dot_general3A_367 = tpu.matmul %convert_element_type3A_365, %concatenate3A, %dot_general3A_366 {dimension_numbers = #tpu.dot_dimension_numbers<[0], [0], [1], [1], [0, 1, 1, 1], [], []>, transpose_lhs_hint = false} : vector<192x128xbf16>, vector<192x768xbf16>, vector<128x768xf32> -> vector<128x768xf32>
    %sub3A_368 = arith.subf %get3A_1, %dot_general3A_367 : vector<128x768xf32>
    %mul3A_369 = arith.mulf %sub3A_368, %sub3A_368 : vector<128x768xf32>
    %slice3A_370 = vector.extract_strided_slice %mul3A_369 {offsets = [0, 0], sizes = [128, 128], strides = [1, 1]} : vector<128x768xf32> to vector<128x128xf32>
    %reduce_sum3A_371 = arith.constant dense<0.000000e+00> : vector<128xf32>
    %reduce_sum3A_372 = vector.multi_reduction <add>, %slice3A_370, %reduce_sum3A_371 [1] : vector<128x128xf32> to vector<128xf32>
    %slice3A_373 = vector.extract_strided_slice %mul3A_369 {offsets = [0, 128], sizes = [128, 128], strides = [1, 1]} : vector<128x768xf32> to vector<128x128xf32>
    %reduce_sum3A_374 = arith.constant dense<0.000000e+00> : vector<128xf32>
    %reduce_sum3A_375 = vector.multi_reduction <add>, %slice3A_373, %reduce_sum3A_374 [1] : vector<128x128xf32> to vector<128xf32>
    %add3A_376 = arith.addf %reduce_sum3A_372, %reduce_sum3A_375 : vector<128xf32>
    %slice3A_377 = vector.extract_strided_slice %mul3A_369 {offsets = [0, 256], sizes = [128, 128], strides = [1, 1]} : vector<128x768xf32> to vector<128x128xf32>
    %reduce_sum3A_378 = arith.constant dense<0.000000e+00> : vector<128xf32>
    %reduce_sum3A_379 = vector.multi_reduction <add>, %slice3A_377, %reduce_sum3A_378 [1] : vector<128x128xf32> to vector<128xf32>
    %add3A_380 = arith.addf %add3A_376, %reduce_sum3A_379 : vector<128xf32>
    %slice3A_381 = vector.extract_strided_slice %mul3A_369 {offsets = [0, 384], sizes = [128, 128], strides = [1, 1]} : vector<128x768xf32> to vector<128x128xf32>
    %reduce_sum3A_382 = arith.constant dense<0.000000e+00> : vector<128xf32>
    %reduce_sum3A_383 = vector.multi_reduction <add>, %slice3A_381, %reduce_sum3A_382 [1] : vector<128x128xf32> to vector<128xf32>
    %add3A_384 = arith.addf %add3A_380, %reduce_sum3A_383 : vector<128xf32>
    %slice3A_385 = vector.extract_strided_slice %mul3A_369 {offsets = [0, 512], sizes = [128, 128], strides = [1, 1]} : vector<128x768xf32> to vector<128x128xf32>
    %reduce_sum3A_386 = arith.constant dense<0.000000e+00> : vector<128xf32>
    %reduce_sum3A_387 = vector.multi_reduction <add>, %slice3A_385, %reduce_sum3A_386 [1] : vector<128x128xf32> to vector<128xf32>
    %add3A_388 = arith.addf %add3A_384, %reduce_sum3A_387 : vector<128xf32>
    %slice3A_389 = vector.extract_strided_slice %mul3A_369 {offsets = [0, 640], sizes = [128, 128], strides = [1, 1]} : vector<128x768xf32> to vector<128x128xf32>
    %reduce_sum3A_390 = arith.constant dense<0.000000e+00> : vector<128xf32>
    %reduce_sum3A_391 = vector.multi_reduction <add>, %slice3A_389, %reduce_sum3A_390 [1] : vector<128x128xf32> to vector<128xf32>
    %add3A_392 = arith.addf %add3A_388, %reduce_sum3A_391 : vector<128xf32>
    %eq3A_393 = vector.broadcast %broadcast_in_dim3A_81 : vector<1x128xi32> to vector<192x128xi32>
    %eq3A_394 = arith.cmpi eq, %and3A_266, %eq3A_393 : vector<192x128xi32>
    %convert_element_type3A_395 = arith.extui %eq3A_394 : vector<192x128xi1> to vector<192x128xi32>
    %convert_element_type3A_396 = arith.sitofp %convert_element_type3A_395 : vector<192x128xi32> to vector<192x128xf32>
    %convert_element_type3A_397 = arith.truncf %convert_element_type3A_396 : vector<192x128xf32> to vector<192x128xbf16>
    %dot_general3A_398 = arith.constant dense<0.000000e+00> : vector<128x768xf32>
    %dot_general3A_399 = tpu.matmul %convert_element_type3A_397, %concatenate3A, %dot_general3A_398 {dimension_numbers = #tpu.dot_dimension_numbers<[0], [0], [1], [1], [0, 1, 1, 1], [], []>, transpose_lhs_hint = false} : vector<192x128xbf16>, vector<192x768xbf16>, vector<128x768xf32> -> vector<128x768xf32>
    %sub3A_400 = arith.subf %get3A_1, %dot_general3A_399 : vector<128x768xf32>
    %mul3A_401 = arith.mulf %sub3A_400, %sub3A_400 : vector<128x768xf32>
    %slice3A_402 = vector.extract_strided_slice %mul3A_401 {offsets = [0, 0], sizes = [128, 128], strides = [1, 1]} : vector<128x768xf32> to vector<128x128xf32>
    %reduce_sum3A_403 = arith.constant dense<0.000000e+00> : vector<128xf32>
    %reduce_sum3A_404 = vector.multi_reduction <add>, %slice3A_402, %reduce_sum3A_403 [1] : vector<128x128xf32> to vector<128xf32>
    %slice3A_405 = vector.extract_strided_slice %mul3A_401 {offsets = [0, 128], sizes = [128, 128], strides = [1, 1]} : vector<128x768xf32> to vector<128x128xf32>
    %reduce_sum3A_406 = arith.constant dense<0.000000e+00> : vector<128xf32>
    %reduce_sum3A_407 = vector.multi_reduction <add>, %slice3A_405, %reduce_sum3A_406 [1] : vector<128x128xf32> to vector<128xf32>
    %add3A_408 = arith.addf %reduce_sum3A_404, %reduce_sum3A_407 : vector<128xf32>
    %slice3A_409 = vector.extract_strided_slice %mul3A_401 {offsets = [0, 256], sizes = [128, 128], strides = [1, 1]} : vector<128x768xf32> to vector<128x128xf32>
    %reduce_sum3A_410 = arith.constant dense<0.000000e+00> : vector<128xf32>
    %reduce_sum3A_411 = vector.multi_reduction <add>, %slice3A_409, %reduce_sum3A_410 [1] : vector<128x128xf32> to vector<128xf32>
    %add3A_412 = arith.addf %add3A_408, %reduce_sum3A_411 : vector<128xf32>
    %slice3A_413 = vector.extract_strided_slice %mul3A_401 {offsets = [0, 384], sizes = [128, 128], strides = [1, 1]} : vector<128x768xf32> to vector<128x128xf32>
    %reduce_sum3A_414 = arith.constant dense<0.000000e+00> : vector<128xf32>
    %reduce_sum3A_415 = vector.multi_reduction <add>, %slice3A_413, %reduce_sum3A_414 [1] : vector<128x128xf32> to vector<128xf32>
    %add3A_416 = arith.addf %add3A_412, %reduce_sum3A_415 : vector<128xf32>
    %slice3A_417 = vector.extract_strided_slice %mul3A_401 {offsets = [0, 512], sizes = [128, 128], strides = [1, 1]} : vector<128x768xf32> to vector<128x128xf32>
    %reduce_sum3A_418 = arith.constant dense<0.000000e+00> : vector<128xf32>
    %reduce_sum3A_419 = vector.multi_reduction <add>, %slice3A_417, %reduce_sum3A_418 [1] : vector<128x128xf32> to vector<128xf32>
    %add3A_420 = arith.addf %add3A_416, %reduce_sum3A_419 : vector<128xf32>
    %slice3A_421 = vector.extract_strided_slice %mul3A_401 {offsets = [0, 640], sizes = [128, 128], strides = [1, 1]} : vector<128x768xf32> to vector<128x128xf32>
    %reduce_sum3A_422 = arith.constant dense<0.000000e+00> : vector<128xf32>
    %reduce_sum3A_423 = vector.multi_reduction <add>, %slice3A_421, %reduce_sum3A_422 [1] : vector<128x128xf32> to vector<128xf32>
    %add3A_424 = arith.addf %add3A_420, %reduce_sum3A_423 : vector<128xf32>
    %eq3A_425 = vector.broadcast %broadcast_in_dim3A_97 : vector<1x128xi32> to vector<192x128xi32>
    %eq3A_426 = arith.cmpi eq, %and3A_266, %eq3A_425 : vector<192x128xi32>
    %convert_element_type3A_427 = arith.extui %eq3A_426 : vector<192x128xi1> to vector<192x128xi32>
    %convert_element_type3A_428 = arith.sitofp %convert_element_type3A_427 : vector<192x128xi32> to vector<192x128xf32>
    %convert_element_type3A_429 = arith.truncf %convert_element_type3A_428 : vector<192x128xf32> to vector<192x128xbf16>
    %dot_general3A_430 = arith.constant dense<0.000000e+00> : vector<128x768xf32>
    %dot_general3A_431 = tpu.matmul %convert_element_type3A_429, %concatenate3A, %dot_general3A_430 {dimension_numbers = #tpu.dot_dimension_numbers<[0], [0], [1], [1], [0, 1, 1, 1], [], []>, transpose_lhs_hint = false} : vector<192x128xbf16>, vector<192x768xbf16>, vector<128x768xf32> -> vector<128x768xf32>
    %sub3A_432 = arith.subf %get3A_1, %dot_general3A_431 : vector<128x768xf32>
    %mul3A_433 = arith.mulf %sub3A_432, %sub3A_432 : vector<128x768xf32>
    %slice3A_434 = vector.extract_strided_slice %mul3A_433 {offsets = [0, 0], sizes = [128, 128], strides = [1, 1]} : vector<128x768xf32> to vector<128x128xf32>
    %reduce_sum3A_435 = arith.constant dense<0.000000e+00> : vector<128xf32>
    %reduce_sum3A_436 = vector.multi_reduction <add>, %slice3A_434, %reduce_sum3A_435 [1] : vector<128x128xf32> to vector<128xf32>
    %slice3A_437 = vector.extract_strided_slice %mul3A_433 {offsets = [0, 128], sizes = [128, 128], strides = [1, 1]} : vector<128x768xf32> to vector<128x128xf32>
    %reduce_sum3A_438 = arith.constant dense<0.000000e+00> : vector<128xf32>
    %reduce_sum3A_439 = vector.multi_reduction <add>, %slice3A_437, %reduce_sum3A_438 [1] : vector<128x128xf32> to vector<128xf32>
    %add3A_440 = arith.addf %reduce_sum3A_436, %reduce_sum3A_439 : vector<128xf32>
    %slice3A_441 = vector.extract_strided_slice %mul3A_433 {offsets = [0, 256], sizes = [128, 128], strides = [1, 1]} : vector<128x768xf32> to vector<128x128xf32>
    %reduce_sum3A_442 = arith.constant dense<0.000000e+00> : vector<128xf32>
    %reduce_sum3A_443 = vector.multi_reduction <add>, %slice3A_441, %reduce_sum3A_442 [1] : vector<128x128xf32> to vector<128xf32>
    %add3A_444 = arith.addf %add3A_440, %reduce_sum3A_443 : vector<128xf32>
    %slice3A_445 = vector.extract_strided_slice %mul3A_433 {offsets = [0, 384], sizes = [128, 128], strides = [1, 1]} : vector<128x768xf32> to vector<128x128xf32>
    %reduce_sum3A_446 = arith.constant dense<0.000000e+00> : vector<128xf32>
    %reduce_sum3A_447 = vector.multi_reduction <add>, %slice3A_445, %reduce_sum3A_446 [1] : vector<128x128xf32> to vector<128xf32>
    %add3A_448 = arith.addf %add3A_444, %reduce_sum3A_447 : vector<128xf32>
    %slice3A_449 = vector.extract_strided_slice %mul3A_433 {offsets = [0, 512], sizes = [128, 128], strides = [1, 1]} : vector<128x768xf32> to vector<128x128xf32>
    %reduce_sum3A_450 = arith.constant dense<0.000000e+00> : vector<128xf32>
    %reduce_sum3A_451 = vector.multi_reduction <add>, %slice3A_449, %reduce_sum3A_450 [1] : vector<128x128xf32> to vector<128xf32>
    %add3A_452 = arith.addf %add3A_448, %reduce_sum3A_451 : vector<128xf32>
    %slice3A_453 = vector.extract_strided_slice %mul3A_433 {offsets = [0, 640], sizes = [128, 128], strides = [1, 1]} : vector<128x768xf32> to vector<128x128xf32>
    %reduce_sum3A_454 = arith.constant dense<0.000000e+00> : vector<128xf32>
    %reduce_sum3A_455 = vector.multi_reduction <add>, %slice3A_453, %reduce_sum3A_454 [1] : vector<128x128xf32> to vector<128xf32>
    %add3A_456 = arith.addf %add3A_452, %reduce_sum3A_455 : vector<128xf32>
    %eq3A_457 = vector.broadcast %broadcast_in_dim3A_113 : vector<1x128xi32> to vector<192x128xi32>
    %eq3A_458 = arith.cmpi eq, %and3A_266, %eq3A_457 : vector<192x128xi32>
    %convert_element_type3A_459 = arith.extui %eq3A_458 : vector<192x128xi1> to vector<192x128xi32>
    %convert_element_type3A_460 = arith.sitofp %convert_element_type3A_459 : vector<192x128xi32> to vector<192x128xf32>
    %convert_element_type3A_461 = arith.truncf %convert_element_type3A_460 : vector<192x128xf32> to vector<192x128xbf16>
    %dot_general3A_462 = arith.constant dense<0.000000e+00> : vector<128x768xf32>
    %dot_general3A_463 = tpu.matmul %convert_element_type3A_461, %concatenate3A, %dot_general3A_462 {dimension_numbers = #tpu.dot_dimension_numbers<[0], [0], [1], [1], [0, 1, 1, 1], [], []>, transpose_lhs_hint = false} : vector<192x128xbf16>, vector<192x768xbf16>, vector<128x768xf32> -> vector<128x768xf32>
    %sub3A_464 = arith.subf %get3A_1, %dot_general3A_463 : vector<128x768xf32>
    %mul3A_465 = arith.mulf %sub3A_464, %sub3A_464 : vector<128x768xf32>
    %slice3A_466 = vector.extract_strided_slice %mul3A_465 {offsets = [0, 0], sizes = [128, 128], strides = [1, 1]} : vector<128x768xf32> to vector<128x128xf32>
    %reduce_sum3A_467 = arith.constant dense<0.000000e+00> : vector<128xf32>
    %reduce_sum3A_468 = vector.multi_reduction <add>, %slice3A_466, %reduce_sum3A_467 [1] : vector<128x128xf32> to vector<128xf32>
    %slice3A_469 = vector.extract_strided_slice %mul3A_465 {offsets = [0, 128], sizes = [128, 128], strides = [1, 1]} : vector<128x768xf32> to vector<128x128xf32>
    %reduce_sum3A_470 = arith.constant dense<0.000000e+00> : vector<128xf32>
    %reduce_sum3A_471 = vector.multi_reduction <add>, %slice3A_469, %reduce_sum3A_470 [1] : vector<128x128xf32> to vector<128xf32>
    %add3A_472 = arith.addf %reduce_sum3A_468, %reduce_sum3A_471 : vector<128xf32>
    %slice3A_473 = vector.extract_strided_slice %mul3A_465 {offsets = [0, 256], sizes = [128, 128], strides = [1, 1]} : vector<128x768xf32> to vector<128x128xf32>
    %reduce_sum3A_474 = arith.constant dense<0.000000e+00> : vector<128xf32>
    %reduce_sum3A_475 = vector.multi_reduction <add>, %slice3A_473, %reduce_sum3A_474 [1] : vector<128x128xf32> to vector<128xf32>
    %add3A_476 = arith.addf %add3A_472, %reduce_sum3A_475 : vector<128xf32>
    %slice3A_477 = vector.extract_strided_slice %mul3A_465 {offsets = [0, 384], sizes = [128, 128], strides = [1, 1]} : vector<128x768xf32> to vector<128x128xf32>
    %reduce_sum3A_478 = arith.constant dense<0.000000e+00> : vector<128xf32>
    %reduce_sum3A_479 = vector.multi_reduction <add>, %slice3A_477, %reduce_sum3A_478 [1] : vector<128x128xf32> to vector<128xf32>
    %add3A_480 = arith.addf %add3A_476, %reduce_sum3A_479 : vector<128xf32>
    %slice3A_481 = vector.extract_strided_slice %mul3A_465 {offsets = [0, 512], sizes = [128, 128], strides = [1, 1]} : vector<128x768xf32> to vector<128x128xf32>
    %reduce_sum3A_482 = arith.constant dense<0.000000e+00> : vector<128xf32>
    %reduce_sum3A_483 = vector.multi_reduction <add>, %slice3A_481, %reduce_sum3A_482 [1] : vector<128x128xf32> to vector<128xf32>
    %add3A_484 = arith.addf %add3A_480, %reduce_sum3A_483 : vector<128xf32>
    %slice3A_485 = vector.extract_strided_slice %mul3A_465 {offsets = [0, 640], sizes = [128, 128], strides = [1, 1]} : vector<128x768xf32> to vector<128x128xf32>
    %reduce_sum3A_486 = arith.constant dense<0.000000e+00> : vector<128xf32>
    %reduce_sum3A_487 = vector.multi_reduction <add>, %slice3A_485, %reduce_sum3A_486 [1] : vector<128x128xf32> to vector<128xf32>
    %add3A_488 = arith.addf %add3A_484, %reduce_sum3A_487 : vector<128xf32>
    %eq3A_489 = vector.broadcast %broadcast_in_dim3A_129 : vector<1x128xi32> to vector<192x128xi32>
    %eq3A_490 = arith.cmpi eq, %and3A_266, %eq3A_489 : vector<192x128xi32>
    %convert_element_type3A_491 = arith.extui %eq3A_490 : vector<192x128xi1> to vector<192x128xi32>
    %convert_element_type3A_492 = arith.sitofp %convert_element_type3A_491 : vector<192x128xi32> to vector<192x128xf32>
    %convert_element_type3A_493 = arith.truncf %convert_element_type3A_492 : vector<192x128xf32> to vector<192x128xbf16>
    %dot_general3A_494 = arith.constant dense<0.000000e+00> : vector<128x768xf32>
    %dot_general3A_495 = tpu.matmul %convert_element_type3A_493, %concatenate3A, %dot_general3A_494 {dimension_numbers = #tpu.dot_dimension_numbers<[0], [0], [1], [1], [0, 1, 1, 1], [], []>, transpose_lhs_hint = false} : vector<192x128xbf16>, vector<192x768xbf16>, vector<128x768xf32> -> vector<128x768xf32>
    %sub3A_496 = arith.subf %get3A_1, %dot_general3A_495 : vector<128x768xf32>
    %mul3A_497 = arith.mulf %sub3A_496, %sub3A_496 : vector<128x768xf32>
    %slice3A_498 = vector.extract_strided_slice %mul3A_497 {offsets = [0, 0], sizes = [128, 128], strides = [1, 1]} : vector<128x768xf32> to vector<128x128xf32>
    %reduce_sum3A_499 = arith.constant dense<0.000000e+00> : vector<128xf32>
    %reduce_sum3A_500 = vector.multi_reduction <add>, %slice3A_498, %reduce_sum3A_499 [1] : vector<128x128xf32> to vector<128xf32>
    %slice3A_501 = vector.extract_strided_slice %mul3A_497 {offsets = [0, 128], sizes = [128, 128], strides = [1, 1]} : vector<128x768xf32> to vector<128x128xf32>
    %reduce_sum3A_502 = arith.constant dense<0.000000e+00> : vector<128xf32>
    %reduce_sum3A_503 = vector.multi_reduction <add>, %slice3A_501, %reduce_sum3A_502 [1] : vector<128x128xf32> to vector<128xf32>
    %add3A_504 = arith.addf %reduce_sum3A_500, %reduce_sum3A_503 : vector<128xf32>
    %slice3A_505 = vector.extract_strided_slice %mul3A_497 {offsets = [0, 256], sizes = [128, 128], strides = [1, 1]} : vector<128x768xf32> to vector<128x128xf32>
    %reduce_sum3A_506 = arith.constant dense<0.000000e+00> : vector<128xf32>
    %reduce_sum3A_507 = vector.multi_reduction <add>, %slice3A_505, %reduce_sum3A_506 [1] : vector<128x128xf32> to vector<128xf32>
    %add3A_508 = arith.addf %add3A_504, %reduce_sum3A_507 : vector<128xf32>
    %slice3A_509 = vector.extract_strided_slice %mul3A_497 {offsets = [0, 384], sizes = [128, 128], strides = [1, 1]} : vector<128x768xf32> to vector<128x128xf32>
    %reduce_sum3A_510 = arith.constant dense<0.000000e+00> : vector<128xf32>
    %reduce_sum3A_511 = vector.multi_reduction <add>, %slice3A_509, %reduce_sum3A_510 [1] : vector<128x128xf32> to vector<128xf32>
    %add3A_512 = arith.addf %add3A_508, %reduce_sum3A_511 : vector<128xf32>
    %slice3A_513 = vector.extract_strided_slice %mul3A_497 {offsets = [0, 512], sizes = [128, 128], strides = [1, 1]} : vector<128x768xf32> to vector<128x128xf32>
    %reduce_sum3A_514 = arith.constant dense<0.000000e+00> : vector<128xf32>
    %reduce_sum3A_515 = vector.multi_reduction <add>, %slice3A_513, %reduce_sum3A_514 [1] : vector<128x128xf32> to vector<128xf32>
    %add3A_516 = arith.addf %add3A_512, %reduce_sum3A_515 : vector<128xf32>
    %slice3A_517 = vector.extract_strided_slice %mul3A_497 {offsets = [0, 640], sizes = [128, 128], strides = [1, 1]} : vector<128x768xf32> to vector<128x128xf32>
    %reduce_sum3A_518 = arith.constant dense<0.000000e+00> : vector<128xf32>
    %reduce_sum3A_519 = vector.multi_reduction <add>, %slice3A_517, %reduce_sum3A_518 [1] : vector<128x128xf32> to vector<128xf32>
    %add3A_520 = arith.addf %add3A_516, %reduce_sum3A_519 : vector<128xf32>
    %eq3A_521 = vector.broadcast %broadcast_in_dim3A_145 : vector<1x128xi32> to vector<192x128xi32>
    %eq3A_522 = arith.cmpi eq, %and3A_266, %eq3A_521 : vector<192x128xi32>
    %convert_element_type3A_523 = arith.extui %eq3A_522 : vector<192x128xi1> to vector<192x128xi32>
    %convert_element_type3A_524 = arith.sitofp %convert_element_type3A_523 : vector<192x128xi32> to vector<192x128xf32>
    %convert_element_type3A_525 = arith.truncf %convert_element_type3A_524 : vector<192x128xf32> to vector<192x128xbf16>
    %dot_general3A_526 = arith.constant dense<0.000000e+00> : vector<128x768xf32>
    %dot_general3A_527 = tpu.matmul %convert_element_type3A_525, %concatenate3A, %dot_general3A_526 {dimension_numbers = #tpu.dot_dimension_numbers<[0], [0], [1], [1], [0, 1, 1, 1], [], []>, transpose_lhs_hint = false} : vector<192x128xbf16>, vector<192x768xbf16>, vector<128x768xf32> -> vector<128x768xf32>
    %sub3A_528 = arith.subf %get3A_1, %dot_general3A_527 : vector<128x768xf32>
    %mul3A_529 = arith.mulf %sub3A_528, %sub3A_528 : vector<128x768xf32>
    %slice3A_530 = vector.extract_strided_slice %mul3A_529 {offsets = [0, 0], sizes = [128, 128], strides = [1, 1]} : vector<128x768xf32> to vector<128x128xf32>
    %reduce_sum3A_531 = arith.constant dense<0.000000e+00> : vector<128xf32>
    %reduce_sum3A_532 = vector.multi_reduction <add>, %slice3A_530, %reduce_sum3A_531 [1] : vector<128x128xf32> to vector<128xf32>
    %slice3A_533 = vector.extract_strided_slice %mul3A_529 {offsets = [0, 128], sizes = [128, 128], strides = [1, 1]} : vector<128x768xf32> to vector<128x128xf32>
    %reduce_sum3A_534 = arith.constant dense<0.000000e+00> : vector<128xf32>
    %reduce_sum3A_535 = vector.multi_reduction <add>, %slice3A_533, %reduce_sum3A_534 [1] : vector<128x128xf32> to vector<128xf32>
    %add3A_536 = arith.addf %reduce_sum3A_532, %reduce_sum3A_535 : vector<128xf32>
    %slice3A_537 = vector.extract_strided_slice %mul3A_529 {offsets = [0, 256], sizes = [128, 128], strides = [1, 1]} : vector<128x768xf32> to vector<128x128xf32>
    %reduce_sum3A_538 = arith.constant dense<0.000000e+00> : vector<128xf32>
    %reduce_sum3A_539 = vector.multi_reduction <add>, %slice3A_537, %reduce_sum3A_538 [1] : vector<128x128xf32> to vector<128xf32>
    %add3A_540 = arith.addf %add3A_536, %reduce_sum3A_539 : vector<128xf32>
    %slice3A_541 = vector.extract_strided_slice %mul3A_529 {offsets = [0, 384], sizes = [128, 128], strides = [1, 1]} : vector<128x768xf32> to vector<128x128xf32>
    %reduce_sum3A_542 = arith.constant dense<0.000000e+00> : vector<128xf32>
    %reduce_sum3A_543 = vector.multi_reduction <add>, %slice3A_541, %reduce_sum3A_542 [1] : vector<128x128xf32> to vector<128xf32>
    %add3A_544 = arith.addf %add3A_540, %reduce_sum3A_543 : vector<128xf32>
    %slice3A_545 = vector.extract_strided_slice %mul3A_529 {offsets = [0, 512], sizes = [128, 128], strides = [1, 1]} : vector<128x768xf32> to vector<128x128xf32>
    %reduce_sum3A_546 = arith.constant dense<0.000000e+00> : vector<128xf32>
    %reduce_sum3A_547 = vector.multi_reduction <add>, %slice3A_545, %reduce_sum3A_546 [1] : vector<128x128xf32> to vector<128xf32>
    %add3A_548 = arith.addf %add3A_544, %reduce_sum3A_547 : vector<128xf32>
    %slice3A_549 = vector.extract_strided_slice %mul3A_529 {offsets = [0, 640], sizes = [128, 128], strides = [1, 1]} : vector<128x768xf32> to vector<128x128xf32>
    %reduce_sum3A_550 = arith.constant dense<0.000000e+00> : vector<128xf32>
    %reduce_sum3A_551 = vector.multi_reduction <add>, %slice3A_549, %reduce_sum3A_550 [1] : vector<128x128xf32> to vector<128xf32>
    %add3A_552 = arith.addf %add3A_548, %reduce_sum3A_551 : vector<128xf32>
    %eq3A_553 = vector.broadcast %broadcast_in_dim3A_161 : vector<1x128xi32> to vector<192x128xi32>
    %eq3A_554 = arith.cmpi eq, %and3A_266, %eq3A_553 : vector<192x128xi32>
    %convert_element_type3A_555 = arith.extui %eq3A_554 : vector<192x128xi1> to vector<192x128xi32>
    %convert_element_type3A_556 = arith.sitofp %convert_element_type3A_555 : vector<192x128xi32> to vector<192x128xf32>
    %convert_element_type3A_557 = arith.truncf %convert_element_type3A_556 : vector<192x128xf32> to vector<192x128xbf16>
    %dot_general3A_558 = arith.constant dense<0.000000e+00> : vector<128x768xf32>
    %dot_general3A_559 = tpu.matmul %convert_element_type3A_557, %concatenate3A, %dot_general3A_558 {dimension_numbers = #tpu.dot_dimension_numbers<[0], [0], [1], [1], [0, 1, 1, 1], [], []>, transpose_lhs_hint = false} : vector<192x128xbf16>, vector<192x768xbf16>, vector<128x768xf32> -> vector<128x768xf32>
    %sub3A_560 = arith.subf %get3A_1, %dot_general3A_559 : vector<128x768xf32>
    %mul3A_561 = arith.mulf %sub3A_560, %sub3A_560 : vector<128x768xf32>
    %slice3A_562 = vector.extract_strided_slice %mul3A_561 {offsets = [0, 0], sizes = [128, 128], strides = [1, 1]} : vector<128x768xf32> to vector<128x128xf32>
    %reduce_sum3A_563 = arith.constant dense<0.000000e+00> : vector<128xf32>
    %reduce_sum3A_564 = vector.multi_reduction <add>, %slice3A_562, %reduce_sum3A_563 [1] : vector<128x128xf32> to vector<128xf32>
    %slice3A_565 = vector.extract_strided_slice %mul3A_561 {offsets = [0, 128], sizes = [128, 128], strides = [1, 1]} : vector<128x768xf32> to vector<128x128xf32>
    %reduce_sum3A_566 = arith.constant dense<0.000000e+00> : vector<128xf32>
    %reduce_sum3A_567 = vector.multi_reduction <add>, %slice3A_565, %reduce_sum3A_566 [1] : vector<128x128xf32> to vector<128xf32>
    %add3A_568 = arith.addf %reduce_sum3A_564, %reduce_sum3A_567 : vector<128xf32>
    %slice3A_569 = vector.extract_strided_slice %mul3A_561 {offsets = [0, 256], sizes = [128, 128], strides = [1, 1]} : vector<128x768xf32> to vector<128x128xf32>
    %reduce_sum3A_570 = arith.constant dense<0.000000e+00> : vector<128xf32>
    %reduce_sum3A_571 = vector.multi_reduction <add>, %slice3A_569, %reduce_sum3A_570 [1] : vector<128x128xf32> to vector<128xf32>
    %add3A_572 = arith.addf %add3A_568, %reduce_sum3A_571 : vector<128xf32>
    %slice3A_573 = vector.extract_strided_slice %mul3A_561 {offsets = [0, 384], sizes = [128, 128], strides = [1, 1]} : vector<128x768xf32> to vector<128x128xf32>
    %reduce_sum3A_574 = arith.constant dense<0.000000e+00> : vector<128xf32>
    %reduce_sum3A_575 = vector.multi_reduction <add>, %slice3A_573, %reduce_sum3A_574 [1] : vector<128x128xf32> to vector<128xf32>
    %add3A_576 = arith.addf %add3A_572, %reduce_sum3A_575 : vector<128xf32>
    %slice3A_577 = vector.extract_strided_slice %mul3A_561 {offsets = [0, 512], sizes = [128, 128], strides = [1, 1]} : vector<128x768xf32> to vector<128x128xf32>
    %reduce_sum3A_578 = arith.constant dense<0.000000e+00> : vector<128xf32>
    %reduce_sum3A_579 = vector.multi_reduction <add>, %slice3A_577, %reduce_sum3A_578 [1] : vector<128x128xf32> to vector<128xf32>
    %add3A_580 = arith.addf %add3A_576, %reduce_sum3A_579 : vector<128xf32>
    %slice3A_581 = vector.extract_strided_slice %mul3A_561 {offsets = [0, 640], sizes = [128, 128], strides = [1, 1]} : vector<128x768xf32> to vector<128x128xf32>
    %reduce_sum3A_582 = arith.constant dense<0.000000e+00> : vector<128xf32>
    %reduce_sum3A_583 = vector.multi_reduction <add>, %slice3A_581, %reduce_sum3A_582 [1] : vector<128x128xf32> to vector<128xf32>
    %add3A_584 = arith.addf %add3A_580, %reduce_sum3A_583 : vector<128xf32>
    %eq3A_585 = vector.broadcast %broadcast_in_dim3A_177 : vector<1x128xi32> to vector<192x128xi32>
    %eq3A_586 = arith.cmpi eq, %and3A_266, %eq3A_585 : vector<192x128xi32>
    %convert_element_type3A_587 = arith.extui %eq3A_586 : vector<192x128xi1> to vector<192x128xi32>
    %convert_element_type3A_588 = arith.sitofp %convert_element_type3A_587 : vector<192x128xi32> to vector<192x128xf32>
    %convert_element_type3A_589 = arith.truncf %convert_element_type3A_588 : vector<192x128xf32> to vector<192x128xbf16>
    %dot_general3A_590 = arith.constant dense<0.000000e+00> : vector<128x768xf32>
    %dot_general3A_591 = tpu.matmul %convert_element_type3A_589, %concatenate3A, %dot_general3A_590 {dimension_numbers = #tpu.dot_dimension_numbers<[0], [0], [1], [1], [0, 1, 1, 1], [], []>, transpose_lhs_hint = false} : vector<192x128xbf16>, vector<192x768xbf16>, vector<128x768xf32> -> vector<128x768xf32>
    %sub3A_592 = arith.subf %get3A_1, %dot_general3A_591 : vector<128x768xf32>
    %mul3A_593 = arith.mulf %sub3A_592, %sub3A_592 : vector<128x768xf32>
    %slice3A_594 = vector.extract_strided_slice %mul3A_593 {offsets = [0, 0], sizes = [128, 128], strides = [1, 1]} : vector<128x768xf32> to vector<128x128xf32>
    %reduce_sum3A_595 = arith.constant dense<0.000000e+00> : vector<128xf32>
    %reduce_sum3A_596 = vector.multi_reduction <add>, %slice3A_594, %reduce_sum3A_595 [1] : vector<128x128xf32> to vector<128xf32>
    %slice3A_597 = vector.extract_strided_slice %mul3A_593 {offsets = [0, 128], sizes = [128, 128], strides = [1, 1]} : vector<128x768xf32> to vector<128x128xf32>
    %reduce_sum3A_598 = arith.constant dense<0.000000e+00> : vector<128xf32>
    %reduce_sum3A_599 = vector.multi_reduction <add>, %slice3A_597, %reduce_sum3A_598 [1] : vector<128x128xf32> to vector<128xf32>
    %add3A_600 = arith.addf %reduce_sum3A_596, %reduce_sum3A_599 : vector<128xf32>
    %slice3A_601 = vector.extract_strided_slice %mul3A_593 {offsets = [0, 256], sizes = [128, 128], strides = [1, 1]} : vector<128x768xf32> to vector<128x128xf32>
    %reduce_sum3A_602 = arith.constant dense<0.000000e+00> : vector<128xf32>
    %reduce_sum3A_603 = vector.multi_reduction <add>, %slice3A_601, %reduce_sum3A_602 [1] : vector<128x128xf32> to vector<128xf32>
    %add3A_604 = arith.addf %add3A_600, %reduce_sum3A_603 : vector<128xf32>
    %slice3A_605 = vector.extract_strided_slice %mul3A_593 {offsets = [0, 384], sizes = [128, 128], strides = [1, 1]} : vector<128x768xf32> to vector<128x128xf32>
    %reduce_sum3A_606 = arith.constant dense<0.000000e+00> : vector<128xf32>
    %reduce_sum3A_607 = vector.multi_reduction <add>, %slice3A_605, %reduce_sum3A_606 [1] : vector<128x128xf32> to vector<128xf32>
    %add3A_608 = arith.addf %add3A_604, %reduce_sum3A_607 : vector<128xf32>
    %slice3A_609 = vector.extract_strided_slice %mul3A_593 {offsets = [0, 512], sizes = [128, 128], strides = [1, 1]} : vector<128x768xf32> to vector<128x128xf32>
    %reduce_sum3A_610 = arith.constant dense<0.000000e+00> : vector<128xf32>
    %reduce_sum3A_611 = vector.multi_reduction <add>, %slice3A_609, %reduce_sum3A_610 [1] : vector<128x128xf32> to vector<128xf32>
    %add3A_612 = arith.addf %add3A_608, %reduce_sum3A_611 : vector<128xf32>
    %slice3A_613 = vector.extract_strided_slice %mul3A_593 {offsets = [0, 640], sizes = [128, 128], strides = [1, 1]} : vector<128x768xf32> to vector<128x128xf32>
    %reduce_sum3A_614 = arith.constant dense<0.000000e+00> : vector<128xf32>
    %reduce_sum3A_615 = vector.multi_reduction <add>, %slice3A_613, %reduce_sum3A_614 [1] : vector<128x128xf32> to vector<128xf32>
    %add3A_616 = arith.addf %add3A_612, %reduce_sum3A_615 : vector<128xf32>
    %eq3A_617 = vector.broadcast %broadcast_in_dim3A_193 : vector<1x128xi32> to vector<192x128xi32>
    %eq3A_618 = arith.cmpi eq, %and3A_266, %eq3A_617 : vector<192x128xi32>
    %convert_element_type3A_619 = arith.extui %eq3A_618 : vector<192x128xi1> to vector<192x128xi32>
    %convert_element_type3A_620 = arith.sitofp %convert_element_type3A_619 : vector<192x128xi32> to vector<192x128xf32>
    %convert_element_type3A_621 = arith.truncf %convert_element_type3A_620 : vector<192x128xf32> to vector<192x128xbf16>
    %dot_general3A_622 = arith.constant dense<0.000000e+00> : vector<128x768xf32>
    %dot_general3A_623 = tpu.matmul %convert_element_type3A_621, %concatenate3A, %dot_general3A_622 {dimension_numbers = #tpu.dot_dimension_numbers<[0], [0], [1], [1], [0, 1, 1, 1], [], []>, transpose_lhs_hint = false} : vector<192x128xbf16>, vector<192x768xbf16>, vector<128x768xf32> -> vector<128x768xf32>
    %sub3A_624 = arith.subf %get3A_1, %dot_general3A_623 : vector<128x768xf32>
    %mul3A_625 = arith.mulf %sub3A_624, %sub3A_624 : vector<128x768xf32>
    %slice3A_626 = vector.extract_strided_slice %mul3A_625 {offsets = [0, 0], sizes = [128, 128], strides = [1, 1]} : vector<128x768xf32> to vector<128x128xf32>
    %reduce_sum3A_627 = arith.constant dense<0.000000e+00> : vector<128xf32>
    %reduce_sum3A_628 = vector.multi_reduction <add>, %slice3A_626, %reduce_sum3A_627 [1] : vector<128x128xf32> to vector<128xf32>
    %slice3A_629 = vector.extract_strided_slice %mul3A_625 {offsets = [0, 128], sizes = [128, 128], strides = [1, 1]} : vector<128x768xf32> to vector<128x128xf32>
    %reduce_sum3A_630 = arith.constant dense<0.000000e+00> : vector<128xf32>
    %reduce_sum3A_631 = vector.multi_reduction <add>, %slice3A_629, %reduce_sum3A_630 [1] : vector<128x128xf32> to vector<128xf32>
    %add3A_632 = arith.addf %reduce_sum3A_628, %reduce_sum3A_631 : vector<128xf32>
    %slice3A_633 = vector.extract_strided_slice %mul3A_625 {offsets = [0, 256], sizes = [128, 128], strides = [1, 1]} : vector<128x768xf32> to vector<128x128xf32>
    %reduce_sum3A_634 = arith.constant dense<0.000000e+00> : vector<128xf32>
    %reduce_sum3A_635 = vector.multi_reduction <add>, %slice3A_633, %reduce_sum3A_634 [1] : vector<128x128xf32> to vector<128xf32>
    %add3A_636 = arith.addf %add3A_632, %reduce_sum3A_635 : vector<128xf32>
    %slice3A_637 = vector.extract_strided_slice %mul3A_625 {offsets = [0, 384], sizes = [128, 128], strides = [1, 1]} : vector<128x768xf32> to vector<128x128xf32>
    %reduce_sum3A_638 = arith.constant dense<0.000000e+00> : vector<128xf32>
    %reduce_sum3A_639 = vector.multi_reduction <add>, %slice3A_637, %reduce_sum3A_638 [1] : vector<128x128xf32> to vector<128xf32>
    %add3A_640 = arith.addf %add3A_636, %reduce_sum3A_639 : vector<128xf32>
    %slice3A_641 = vector.extract_strided_slice %mul3A_625 {offsets = [0, 512], sizes = [128, 128], strides = [1, 1]} : vector<128x768xf32> to vector<128x128xf32>
    %reduce_sum3A_642 = arith.constant dense<0.000000e+00> : vector<128xf32>
    %reduce_sum3A_643 = vector.multi_reduction <add>, %slice3A_641, %reduce_sum3A_642 [1] : vector<128x128xf32> to vector<128xf32>
    %add3A_644 = arith.addf %add3A_640, %reduce_sum3A_643 : vector<128xf32>
    %slice3A_645 = vector.extract_strided_slice %mul3A_625 {offsets = [0, 640], sizes = [128, 128], strides = [1, 1]} : vector<128x768xf32> to vector<128x128xf32>
    %reduce_sum3A_646 = arith.constant dense<0.000000e+00> : vector<128xf32>
    %reduce_sum3A_647 = vector.multi_reduction <add>, %slice3A_645, %reduce_sum3A_646 [1] : vector<128x128xf32> to vector<128xf32>
    %add3A_648 = arith.addf %add3A_644, %reduce_sum3A_647 : vector<128xf32>
    %eq3A_649 = vector.broadcast %broadcast_in_dim3A_209 : vector<1x128xi32> to vector<192x128xi32>
    %eq3A_650 = arith.cmpi eq, %and3A_266, %eq3A_649 : vector<192x128xi32>
    %convert_element_type3A_651 = arith.extui %eq3A_650 : vector<192x128xi1> to vector<192x128xi32>
    %convert_element_type3A_652 = arith.sitofp %convert_element_type3A_651 : vector<192x128xi32> to vector<192x128xf32>
    %convert_element_type3A_653 = arith.truncf %convert_element_type3A_652 : vector<192x128xf32> to vector<192x128xbf16>
    %dot_general3A_654 = arith.constant dense<0.000000e+00> : vector<128x768xf32>
    %dot_general3A_655 = tpu.matmul %convert_element_type3A_653, %concatenate3A, %dot_general3A_654 {dimension_numbers = #tpu.dot_dimension_numbers<[0], [0], [1], [1], [0, 1, 1, 1], [], []>, transpose_lhs_hint = false} : vector<192x128xbf16>, vector<192x768xbf16>, vector<128x768xf32> -> vector<128x768xf32>
    %sub3A_656 = arith.subf %get3A_1, %dot_general3A_655 : vector<128x768xf32>
    %mul3A_657 = arith.mulf %sub3A_656, %sub3A_656 : vector<128x768xf32>
    %slice3A_658 = vector.extract_strided_slice %mul3A_657 {offsets = [0, 0], sizes = [128, 128], strides = [1, 1]} : vector<128x768xf32> to vector<128x128xf32>
    %reduce_sum3A_659 = arith.constant dense<0.000000e+00> : vector<128xf32>
    %reduce_sum3A_660 = vector.multi_reduction <add>, %slice3A_658, %reduce_sum3A_659 [1] : vector<128x128xf32> to vector<128xf32>
    %slice3A_661 = vector.extract_strided_slice %mul3A_657 {offsets = [0, 128], sizes = [128, 128], strides = [1, 1]} : vector<128x768xf32> to vector<128x128xf32>
    %reduce_sum3A_662 = arith.constant dense<0.000000e+00> : vector<128xf32>
    %reduce_sum3A_663 = vector.multi_reduction <add>, %slice3A_661, %reduce_sum3A_662 [1] : vector<128x128xf32> to vector<128xf32>
    %add3A_664 = arith.addf %reduce_sum3A_660, %reduce_sum3A_663 : vector<128xf32>
    %slice3A_665 = vector.extract_strided_slice %mul3A_657 {offsets = [0, 256], sizes = [128, 128], strides = [1, 1]} : vector<128x768xf32> to vector<128x128xf32>
    %reduce_sum3A_666 = arith.constant dense<0.000000e+00> : vector<128xf32>
    %reduce_sum3A_667 = vector.multi_reduction <add>, %slice3A_665, %reduce_sum3A_666 [1] : vector<128x128xf32> to vector<128xf32>
    %add3A_668 = arith.addf %add3A_664, %reduce_sum3A_667 : vector<128xf32>
    %slice3A_669 = vector.extract_strided_slice %mul3A_657 {offsets = [0, 384], sizes = [128, 128], strides = [1, 1]} : vector<128x768xf32> to vector<128x128xf32>
    %reduce_sum3A_670 = arith.constant dense<0.000000e+00> : vector<128xf32>
    %reduce_sum3A_671 = vector.multi_reduction <add>, %slice3A_669, %reduce_sum3A_670 [1] : vector<128x128xf32> to vector<128xf32>
    %add3A_672 = arith.addf %add3A_668, %reduce_sum3A_671 : vector<128xf32>
    %slice3A_673 = vector.extract_strided_slice %mul3A_657 {offsets = [0, 512], sizes = [128, 128], strides = [1, 1]} : vector<128x768xf32> to vector<128x128xf32>
    %reduce_sum3A_674 = arith.constant dense<0.000000e+00> : vector<128xf32>
    %reduce_sum3A_675 = vector.multi_reduction <add>, %slice3A_673, %reduce_sum3A_674 [1] : vector<128x128xf32> to vector<128xf32>
    %add3A_676 = arith.addf %add3A_672, %reduce_sum3A_675 : vector<128xf32>
    %slice3A_677 = vector.extract_strided_slice %mul3A_657 {offsets = [0, 640], sizes = [128, 128], strides = [1, 1]} : vector<128x768xf32> to vector<128x128xf32>
    %reduce_sum3A_678 = arith.constant dense<0.000000e+00> : vector<128xf32>
    %reduce_sum3A_679 = vector.multi_reduction <add>, %slice3A_677, %reduce_sum3A_678 [1] : vector<128x128xf32> to vector<128xf32>
    %add3A_680 = arith.addf %add3A_676, %reduce_sum3A_679 : vector<128xf32>
    %eq3A_681 = vector.broadcast %broadcast_in_dim3A_225 : vector<1x128xi32> to vector<192x128xi32>
    %eq3A_682 = arith.cmpi eq, %and3A_266, %eq3A_681 : vector<192x128xi32>
    %convert_element_type3A_683 = arith.extui %eq3A_682 : vector<192x128xi1> to vector<192x128xi32>
    %convert_element_type3A_684 = arith.sitofp %convert_element_type3A_683 : vector<192x128xi32> to vector<192x128xf32>
    %convert_element_type3A_685 = arith.truncf %convert_element_type3A_684 : vector<192x128xf32> to vector<192x128xbf16>
    %dot_general3A_686 = arith.constant dense<0.000000e+00> : vector<128x768xf32>
    %dot_general3A_687 = tpu.matmul %convert_element_type3A_685, %concatenate3A, %dot_general3A_686 {dimension_numbers = #tpu.dot_dimension_numbers<[0], [0], [1], [1], [0, 1, 1, 1], [], []>, transpose_lhs_hint = false} : vector<192x128xbf16>, vector<192x768xbf16>, vector<128x768xf32> -> vector<128x768xf32>
    %sub3A_688 = arith.subf %get3A_1, %dot_general3A_687 : vector<128x768xf32>
    %mul3A_689 = arith.mulf %sub3A_688, %sub3A_688 : vector<128x768xf32>
    %slice3A_690 = vector.extract_strided_slice %mul3A_689 {offsets = [0, 0], sizes = [128, 128], strides = [1, 1]} : vector<128x768xf32> to vector<128x128xf32>
    %reduce_sum3A_691 = arith.constant dense<0.000000e+00> : vector<128xf32>
    %reduce_sum3A_692 = vector.multi_reduction <add>, %slice3A_690, %reduce_sum3A_691 [1] : vector<128x128xf32> to vector<128xf32>
    %slice3A_693 = vector.extract_strided_slice %mul3A_689 {offsets = [0, 128], sizes = [128, 128], strides = [1, 1]} : vector<128x768xf32> to vector<128x128xf32>
    %reduce_sum3A_694 = arith.constant dense<0.000000e+00> : vector<128xf32>
    %reduce_sum3A_695 = vector.multi_reduction <add>, %slice3A_693, %reduce_sum3A_694 [1] : vector<128x128xf32> to vector<128xf32>
    %add3A_696 = arith.addf %reduce_sum3A_692, %reduce_sum3A_695 : vector<128xf32>
    %slice3A_697 = vector.extract_strided_slice %mul3A_689 {offsets = [0, 256], sizes = [128, 128], strides = [1, 1]} : vector<128x768xf32> to vector<128x128xf32>
    %reduce_sum3A_698 = arith.constant dense<0.000000e+00> : vector<128xf32>
    %reduce_sum3A_699 = vector.multi_reduction <add>, %slice3A_697, %reduce_sum3A_698 [1] : vector<128x128xf32> to vector<128xf32>
    %add3A_700 = arith.addf %add3A_696, %reduce_sum3A_699 : vector<128xf32>
    %slice3A_701 = vector.extract_strided_slice %mul3A_689 {offsets = [0, 384], sizes = [128, 128], strides = [1, 1]} : vector<128x768xf32> to vector<128x128xf32>
    %reduce_sum3A_702 = arith.constant dense<0.000000e+00> : vector<128xf32>
    %reduce_sum3A_703 = vector.multi_reduction <add>, %slice3A_701, %reduce_sum3A_702 [1] : vector<128x128xf32> to vector<128xf32>
    %add3A_704 = arith.addf %add3A_700, %reduce_sum3A_703 : vector<128xf32>
    %slice3A_705 = vector.extract_strided_slice %mul3A_689 {offsets = [0, 512], sizes = [128, 128], strides = [1, 1]} : vector<128x768xf32> to vector<128x128xf32>
    %reduce_sum3A_706 = arith.constant dense<0.000000e+00> : vector<128xf32>
    %reduce_sum3A_707 = vector.multi_reduction <add>, %slice3A_705, %reduce_sum3A_706 [1] : vector<128x128xf32> to vector<128xf32>
    %add3A_708 = arith.addf %add3A_704, %reduce_sum3A_707 : vector<128xf32>
    %slice3A_709 = vector.extract_strided_slice %mul3A_689 {offsets = [0, 640], sizes = [128, 128], strides = [1, 1]} : vector<128x768xf32> to vector<128x128xf32>
    %reduce_sum3A_710 = arith.constant dense<0.000000e+00> : vector<128xf32>
    %reduce_sum3A_711 = vector.multi_reduction <add>, %slice3A_709, %reduce_sum3A_710 [1] : vector<128x128xf32> to vector<128xf32>
    %add3A_712 = arith.addf %add3A_708, %reduce_sum3A_711 : vector<128xf32>
    %eq3A_713 = vector.broadcast %broadcast_in_dim3A_241 : vector<1x128xi32> to vector<192x128xi32>
    %eq3A_714 = arith.cmpi eq, %and3A_266, %eq3A_713 : vector<192x128xi32>
    %convert_element_type3A_715 = arith.extui %eq3A_714 : vector<192x128xi1> to vector<192x128xi32>
    %convert_element_type3A_716 = arith.sitofp %convert_element_type3A_715 : vector<192x128xi32> to vector<192x128xf32>
    %convert_element_type3A_717 = arith.truncf %convert_element_type3A_716 : vector<192x128xf32> to vector<192x128xbf16>
    %dot_general3A_718 = arith.constant dense<0.000000e+00> : vector<128x768xf32>
    %dot_general3A_719 = tpu.matmul %convert_element_type3A_717, %concatenate3A, %dot_general3A_718 {dimension_numbers = #tpu.dot_dimension_numbers<[0], [0], [1], [1], [0, 1, 1, 1], [], []>, transpose_lhs_hint = false} : vector<192x128xbf16>, vector<192x768xbf16>, vector<128x768xf32> -> vector<128x768xf32>
    %sub3A_720 = arith.subf %get3A_1, %dot_general3A_719 : vector<128x768xf32>
    %mul3A_721 = arith.mulf %sub3A_720, %sub3A_720 : vector<128x768xf32>
    %slice3A_722 = vector.extract_strided_slice %mul3A_721 {offsets = [0, 0], sizes = [128, 128], strides = [1, 1]} : vector<128x768xf32> to vector<128x128xf32>
    %reduce_sum3A_723 = arith.constant dense<0.000000e+00> : vector<128xf32>
    %reduce_sum3A_724 = vector.multi_reduction <add>, %slice3A_722, %reduce_sum3A_723 [1] : vector<128x128xf32> to vector<128xf32>
    %slice3A_725 = vector.extract_strided_slice %mul3A_721 {offsets = [0, 128], sizes = [128, 128], strides = [1, 1]} : vector<128x768xf32> to vector<128x128xf32>
    %reduce_sum3A_726 = arith.constant dense<0.000000e+00> : vector<128xf32>
    %reduce_sum3A_727 = vector.multi_reduction <add>, %slice3A_725, %reduce_sum3A_726 [1] : vector<128x128xf32> to vector<128xf32>
    %add3A_728 = arith.addf %reduce_sum3A_724, %reduce_sum3A_727 : vector<128xf32>
    %slice3A_729 = vector.extract_strided_slice %mul3A_721 {offsets = [0, 256], sizes = [128, 128], strides = [1, 1]} : vector<128x768xf32> to vector<128x128xf32>
    %reduce_sum3A_730 = arith.constant dense<0.000000e+00> : vector<128xf32>
    %reduce_sum3A_731 = vector.multi_reduction <add>, %slice3A_729, %reduce_sum3A_730 [1] : vector<128x128xf32> to vector<128xf32>
    %add3A_732 = arith.addf %add3A_728, %reduce_sum3A_731 : vector<128xf32>
    %slice3A_733 = vector.extract_strided_slice %mul3A_721 {offsets = [0, 384], sizes = [128, 128], strides = [1, 1]} : vector<128x768xf32> to vector<128x128xf32>
    %reduce_sum3A_734 = arith.constant dense<0.000000e+00> : vector<128xf32>
    %reduce_sum3A_735 = vector.multi_reduction <add>, %slice3A_733, %reduce_sum3A_734 [1] : vector<128x128xf32> to vector<128xf32>
    %add3A_736 = arith.addf %add3A_732, %reduce_sum3A_735 : vector<128xf32>
    %slice3A_737 = vector.extract_strided_slice %mul3A_721 {offsets = [0, 512], sizes = [128, 128], strides = [1, 1]} : vector<128x768xf32> to vector<128x128xf32>
    %reduce_sum3A_738 = arith.constant dense<0.000000e+00> : vector<128xf32>
    %reduce_sum3A_739 = vector.multi_reduction <add>, %slice3A_737, %reduce_sum3A_738 [1] : vector<128x128xf32> to vector<128xf32>
    %add3A_740 = arith.addf %add3A_736, %reduce_sum3A_739 : vector<128xf32>
    %slice3A_741 = vector.extract_strided_slice %mul3A_721 {offsets = [0, 640], sizes = [128, 128], strides = [1, 1]} : vector<128x768xf32> to vector<128x128xf32>
    %reduce_sum3A_742 = arith.constant dense<0.000000e+00> : vector<128xf32>
    %reduce_sum3A_743 = vector.multi_reduction <add>, %slice3A_741, %reduce_sum3A_742 [1] : vector<128x128xf32> to vector<128xf32>
    %add3A_744 = arith.addf %add3A_740, %reduce_sum3A_743 : vector<128xf32>
    %eq3A_745 = vector.broadcast %broadcast_in_dim3A_257 : vector<1x128xi32> to vector<192x128xi32>
    %eq3A_746 = arith.cmpi eq, %and3A_266, %eq3A_745 : vector<192x128xi32>
    %convert_element_type3A_747 = arith.extui %eq3A_746 : vector<192x128xi1> to vector<192x128xi32>
    %convert_element_type3A_748 = arith.sitofp %convert_element_type3A_747 : vector<192x128xi32> to vector<192x128xf32>
    %convert_element_type3A_749 = arith.truncf %convert_element_type3A_748 : vector<192x128xf32> to vector<192x128xbf16>
    %dot_general3A_750 = arith.constant dense<0.000000e+00> : vector<128x768xf32>
    %dot_general3A_751 = tpu.matmul %convert_element_type3A_749, %concatenate3A, %dot_general3A_750 {dimension_numbers = #tpu.dot_dimension_numbers<[0], [0], [1], [1], [0, 1, 1, 1], [], []>, transpose_lhs_hint = false} : vector<192x128xbf16>, vector<192x768xbf16>, vector<128x768xf32> -> vector<128x768xf32>
    %sub3A_752 = arith.subf %get3A_1, %dot_general3A_751 : vector<128x768xf32>
    %mul3A_753 = arith.mulf %sub3A_752, %sub3A_752 : vector<128x768xf32>
    %slice3A_754 = vector.extract_strided_slice %mul3A_753 {offsets = [0, 0], sizes = [128, 128], strides = [1, 1]} : vector<128x768xf32> to vector<128x128xf32>
    %reduce_sum3A_755 = arith.constant dense<0.000000e+00> : vector<128xf32>
    %reduce_sum3A_756 = vector.multi_reduction <add>, %slice3A_754, %reduce_sum3A_755 [1] : vector<128x128xf32> to vector<128xf32>
    %slice3A_757 = vector.extract_strided_slice %mul3A_753 {offsets = [0, 128], sizes = [128, 128], strides = [1, 1]} : vector<128x768xf32> to vector<128x128xf32>
    %reduce_sum3A_758 = arith.constant dense<0.000000e+00> : vector<128xf32>
    %reduce_sum3A_759 = vector.multi_reduction <add>, %slice3A_757, %reduce_sum3A_758 [1] : vector<128x128xf32> to vector<128xf32>
    %add3A_760 = arith.addf %reduce_sum3A_756, %reduce_sum3A_759 : vector<128xf32>
    %slice3A_761 = vector.extract_strided_slice %mul3A_753 {offsets = [0, 256], sizes = [128, 128], strides = [1, 1]} : vector<128x768xf32> to vector<128x128xf32>
    %reduce_sum3A_762 = arith.constant dense<0.000000e+00> : vector<128xf32>
    %reduce_sum3A_763 = vector.multi_reduction <add>, %slice3A_761, %reduce_sum3A_762 [1] : vector<128x128xf32> to vector<128xf32>
    %add3A_764 = arith.addf %add3A_760, %reduce_sum3A_763 : vector<128xf32>
    %slice3A_765 = vector.extract_strided_slice %mul3A_753 {offsets = [0, 384], sizes = [128, 128], strides = [1, 1]} : vector<128x768xf32> to vector<128x128xf32>
    %reduce_sum3A_766 = arith.constant dense<0.000000e+00> : vector<128xf32>
    %reduce_sum3A_767 = vector.multi_reduction <add>, %slice3A_765, %reduce_sum3A_766 [1] : vector<128x128xf32> to vector<128xf32>
    %add3A_768 = arith.addf %add3A_764, %reduce_sum3A_767 : vector<128xf32>
    %slice3A_769 = vector.extract_strided_slice %mul3A_753 {offsets = [0, 512], sizes = [128, 128], strides = [1, 1]} : vector<128x768xf32> to vector<128x128xf32>
    %reduce_sum3A_770 = arith.constant dense<0.000000e+00> : vector<128xf32>
    %reduce_sum3A_771 = vector.multi_reduction <add>, %slice3A_769, %reduce_sum3A_770 [1] : vector<128x128xf32> to vector<128xf32>
    %add3A_772 = arith.addf %add3A_768, %reduce_sum3A_771 : vector<128xf32>
    %slice3A_773 = vector.extract_strided_slice %mul3A_753 {offsets = [0, 640], sizes = [128, 128], strides = [1, 1]} : vector<128x768xf32> to vector<128x128xf32>
    %reduce_sum3A_774 = arith.constant dense<0.000000e+00> : vector<128xf32>
    %reduce_sum3A_775 = vector.multi_reduction <add>, %slice3A_773, %reduce_sum3A_774 [1] : vector<128x128xf32> to vector<128xf32>
    %add3A_776 = arith.addf %add3A_772, %reduce_sum3A_775 : vector<128xf32>
    %stack3A = vector.shape_cast %add3A_296 : vector<128xf32> to vector<1x128xf32>
    %stack3A_777 = vector.shape_cast %add3A_328 : vector<128xf32> to vector<1x128xf32>
    %stack3A_778 = vector.shape_cast %add3A_360 : vector<128xf32> to vector<1x128xf32>
    %stack3A_779 = vector.shape_cast %add3A_392 : vector<128xf32> to vector<1x128xf32>
    %stack3A_780 = vector.shape_cast %add3A_424 : vector<128xf32> to vector<1x128xf32>
    %stack3A_781 = vector.shape_cast %add3A_456 : vector<128xf32> to vector<1x128xf32>
    %stack3A_782 = vector.shape_cast %add3A_488 : vector<128xf32> to vector<1x128xf32>
    %stack3A_783 = vector.shape_cast %add3A_520 : vector<128xf32> to vector<1x128xf32>
    %stack3A_784 = vector.shape_cast %add3A_552 : vector<128xf32> to vector<1x128xf32>
    %stack3A_785 = vector.shape_cast %add3A_584 : vector<128xf32> to vector<1x128xf32>
    %stack3A_786 = vector.shape_cast %add3A_616 : vector<128xf32> to vector<1x128xf32>
    %stack3A_787 = vector.shape_cast %add3A_648 : vector<128xf32> to vector<1x128xf32>
    %stack3A_788 = vector.shape_cast %add3A_680 : vector<128xf32> to vector<1x128xf32>
    %stack3A_789 = vector.shape_cast %add3A_712 : vector<128xf32> to vector<1x128xf32>
    %stack3A_790 = vector.shape_cast %add3A_744 : vector<128xf32> to vector<1x128xf32>
    %stack3A_791 = vector.shape_cast %add3A_776 : vector<128xf32> to vector<1x128xf32>
    %stack3A_792 = tpu.concatenate %stack3A, %stack3A_777, %stack3A_778, %stack3A_779, %stack3A_780, %stack3A_781, %stack3A_782, %stack3A_783, %stack3A_784, %stack3A_785, %stack3A_786, %stack3A_787, %stack3A_788, %stack3A_789, %stack3A_790, %stack3A_791 in 0 : vector<1x128xf32>, vector<1x128xf32>, vector<1x128xf32>, vector<1x128xf32>, vector<1x128xf32>, vector<1x128xf32>, vector<1x128xf32>, vector<1x128xf32>, vector<1x128xf32>, vector<1x128xf32>, vector<1x128xf32>, vector<1x128xf32>, vector<1x128xf32>, vector<1x128xf32>, vector<1x128xf32>, vector<1x128xf32> -> vector<16x128xf32>
    %sqrt3A = math.sqrt %stack3A_792 : vector<16x128xf32>
    %concatenate3A_793 = tpu.concatenate %broadcast_in_dim3A_17, %broadcast_in_dim3A_33, %broadcast_in_dim3A_49, %broadcast_in_dim3A_65, %broadcast_in_dim3A_81, %broadcast_in_dim3A_97, %broadcast_in_dim3A_113, %broadcast_in_dim3A_129, %broadcast_in_dim3A_145, %broadcast_in_dim3A_161, %broadcast_in_dim3A_177, %broadcast_in_dim3A_193, %broadcast_in_dim3A_209, %broadcast_in_dim3A_225, %broadcast_in_dim3A_241, %broadcast_in_dim3A_257 in 0 : vector<1x128xi32>, vector<1x128xi32>, vector<1x128xi32>, vector<1x128xi32>, vector<1x128xi32>, vector<1x128xi32>, vector<1x128xi32>, vector<1x128xi32>, vector<1x128xi32>, vector<1x128xi32>, vector<1x128xi32>, vector<1x128xi32>, vector<1x128xi32>, vector<1x128xi32>, vector<1x128xi32>, vector<1x128xi32> -> vector<16x128xi32>
    %reduce_min3A_794 = arith.constant dense<0x7F800000> : vector<128xf32>
    %reduce_min3A_795 = vector.multi_reduction <minimumf>, %sqrt3A, %reduce_min3A_794 [0] : vector<16x128xf32> to vector<128xf32>
    %broadcast_in_dim3A_796 = vector.shape_cast %reduce_min3A_795 : vector<128xf32> to vector<1x128xf32>
    %eq3A_797 = vector.broadcast %broadcast_in_dim3A_796 : vector<1x128xf32> to vector<16x128xf32>
    %eq3A_798 = arith.cmpf oeq, %sqrt3A, %eq3A_797 : vector<16x128xf32>
    %jit3A_799 = arith.constant 64 : i32
    %broadcast_in_dim3A_800 = vector.broadcast %jit3A_799 : i32 to vector<16x128xi32>
    %select_n3A_801 = arith.select %eq3A_798, %concatenate3A_793, %broadcast_in_dim3A_800 : vector<16x128xi1>, vector<16x128xi32>
    %reduce_min3A_802 = arith.constant dense<2147483647> : vector<128xi32>
    %reduce_min3A_803 = vector.multi_reduction <minsi>, %select_n3A_801, %reduce_min3A_802 [0] : vector<16x128xi32> to vector<128xi32>
    %broadcast_in_dim3A_804 = vector.shape_cast %reduce_min3A_803 : vector<128xi32> to vector<1x128xi32>
    %swap3A = arith.constant 0 : index
    %swap3A_805 = arith.constant 0 : index
    %swap3A_806 = vector.load %arg3[%swap3A, %swap3A_805] : memref<10x128xi32, #tpu.memory_space<vmem>>, vector<1x128xi32>
    tpu.vector_store %arg3[%swap3A, %swap3A_805], %broadcast_in_dim3A_804 {strides = array<i32>} : memref<10x128xi32, #tpu.memory_space<vmem>>, vector<1x128xi32>,
    %eq3A_807 = vector.broadcast %broadcast_in_dim3A_804 : vector<1x128xi32> to vector<16x128xi32>
    %eq3A_808 = arith.cmpi eq, %concatenate3A_793, %eq3A_807 : vector<16x128xi32>
    %jit3A_809 = arith.constant 0x7F800000 : f32
    %broadcast_in_dim3A_810 = vector.broadcast %jit3A_809 : f32 to vector<16x128xf32>
    %select_n3A_811 = arith.select %eq3A_808, %broadcast_in_dim3A_810, %sqrt3A : vector<16x128xi1>, vector<16x128xf32>
    %reduce_min3A_812 = arith.constant dense<0x7F800000> : vector<128xf32>
    %reduce_min3A_813 = vector.multi_reduction <minimumf>, %select_n3A_811, %reduce_min3A_812 [0] : vector<16x128xf32> to vector<128xf32>
    %broadcast_in_dim3A_814 = vector.shape_cast %reduce_min3A_813 : vector<128xf32> to vector<1x128xf32>
    %eq3A_815 = vector.broadcast %broadcast_in_dim3A_814 : vector<1x128xf32> to vector<16x128xf32>
    %eq3A_816 = arith.cmpf oeq, %select_n3A_811, %eq3A_815 : vector<16x128xf32>
    %jit3A_817 = arith.constant 64 : i32
    %broadcast_in_dim3A_818 = vector.broadcast %jit3A_817 : i32 to vector<16x128xi32>
    %select_n3A_819 = arith.select %eq3A_816, %concatenate3A_793, %broadcast_in_dim3A_818 : vector<16x128xi1>, vector<16x128xi32>
    %reduce_min3A_820 = arith.constant dense<2147483647> : vector<128xi32>
    %reduce_min3A_821 = vector.multi_reduction <minsi>, %select_n3A_819, %reduce_min3A_820 [0] : vector<16x128xi32> to vector<128xi32>
    %broadcast_in_dim3A_822 = vector.shape_cast %reduce_min3A_821 : vector<128xi32> to vector<1x128xi32>
    %swap3A_823 = arith.constant 1 : index
    %swap3A_824 = arith.constant 0 : index
    %swap3A_825 = vector.load %arg3[%swap3A_823, %swap3A_824] : memref<10x128xi32, #tpu.memory_space<vmem>>, vector<1x128xi32>
    tpu.vector_store %arg3[%swap3A_823, %swap3A_824], %broadcast_in_dim3A_822 {strides = array<i32>} : memref<10x128xi32, #tpu.memory_space<vmem>>, vector<1x128xi32>,
    %eq3A_826 = vector.broadcast %broadcast_in_dim3A_822 : vector<1x128xi32> to vector<16x128xi32>
    %eq3A_827 = arith.cmpi eq, %concatenate3A_793, %eq3A_826 : vector<16x128xi32>
    %jit3A_828 = arith.constant 0x7F800000 : f32
    %broadcast_in_dim3A_829 = vector.broadcast %jit3A_828 : f32 to vector<16x128xf32>
    %select_n3A_830 = arith.select %eq3A_827, %broadcast_in_dim3A_829, %select_n3A_811 : vector<16x128xi1>, vector<16x128xf32>
    %reduce_min3A_831 = arith.constant dense<0x7F800000> : vector<128xf32>
    %reduce_min3A_832 = vector.multi_reduction <minimumf>, %select_n3A_830, %reduce_min3A_831 [0] : vector<16x128xf32> to vector<128xf32>
    %broadcast_in_dim3A_833 = vector.shape_cast %reduce_min3A_832 : vector<128xf32> to vector<1x128xf32>
    %eq3A_834 = vector.broadcast %broadcast_in_dim3A_833 : vector<1x128xf32> to vector<16x128xf32>
    %eq3A_835 = arith.cmpf oeq, %select_n3A_830, %eq3A_834 : vector<16x128xf32>
    %jit3A_836 = arith.constant 64 : i32
    %broadcast_in_dim3A_837 = vector.broadcast %jit3A_836 : i32 to vector<16x128xi32>
    %select_n3A_838 = arith.select %eq3A_835, %concatenate3A_793, %broadcast_in_dim3A_837 : vector<16x128xi1>, vector<16x128xi32>
    %reduce_min3A_839 = arith.constant dense<2147483647> : vector<128xi32>
    %reduce_min3A_840 = vector.multi_reduction <minsi>, %select_n3A_838, %reduce_min3A_839 [0] : vector<16x128xi32> to vector<128xi32>
    %broadcast_in_dim3A_841 = vector.shape_cast %reduce_min3A_840 : vector<128xi32> to vector<1x128xi32>
    %swap3A_842 = arith.constant 2 : index
    %swap3A_843 = arith.constant 0 : index
    %swap3A_844 = vector.load %arg3[%swap3A_842, %swap3A_843] : memref<10x128xi32, #tpu.memory_space<vmem>>, vector<1x128xi32>
    tpu.vector_store %arg3[%swap3A_842, %swap3A_843], %broadcast_in_dim3A_841 {strides = array<i32>} : memref<10x128xi32, #tpu.memory_space<vmem>>, vector<1x128xi32>,
    %eq3A_845 = vector.broadcast %broadcast_in_dim3A_841 : vector<1x128xi32> to vector<16x128xi32>
    %eq3A_846 = arith.cmpi eq, %concatenate3A_793, %eq3A_845 : vector<16x128xi32>
    %jit3A_847 = arith.constant 0x7F800000 : f32
    %broadcast_in_dim3A_848 = vector.broadcast %jit3A_847 : f32 to vector<16x128xf32>
    %select_n3A_849 = arith.select %eq3A_846, %broadcast_in_dim3A_848, %select_n3A_830 : vector<16x128xi1>, vector<16x128xf32>
    %reduce_min3A_850 = arith.constant dense<0x7F800000> : vector<128xf32>
    %reduce_min3A_851 = vector.multi_reduction <minimumf>, %select_n3A_849, %reduce_min3A_850 [0] : vector<16x128xf32> to vector<128xf32>
    %broadcast_in_dim3A_852 = vector.shape_cast %reduce_min3A_851 : vector<128xf32> to vector<1x128xf32>
    %eq3A_853 = vector.broadcast %broadcast_in_dim3A_852 : vector<1x128xf32> to vector<16x128xf32>
    %eq3A_854 = arith.cmpf oeq, %select_n3A_849, %eq3A_853 : vector<16x128xf32>
    %jit3A_855 = arith.constant 64 : i32
    %broadcast_in_dim3A_856 = vector.broadcast %jit3A_855 : i32 to vector<16x128xi32>
    %select_n3A_857 = arith.select %eq3A_854, %concatenate3A_793, %broadcast_in_dim3A_856 : vector<16x128xi1>, vector<16x128xi32>
    %reduce_min3A_858 = arith.constant dense<2147483647> : vector<128xi32>
    %reduce_min3A_859 = vector.multi_reduction <minsi>, %select_n3A_857, %reduce_min3A_858 [0] : vector<16x128xi32> to vector<128xi32>
    %broadcast_in_dim3A_860 = vector.shape_cast %reduce_min3A_859 : vector<128xi32> to vector<1x128xi32>
    %swap3A_861 = arith.constant 3 : index
    %swap3A_862 = arith.constant 0 : index
    %swap3A_863 = vector.load %arg3[%swap3A_861, %swap3A_862] : memref<10x128xi32, #tpu.memory_space<vmem>>, vector<1x128xi32>
    tpu.vector_store %arg3[%swap3A_861, %swap3A_862], %broadcast_in_dim3A_860 {strides = array<i32>} : memref<10x128xi32, #tpu.memory_space<vmem>>, vector<1x128xi32>,
    %eq3A_864 = vector.broadcast %broadcast_in_dim3A_860 : vector<1x128xi32> to vector<16x128xi32>
    %eq3A_865 = arith.cmpi eq, %concatenate3A_793, %eq3A_864 : vector<16x128xi32>
    %jit3A_866 = arith.constant 0x7F800000 : f32
    %broadcast_in_dim3A_867 = vector.broadcast %jit3A_866 : f32 to vector<16x128xf32>
    %select_n3A_868 = arith.select %eq3A_865, %broadcast_in_dim3A_867, %select_n3A_849 : vector<16x128xi1>, vector<16x128xf32>
    %reduce_min3A_869 = arith.constant dense<0x7F800000> : vector<128xf32>
    %reduce_min3A_870 = vector.multi_reduction <minimumf>, %select_n3A_868, %reduce_min3A_869 [0] : vector<16x128xf32> to vector<128xf32>
    %broadcast_in_dim3A_871 = vector.shape_cast %reduce_min3A_870 : vector<128xf32> to vector<1x128xf32>
    %eq3A_872 = vector.broadcast %broadcast_in_dim3A_871 : vector<1x128xf32> to vector<16x128xf32>
    %eq3A_873 = arith.cmpf oeq, %select_n3A_868, %eq3A_872 : vector<16x128xf32>
    %jit3A_874 = arith.constant 64 : i32
    %broadcast_in_dim3A_875 = vector.broadcast %jit3A_874 : i32 to vector<16x128xi32>
    %select_n3A_876 = arith.select %eq3A_873, %concatenate3A_793, %broadcast_in_dim3A_875 : vector<16x128xi1>, vector<16x128xi32>
    %reduce_min3A_877 = arith.constant dense<2147483647> : vector<128xi32>
    %reduce_min3A_878 = vector.multi_reduction <minsi>, %select_n3A_876, %reduce_min3A_877 [0] : vector<16x128xi32> to vector<128xi32>
    %broadcast_in_dim3A_879 = vector.shape_cast %reduce_min3A_878 : vector<128xi32> to vector<1x128xi32>
    %swap3A_880 = arith.constant 4 : index
    %swap3A_881 = arith.constant 0 : index
    %swap3A_882 = vector.load %arg3[%swap3A_880, %swap3A_881] : memref<10x128xi32, #tpu.memory_space<vmem>>, vector<1x128xi32>
    tpu.vector_store %arg3[%swap3A_880, %swap3A_881], %broadcast_in_dim3A_879 {strides = array<i32>} : memref<10x128xi32, #tpu.memory_space<vmem>>, vector<1x128xi32>,
    %eq3A_883 = vector.broadcast %broadcast_in_dim3A_879 : vector<1x128xi32> to vector<16x128xi32>
    %eq3A_884 = arith.cmpi eq, %concatenate3A_793, %eq3A_883 : vector<16x128xi32>
    %jit3A_885 = arith.constant 0x7F800000 : f32
    %broadcast_in_dim3A_886 = vector.broadcast %jit3A_885 : f32 to vector<16x128xf32>
    %select_n3A_887 = arith.select %eq3A_884, %broadcast_in_dim3A_886, %select_n3A_868 : vector<16x128xi1>, vector<16x128xf32>
    %reduce_min3A_888 = arith.constant dense<0x7F800000> : vector<128xf32>
    %reduce_min3A_889 = vector.multi_reduction <minimumf>, %select_n3A_887, %reduce_min3A_888 [0] : vector<16x128xf32> to vector<128xf32>
    %broadcast_in_dim3A_890 = vector.shape_cast %reduce_min3A_889 : vector<128xf32> to vector<1x128xf32>
    %eq3A_891 = vector.broadcast %broadcast_in_dim3A_890 : vector<1x128xf32> to vector<16x128xf32>
    %eq3A_892 = arith.cmpf oeq, %select_n3A_887, %eq3A_891 : vector<16x128xf32>
    %jit3A_893 = arith.constant 64 : i32
    %broadcast_in_dim3A_894 = vector.broadcast %jit3A_893 : i32 to vector<16x128xi32>
    %select_n3A_895 = arith.select %eq3A_892, %concatenate3A_793, %broadcast_in_dim3A_894 : vector<16x128xi1>, vector<16x128xi32>
    %reduce_min3A_896 = arith.constant dense<2147483647> : vector<128xi32>
    %reduce_min3A_897 = vector.multi_reduction <minsi>, %select_n3A_895, %reduce_min3A_896 [0] : vector<16x128xi32> to vector<128xi32>
    %broadcast_in_dim3A_898 = vector.shape_cast %reduce_min3A_897 : vector<128xi32> to vector<1x128xi32>
    %swap3A_899 = arith.constant 5 : index
    %swap3A_900 = arith.constant 0 : index
    %swap3A_901 = vector.load %arg3[%swap3A_899, %swap3A_900] : memref<10x128xi32, #tpu.memory_space<vmem>>, vector<1x128xi32>
    tpu.vector_store %arg3[%swap3A_899, %swap3A_900], %broadcast_in_dim3A_898 {strides = array<i32>} : memref<10x128xi32, #tpu.memory_space<vmem>>, vector<1x128xi32>,
    %eq3A_902 = vector.broadcast %broadcast_in_dim3A_898 : vector<1x128xi32> to vector<16x128xi32>
    %eq3A_903 = arith.cmpi eq, %concatenate3A_793, %eq3A_902 : vector<16x128xi32>
    %jit3A_904 = arith.constant 0x7F800000 : f32
    %broadcast_in_dim3A_905 = vector.broadcast %jit3A_904 : f32 to vector<16x128xf32>
    %select_n3A_906 = arith.select %eq3A_903, %broadcast_in_dim3A_905, %select_n3A_887 : vector<16x128xi1>, vector<16x128xf32>
    %reduce_min3A_907 = arith.constant dense<0x7F800000> : vector<128xf32>
    %reduce_min3A_908 = vector.multi_reduction <minimumf>, %select_n3A_906, %reduce_min3A_907 [0] : vector<16x128xf32> to vector<128xf32>
    %broadcast_in_dim3A_909 = vector.shape_cast %reduce_min3A_908 : vector<128xf32> to vector<1x128xf32>
    %eq3A_910 = vector.broadcast %broadcast_in_dim3A_909 : vector<1x128xf32> to vector<16x128xf32>
    %eq3A_911 = arith.cmpf oeq, %select_n3A_906, %eq3A_910 : vector<16x128xf32>
    %jit3A_912 = arith.constant 64 : i32
    %broadcast_in_dim3A_913 = vector.broadcast %jit3A_912 : i32 to vector<16x128xi32>
    %select_n3A_914 = arith.select %eq3A_911, %concatenate3A_793, %broadcast_in_dim3A_913 : vector<16x128xi1>, vector<16x128xi32>
    %reduce_min3A_915 = arith.constant dense<2147483647> : vector<128xi32>
    %reduce_min3A_916 = vector.multi_reduction <minsi>, %select_n3A_914, %reduce_min3A_915 [0] : vector<16x128xi32> to vector<128xi32>
    %broadcast_in_dim3A_917 = vector.shape_cast %reduce_min3A_916 : vector<128xi32> to vector<1x128xi32>
    %swap3A_918 = arith.constant 6 : index
    %swap3A_919 = arith.constant 0 : index
    %swap3A_920 = vector.load %arg3[%swap3A_918, %swap3A_919] : memref<10x128xi32, #tpu.memory_space<vmem>>, vector<1x128xi32>
    tpu.vector_store %arg3[%swap3A_918, %swap3A_919], %broadcast_in_dim3A_917 {strides = array<i32>} : memref<10x128xi32, #tpu.memory_space<vmem>>, vector<1x128xi32>,
    %eq3A_921 = vector.broadcast %broadcast_in_dim3A_917 : vector<1x128xi32> to vector<16x128xi32>
    %eq3A_922 = arith.cmpi eq, %concatenate3A_793, %eq3A_921 : vector<16x128xi32>
    %jit3A_923 = arith.constant 0x7F800000 : f32
    %broadcast_in_dim3A_924 = vector.broadcast %jit3A_923 : f32 to vector<16x128xf32>
    %select_n3A_925 = arith.select %eq3A_922, %broadcast_in_dim3A_924, %select_n3A_906 : vector<16x128xi1>, vector<16x128xf32>
    %reduce_min3A_926 = arith.constant dense<0x7F800000> : vector<128xf32>
    %reduce_min3A_927 = vector.multi_reduction <minimumf>, %select_n3A_925, %reduce_min3A_926 [0] : vector<16x128xf32> to vector<128xf32>
    %broadcast_in_dim3A_928 = vector.shape_cast %reduce_min3A_927 : vector<128xf32> to vector<1x128xf32>
    %eq3A_929 = vector.broadcast %broadcast_in_dim3A_928 : vector<1x128xf32> to vector<16x128xf32>
    %eq3A_930 = arith.cmpf oeq, %select_n3A_925, %eq3A_929 : vector<16x128xf32>
    %jit3A_931 = arith.constant 64 : i32
    %broadcast_in_dim3A_932 = vector.broadcast %jit3A_931 : i32 to vector<16x128xi32>
    %select_n3A_933 = arith.select %eq3A_930, %concatenate3A_793, %broadcast_in_dim3A_932 : vector<16x128xi1>, vector<16x128xi32>
    %reduce_min3A_934 = arith.constant dense<2147483647> : vector<128xi32>
    %reduce_min3A_935 = vector.multi_reduction <minsi>, %select_n3A_933, %reduce_min3A_934 [0] : vector<16x128xi32> to vector<128xi32>
    %broadcast_in_dim3A_936 = vector.shape_cast %reduce_min3A_935 : vector<128xi32> to vector<1x128xi32>
    %swap3A_937 = arith.constant 7 : index
    %swap3A_938 = arith.constant 0 : index
    %swap3A_939 = vector.load %arg3[%swap3A_937, %swap3A_938] : memref<10x128xi32, #tpu.memory_space<vmem>>, vector<1x128xi32>
    tpu.vector_store %arg3[%swap3A_937, %swap3A_938], %broadcast_in_dim3A_936 {strides = array<i32>} : memref<10x128xi32, #tpu.memory_space<vmem>>, vector<1x128xi32>,
    %eq3A_940 = vector.broadcast %broadcast_in_dim3A_936 : vector<1x128xi32> to vector<16x128xi32>
    %eq3A_941 = arith.cmpi eq, %concatenate3A_793, %eq3A_940 : vector<16x128xi32>
    %jit3A_942 = arith.constant 0x7F800000 : f32
    %broadcast_in_dim3A_943 = vector.broadcast %jit3A_942 : f32 to vector<16x128xf32>
    %select_n3A_944 = arith.select %eq3A_941, %broadcast_in_dim3A_943, %select_n3A_925 : vector<16x128xi1>, vector<16x128xf32>
    %reduce_min3A_945 = arith.constant dense<0x7F800000> : vector<128xf32>
    %reduce_min3A_946 = vector.multi_reduction <minimumf>, %select_n3A_944, %reduce_min3A_945 [0] : vector<16x128xf32> to vector<128xf32>
    %broadcast_in_dim3A_947 = vector.shape_cast %reduce_min3A_946 : vector<128xf32> to vector<1x128xf32>
    %eq3A_948 = vector.broadcast %broadcast_in_dim3A_947 : vector<1x128xf32> to vector<16x128xf32>
    %eq3A_949 = arith.cmpf oeq, %select_n3A_944, %eq3A_948 : vector<16x128xf32>
    %jit3A_950 = arith.constant 64 : i32
    %broadcast_in_dim3A_951 = vector.broadcast %jit3A_950 : i32 to vector<16x128xi32>
    %select_n3A_952 = arith.select %eq3A_949, %concatenate3A_793, %broadcast_in_dim3A_951 : vector<16x128xi1>, vector<16x128xi32>
    %reduce_min3A_953 = arith.constant dense<2147483647> : vector<128xi32>
    %reduce_min3A_954 = vector.multi_reduction <minsi>, %select_n3A_952, %reduce_min3A_953 [0] : vector<16x128xi32> to vector<128xi32>
    %broadcast_in_dim3A_955 = vector.shape_cast %reduce_min3A_954 : vector<128xi32> to vector<1x128xi32>
    %swap3A_956 = arith.constant 8 : index
    %swap3A_957 = arith.constant 0 : index
    %swap3A_958 = vector.load %arg3[%swap3A_956, %swap3A_957] : memref<10x128xi32, #tpu.memory_space<vmem>>, vector<1x128xi32>
    tpu.vector_store %arg3[%swap3A_956, %swap3A_957], %broadcast_in_dim3A_955 {strides = array<i32>} : memref<10x128xi32, #tpu.memory_space<vmem>>, vector<1x128xi32>,
    %eq3A_959 = vector.broadcast %broadcast_in_dim3A_955 : vector<1x128xi32> to vector<16x128xi32>
    %eq3A_960 = arith.cmpi eq, %concatenate3A_793, %eq3A_959 : vector<16x128xi32>
    %jit3A_961 = arith.constant 0x7F800000 : f32
    %broadcast_in_dim3A_962 = vector.broadcast %jit3A_961 : f32 to vector<16x128xf32>
    %select_n3A_963 = arith.select %eq3A_960, %broadcast_in_dim3A_962, %select_n3A_944 : vector<16x128xi1>, vector<16x128xf32>
    %reduce_min3A_964 = arith.constant dense<0x7F800000> : vector<128xf32>
    %reduce_min3A_965 = vector.multi_reduction <minimumf>, %select_n3A_963, %reduce_min3A_964 [0] : vector<16x128xf32> to vector<128xf32>
    %broadcast_in_dim3A_966 = vector.shape_cast %reduce_min3A_965 : vector<128xf32> to vector<1x128xf32>
    %eq3A_967 = vector.broadcast %broadcast_in_dim3A_966 : vector<1x128xf32> to vector<16x128xf32>
    %eq3A_968 = arith.cmpf oeq, %select_n3A_963, %eq3A_967 : vector<16x128xf32>
    %jit3A_969 = arith.constant 64 : i32
    %broadcast_in_dim3A_970 = vector.broadcast %jit3A_969 : i32 to vector<16x128xi32>
    %select_n3A_971 = arith.select %eq3A_968, %concatenate3A_793, %broadcast_in_dim3A_970 : vector<16x128xi1>, vector<16x128xi32>
    %reduce_min3A_972 = arith.constant dense<2147483647> : vector<128xi32>
    %reduce_min3A_973 = vector.multi_reduction <minsi>, %select_n3A_971, %reduce_min3A_972 [0] : vector<16x128xi32> to vector<128xi32>
    %broadcast_in_dim3A_974 = vector.shape_cast %reduce_min3A_973 : vector<128xi32> to vector<1x128xi32>
    %swap3A_975 = arith.constant 9 : index
    %swap3A_976 = arith.constant 0 : index
    %swap3A_977 = vector.load %arg3[%swap3A_975, %swap3A_976] : memref<10x128xi32, #tpu.memory_space<vmem>>, vector<1x128xi32>
    tpu.vector_store %arg3[%swap3A_975, %swap3A_976], %broadcast_in_dim3A_974 {strides = array<i32>} : memref<10x128xi32, #tpu.memory_space<vmem>>, vector<1x128xi32>,
    return
  }
  func.func @transform_0(%arg0: i32) -> (i32, i32) {
    %c0_i32 = arith.constant 0 : i32
    %c0_i32_0 = arith.constant 0 : i32
    return %arg0, %c0_i32 : i32, i32
  }
  func.func @transform_1(%arg0: i32) -> (i32, i32) {
    %c0_i32 = arith.constant 0 : i32
    %c0_i32_0 = arith.constant 0 : i32
    %c0_i32_1 = arith.constant 0 : i32
    return %c0_i32, %c0_i32_0 : i32, i32
  }
  func.func @transform_2(%arg0: i32) -> (i32, i32) {
    %c0_i32 = arith.constant 0 : i32
    %c0_i32_0 = arith.constant 0 : i32
    return %c0_i32, %arg0 : i32, i32
  }
}

</mosaic_0001>

<sc_bundles>
// kernel: kernel.4.cloned.1.call-start
scs
__scs_entry_jumppad:
0x0: {  	(pc) =	sbr.rel $0x88, $3  }
0x1: {  	(tag) =	ssettag $0x0;
	lr =	simm.s32 $0x1  }
0x2: {  	[smem:$0x3F9F] =	sst lr;
	_ =	strace $0xD0000000  }
0x3: {  	_ = 	snop  }
0x4: {  	_ = 	snop  }
0x5: {  	_ = 	snop  }
0x6: {  	_ = 	snop  }
0x7: {  	_ = 	snop  }
__scs_overlays_trampoline_lowered:
0x8: {  	[smem:$0x3FAE] =	sst s0  }
0x9: {  	[smem:$0x3FAF] =	sst s1  }
0xa: {  	[smem:$0x3FB0] =	sst s2  }
0xb: {  	[smem:$0x3FB1] =	sst s3  }
0xc: {  	[smem:$0x3FB2] =	sst s4  }
0xd: {  	[smem:$0x3FB3] =	sst s5  }
0xe: {  	[smem:$0x3FB4] =	sst s6  }
0xf: {  	[smem:$0x3FB5] =	sst s7  }
0x10: {  	[smem:$0x3FB6] =	sst s8  }
0x11: {  	[smem:$0x3FB7] =	sst s9;
	s0 =	simm.s32 @!p0 $0x0  }
0x12: {  	s1 =	sld [smem:$0x3F9D];
	s0 =	simm.s32 @p0 $0x1  }
0x13: {  	[smem:$0x3FB8] =	sst s0;
	s0 =	simm.s32 @!p1 $0x0  }
0x14: {  	s2 =	sld [smem:$0x3F9C];
	s0 =	simm.s32 @p1 $0x1  }
0x15: {  	[smem:$0x3FB9] =	sst s0;
	s0 =	simm.s32 @!p2 $0x0  }
0x16: {  	s3 =	sld [smem:$0x3FDB];
	s0 =	simm.s32 @p2 $0x1  }
0x17: {  	s4 =	simm.s32 $0x1BF5;
	[smem:$0x3FBB] =	sst s0  }
0x18: {  	s0 =	sld [smem:$0x3F9E];
	_ =	swait.ge [sflag:s4], $0x0  }
0x19: {  	s7 =	sld [smem:$0x3F9F]  }
0x1a: {  	s8 =	sadd.s32 $0xFFFFE003, lr  }
0x1b: {  	s9 =	sadd.s32 $0xFFFFFEF7, lr;
	s5 =	simm.s32 $0xFFFFFFFF;
	p2 =	slt.u32 s8, $0xFFFFF086  }
0x1c: {  	p1 =	slt.u32 s9, $0xF7A;
	s5 =	simm.s32 @!p2 $0x0  }
0x1d: {  	s5 =	simm.s32 @p1 $0x1;
	p0 =	seq.s32 s7, s2  }
0x1e: {  	s7 =	smul.u32 @!p0 $0xF7A, s2;
	p2 =	seq.s32 @!p0 s5, $0x0  }
0x1f: {  	s9 =	smul.u32 $0xF7A, s1;
	s8 =	simm.s32 @!p0 $0x1BF5;
	p2 =	por !p2, p0  }
0x20: {  	[sflag:s8] =	ssyncset.s32 @!p0 $0xFFFFF086;
	s6 =	sadd.s32 @!p0 s3, s7;
	s7 =	simm.s32 @!p0 $0x108  }
0x21: {  	s3 =	sadd.s32 s3, s9;
	s6 =	sadd.s32 @!p0 $0x88, s6;
	s7 =	simm.s32 @p2 $0x1082  }
0x22: {  	[simem:s7], [sflag:s8] =	dma.local @!p0 [hbm:s6], $0xF7A  }
0x23: {  	s9 =	sor.u32 $0xD0000000, s2;
	s6 =	simm.s32 $0x108;
	_ =	swait.ge @!p0 [sflag:s8], $0x0  }
0x24: {  	s3 =	sadd.s32 $0x88, s3;
	s6 =	simm.s32 @!p1 $0x1082;
	[sflag:s4] =	ssyncset.s32 $0xFFFFF086  }
0x25: {  	[simem:s6], [sflag:s4] =	dma.local [hbm:s3], $0xF7A  }
0x26: {  	[smem:$0x3F9F] =	sst s1;
	(tag) =	ssettag s2;
	_ =	strace s9  }
0x27: {  	s1 =	sld [smem:$0x3FAF]  }
0x28: {  	s2 =	sld [smem:$0x3FB0]  }
0x29: {  	s4 =	sld [smem:$0x3FB2]  }
0x2a: {  	p0 =	seq.s32 s5, $0x0;
	s5 =	sld [smem:$0x3FB3]  }
0x2b: {  	s6 =	sld [smem:$0x3FB4]  }
0x2c: {  	s7 =	sld [smem:$0x3FB5]  }
0x2d: {  	s3 =	simm.s32 $0x108;
	s8 =	sld [smem:$0x3FB6]  }
0x2e: {  	s3 =	simm.s32 @!p0 $0x1082;
	s9 =	sld [smem:$0x3FB7]  }
0x2f: {  	lr =	sadd.s32 s0, s3;
	s0 =	sld [smem:$0x3FAE]  }
0x30: {  	s3 =	sld [smem:$0x3FB1]  }
0x31: {  	[smem:$0x3FBA] =	sst s10  }
0x32: {  	s10 =	sld [smem:$0x3FB8];
	_ =	sdelay $0x3  }
0x33: {  	p0 =	seq.s32 s10, $0x1;
	s10 =	sld [smem:$0x3FBA];
	_ =	sdelay $0x3  }
0x34: {  	[smem:$0x3FBA] =	sst s10  }
0x35: {  	s10 =	sld [smem:$0x3FB9];
	_ =	sdelay $0x3  }
0x36: {  	p1 =	seq.s32 s10, $0x1;
	s10 =	sld [smem:$0x3FBA];
	_ =	sdelay $0x3  }
0x37: {  	[smem:$0x3FBA] =	sst s10  }
0x38: {  	s10 =	sld [smem:$0x3FBB]  }
0x39: {  	_ = 	snop;
	(pc) =	sbr.ind lr, $3  }
0x3a: {  	_ = 	snop  }
0x3b: {  	_ = 	snop  }
0x3c: {  	p2 =	seq.s32 s10, $0x1;
	s10 =	sld [smem:$0x3FBA]  }
0x3d: {  	_ =	shalt  }
0x3e: {  	_ =	shalt  }
0x3f: {  	_ =	shalt  }
0x40: {  	_ =	shalt  }
0x41: {  	_ =	shalt  }
0x42: {  	_ =	shalt  }
0x43: {  	_ =	shalt  }
0x44: {  	_ =	shalt  }
0x45: {  	_ =	shalt  }
0x46: {  	_ =	shalt  }
0x47: {  	_ =	shalt  }
0x48: {  	_ =	shalt  }
0x49: {  	_ =	shalt  }
0x4a: {  	_ =	shalt  }
0x4b: {  	_ =	shalt  }
0x4c: {  	_ =	shalt  }
0x4d: {  	_ =	shalt  }
0x4e: {  	_ =	shalt  }
0x4f: {  	_ =	shalt  }
0x50: {  	_ =	shalt  }
0x51: {  	_ =	shalt  }
0x52: {  	_ =	shalt  }
0x53: {  	_ =	shalt  }
0x54: {  	_ =	shalt  }
0x55: {  	_ =	shalt  }
0x56: {  	_ =	shalt  }
0x57: {  	_ =	shalt  }
0x58: {  	_ =	shalt  }
0x59: {  	_ =	shalt  }
0x5a: {  	_ =	shalt  }
0x5b: {  	_ =	shalt  }
0x5c: {  	_ =	shalt  }
0x5d: {  	_ =	shalt  }
0x5e: {  	_ =	shalt  }
0x5f: {  	_ =	shalt  }
0x60: {  	_ =	shalt  }
0x61: {  	_ =	shalt  }
0x62: {  	_ =	shalt  }
0x63: {  	_ =	shalt  }
0x64: {  	_ =	shalt  }
0x65: {  	_ =	shalt  }
0x66: {  	_ =	shalt  }
0x67: {  	_ =	shalt  }
0x68: {  	_ =	shalt  }
0x69: {  	_ =	shalt  }
0x6a: {  	_ =	shalt  }
0x6b: {  	_ =	shalt  }
0x6c: {  	_ =	shalt  }
0x6d: {  	_ =	shalt  }
0x6e: {  	_ =	shalt  }
0x6f: {  	_ =	shalt  }
0x70: {  	_ =	shalt  }
0x71: {  	_ =	shalt  }
0x72: {  	_ =	shalt  }
0x73: {  	_ =	shalt  }
0x74: {  	_ =	shalt  }
0x75: {  	_ =	shalt  }
0x76: {  	_ =	shalt  }
0x77: {  	_ =	shalt  }
0x78: {  	_ =	shalt  }
0x79: {  	_ =	shalt  }
0x7a: {  	_ =	shalt  }
0x7b: {  	_ =	shalt  }
0x7c: {  	_ =	shalt  }
0x7d: {  	_ =	shalt  }
0x7e: {  	_ =	shalt  }
0x7f: {  	_ =	shalt  }
0x80: {  	_ =	shalt  }
0x81: {  	_ =	shalt  }
0x82: {  	_ =	shalt  }
0x83: {  	_ =	shalt  }
0x84: {  	_ =	shalt  }
0x85: {  	_ =	shalt  }
0x86: {  	_ =	shalt  }
0x87: {  	_ =	shalt  }
.Lfunc_end0:
.L_simem_size_0:
called_computation_lowered:
.L_overlay_start_0:
0x88: {  	s2 =	sld [smem:$0x3FD9]  }
0x89: {  	s3 =	sld [smem:$0x3FFE];
	_ =	sdelay $0x1  }
0x8a: {  	s1 =	srdreg.scid  }
0x8b: {  	s0 =	sand.u32 $0x1, s1  }
0x8c: {  	s17 =	sshll.u32 s0, $0xA;
	s2 =	sadd.s32 s3, s2  }
0x8d: {  	s2 =	sadd.s32 s2, s17  }
0x8e: {  	[smem:$0x3FC6] =	sst s2  }
0x8f: {  	_ = 	snop  }
0x90: {  	s2 =	sld [smem:$0x3FC9]  }
0x91: {  	s18 =	sld [smem:$0x3FD0];
	(tm) =	ssettm $0x1  }
0x92: {  	s4 =	sld [smem:$0x3FFB];
	_ =	sdelay $0x3  }
0x93: {  	_ =	strace s4  }
0x94: {  	s4 =	sld [smem:$0x3FFC];
	_ =	sdelay $0x3  }
0x95: {  	_ =	strace s4  }
0x96: {  	s4 =	sld [smem:$0x3FFD];
	_ =	sdelay $0x3  }
0x97: {  	_ =	strace s4  }
0x98: {  	_ =	strace $0x8FFFFFFF  }
0x99: {  	s19 =	sld [smem:$0x3FDB];
	_ =	sdelay $0x1  }
0x9a: {  	s5 =	simm.s32 $_scs_section_size  }
0x9b: {  	s6 =	simm.s32 $_size__tile_overlayer_lowered;
	s7 =	simm.s32 $_tile_overlayer_lowered  }
0x9c: {  	s22 =	simm.s32 $0x1BFF;
	s21 =	sshll.u32 s7, $0x1;
	s4 =	sadd.s32 s5, s19  }
0x9d: {  	s8 =	simm.s32 $0x0;
	s20 =	sshll.u32 s6, $0x1;
	s6 =	sadd.s32 s21, s4  }
0x9e: {  	[timem:s8], [sflag:s22] =	dma.local [hbm:s6], s20  }
0x9f: {  	_ =	swait.ge [sflag:s22], s20  }
0xa0: {  	s5 =	ssub.s32 $0x0, s20;
	[sflag:s22] =	ssyncset.done $0x0  }
0xa1: {  	[sflag:s22] =	ssyncadd.s32 s5;
	_ =	sdelay $0x1  }
0xa2: {  	s23 =	simm.s32 $0x1B8B  }
0xa3: {  	_ =	swait.ge [sflag:s23], $0x1  }
0xa4: {  	[sflag:s23] =	ssyncset.done $0x0  }
0xa5: {  	s25 =	simm.s32 $0x1B8E;
	s24 =	sld [smem:$0x3FFE];
	[sflag:s23] =	ssyncadd.s32 $0xFFFFFFFF  }
0xa6: {  	s26 =	simm.s32 $execute0_lowered;
	[smem:$0x3FD2] =	sst s25  }
0xa7: {  	s6 =	sshll.u32 s26, $0x1;
	_ =	strace $0x80000046;
	[dreg:$0x1] =	wrdreg $0xFFFFFFFF  }
0xa8: {  	s28 =	simm.s32 $_size_execute0_lowered;
	s4 =	sadd.s32 s4, s6;
	[dreg:$0x0] =	wrdreg $0x0  }
0xa9: {  	s6 =	sshll.u32 s28, $0x1;
	[dreg:$0x2] =	wrdreg s4  }
0xaa: {  	[dreg:$0x3] =	wrdreg s6  }
0xab: {  	[dreg:$0x4] =	wrdreg $0xC0  }
0xac: {  	_ =	task [dreg:s8], $0x5FFFF  }
0xad: {  	[dreg:$0x1] =	wrdreg $0xFFFFFFFF  }
0xae: {  	[dreg:$0x0] =	wrdreg $0x60  }
0xaf: {  	[dreg:$0x2] =	wrdreg s2  }
0xb0: {  	[dreg:$0x3] =	wrdreg s24  }
0xb1: {  	[dreg:$0x4] =	wrdreg s18  }
0xb2: {  	[dreg:$0x5] =	wrdreg $0x9  }
0xb3: {  	_ =	task.clear_ibuf [dreg:s8], $0x6FFFF;
	_ =	strace $0x90000046  }
0xb4: {  	s29 =	simm.s32 $0x9;
	_ =	strace $0x80000048  }
0xb5: {  	_ =	swait.ge [sflag:s29], $0x1  }
0xb6: {  	[sflag:s29] =	ssyncadd.s32 $0xFFFFFFFF  }
0xb7: {  	_ =	strace $0x90000048  }
0xb8: {  	_ =	sfence  }
0xb9: {  	s30 =	sld [smem:$0x0];
	_ =	sdelay $0x2  }
0xba: {  	s31 =	sshll.u32 s1, $0xD;
	s1 =	sshrl.u32 s1, $0x2  }
0xbb: {  	s3 =	sand.u32 $0x4000, s31;
	s1 =	sadd.s32 s1, s30  }
0xbc: {  	s0 =	sor.u32 s3, s0;
	s1 =	sshll.u32 s1, $0x11  }
0xbd: {  	s0 =	sor.u32 s1, s0  }
0xbe: {  	s0 =	sadd.s32 $0x8F2B, s0  }
0xbf: {  	[sflag:s0] =	ssyncadd.remote.s32 $0x1  }
0xc0: {  	_ =	sfence.sel $0xFFFF  }
0xc1: {  	[dreg:$0x0] =	wrdreg $0xFFFFFFFF;
	(pc) =	sbr.abs _section_cstart, $3  }
0xc2: {  	[dreg:$0x1] =	wrdreg $0xFFFFFFFF  }
0xc3: {  	_ =	task.clear_ibuf [dreg:s8], $0x2FFFF;
	_ =	strace $0x9FFFFFFF  }
0xc4: {  	(tm) =	ssettm $0x7FFFFFFF  }
0xc5: {  	_ =	shalt  }
tec
execute0_lowered:
.L_overlay_start_1:
0x0: {  	(tag) =	ssettag $0x1  }
0x1: {  	s0 =	srdreg.scid;
	s1 =	stileid.u32  }
0x2: {  	s0 =	sand.u32 $0x1, s0;
	s1 =	sshll.u32 s1, $0x1  }
0x3: {  	s1 =	sor.u32 s0, s1  }
0x4: {  	s1 =	smul.u32 $0x280, s1  }
0x5: {  	s2 =	rddreg [dreg:$0x0]  }
0x6: {  	s4 =	rddreg [dreg:$0x1];
	s1 =	sshrl.u32 s1, $0x3  }
0x7: {  	s5 =	rddreg [dreg:$0x2];
	s3 =	simm.s32 $0x0;
	s6 =	smul.u32 $0x1800, s1  }
0x8: {  	s8 =	simm.s32 $0x3;
	s4 =	sadd.s32 s1, s4;
	s1 =	smul.u32 $0x300, s1  }
0x9: {  	s16 =	simm.s32 $0x280;
	[smem:$0x7FF] =	sst s3;
	s4 =	sadd.s32 $0x800, s4  }
0xa: {  	_ =	strace $0x80000047;
	[dreg:$0x4] =	wrdreg s4;
	s7 =	sadd.s32 s5, s1  }
0xb: {  	s10 =	simm.s32 $0x1;
	s22 =	sadd.s32 $0x3000, s7;
	[dreg:$0xe] =	wrdreg s7  }
0xc: {  	s11 =	simm.s32 $0x2;
	s23 =	sadd.s32 $0x4800, s7;
	[dreg:$0x6] =	wrdreg s22  }
0xd: {  	s0 =	ssub.s32 $0x2, s0;
	s24 =	sadd.s32 $0x6000, s7;
	[dreg:$0x7] =	wrdreg s23  }
0xe: {  	s28 =	sshrl.u32 s0, $0x1;
	s25 =	sadd.s32 $0x7800, s7;
	[dreg:$0x8] =	wrdreg s24  }
0xf: {  	s0 =	ssub.s32 s0, s28;
	s26 =	sadd.s32 $0x9000, s7;
	[dreg:$0x9] =	wrdreg s25  }
0x10: {  	s6 =	sshrl.u32 s6, $0x3;
	s29 =	sadd.s32 $0xA800, s7;
	[dreg:$0xa] =	wrdreg s26  }
0x11: {  	s4 =	simm.s32 $0xC280;
	s30 =	sadd.s32 $0xC000, s7;
	[dreg:$0xb] =	wrdreg s29  }
0x12: {  	v2 =	vlaneseq.u32;
	s6 =	sadd.s32 s5, s6;
	s31 =	sadd.s32 $0xD800, s7;
	[dreg:$0xc] =	wrdreg s30  }
0x13: {  	vm0 =	vmmov $0xffff;
	v1 =	vshrl.u32 v2, $0x3;
	s5 =	sadd.s32 $0x100, s2;
	s21 =	sadd.s32 $0x1800, s6;
	[dreg:$0xd] =	wrdreg s31  }
0x14: {  	v0 =	vand.u32 $0x7, v2;
	v2 =	vor.u32 $0x8, v2;
	v1 =	vmul.u32 $0x8, v1;
	s7 =	smax.u32 s0, $0x1;
	s6 =	sadd.s32 $0x200, s2;
	[dreg:$0x5] =	wrdreg s21  }
.LBB2_1:
0x15: {  	s12 =	rddreg [dreg:$0x4]  }
0x16: {  	[tilespmem:s3], [sflag:$0x3] =	stream.linear.gather [hbm4b:s12+s3], $0x280, $0x38;
	[tilespmem:$0x18280] =	vst v63  }
0x17: {  	_ =	swait.ge [sflag:s8], $0x280  }
0x18: {  	[sflag:s8] =	ssyncset.done $0x0  }
0x19: {  	[sflag:s8] =	ssyncadd.s32 $0xFFFFFD80  }
0x1a: {  	v3 =	vld [tilespmem:$0x0];
	_ =	sdelay $0x4  }
0x1b: {  	v4 =	vshrl.u32 v3, $0x3  }
0x1c: {  	v4 =	vmul.u32 $0x30, v4  }
0x1d: {  	v3 =	vand.u32 $0x7, v3  }
0x1e: {  	v3 =	vor.u32 v3, v4  }
0x1f: {  	v4 =	vperm.xlane v3, v0;
	_ =	sdelay $0x1  }
0x20: {  	v4 =	vadd.s32 v1, v4;
	_ =	sdelay $0x3  }
0x21: {  	v3 =	vperm.xlane v3, v2  }
0x22: {  	[tilespmem:s16], [sflag:$0x1] =	stream.indirect_vreg.gather [hbm4b:s2+s3], $0x80, v4, vm0, $0xb8;
	[tilespmem:$0x18280] =	vst v63  }
0x23: {  	s0 =	simm.s32 $0xA80;
	v3 =	vadd.s32 v1, v3  }
0x24: {  	[tilespmem:s0], [sflag:$0x1] =	stream.indirect_vreg.gather [hbm4b:s5+s3], $0x80, v4, vm0, $0xb8;
	[tilespmem:$0x18280] =	vst v63  }
0x25: {  	s28 =	simm.s32 $0x1280  }
0x26: {  	[tilespmem:s28], [sflag:$0x1] =	stream.indirect_vreg.gather [hbm4b:s6+s3], $0x80, v4, vm0, $0xb8;
	[tilespmem:$0x18280] =	vst v63  }
0x27: {  	s29 =	simm.s32 $0x1A80  }
0x28: {  	[tilespmem:s29], [sflag:$0x1] =	stream.indirect_vreg.gather [hbm4b:s2+s3], $0x80, v3, vm0, $0xb8;
	[tilespmem:$0x18280] =	vst v63  }
0x29: {  	s30 =	simm.s32 $0x2280  }
0x2a: {  	[tilespmem:s30], [sflag:$0x1] =	stream.indirect_vreg.gather [hbm4b:s5+s3], $0x80, v3, vm0, $0xb8;
	[tilespmem:$0x18280] =	vst v63  }
0x2b: {  	s31 =	simm.s32 $0x2A80  }
0x2c: {  	[tilespmem:s31], [sflag:$0x1] =	stream.indirect_vreg.gather [hbm4b:s6+s3], $0x80, v3, vm0, $0xb8;
	[tilespmem:$0x18280] =	vst v63  }
0x2d: {  	v3 =	vld [tilespmem:$0x10];
	_ =	sdelay $0x4  }
0x2e: {  	v25 =	vshrl.u32 v3, $0x3  }
0x2f: {  	v4 =	vmul.u32 $0x30, v25  }
0x30: {  	v3 =	vand.u32 $0x7, v3  }
0x31: {  	v3 =	vor.u32 v3, v4  }
0x32: {  	v4 =	vperm.xlane v3, v0;
	_ =	sdelay $0x1  }
0x33: {  	v4 =	vadd.s32 v1, v4;
	_ =	sdelay $0x3  }
0x34: {  	s1 =	simm.s32 $0x3280;
	v3 =	vperm.xlane v3, v2  }
0x35: {  	[tilespmem:s1], [sflag:$0x1] =	stream.indirect_vreg.gather [hbm4b:s2+s3], $0x80, v4, vm0, $0xb8;
	[tilespmem:$0x18280] =	vst v63  }
0x36: {  	s9 =	simm.s32 $0x3A80;
	v3 =	vadd.s32 v1, v3  }
0x37: {  	[tilespmem:s9], [sflag:$0x1] =	stream.indirect_vreg.gather [hbm4b:s5+s3], $0x80, v4, vm0, $0xb8;
	[tilespmem:$0x18280] =	vst v63  }
0x38: {  	s12 =	simm.s32 $0x4280  }
0x39: {  	[tilespmem:s12], [sflag:$0x1] =	stream.indirect_vreg.gather [hbm4b:s6+s3], $0x80, v4, vm0, $0xb8;
	[tilespmem:$0x18280] =	vst v63  }
0x3a: {  	s15 =	simm.s32 $0x4A80  }
0x3b: {  	[tilespmem:s15], [sflag:$0x1] =	stream.indirect_vreg.gather [hbm4b:s2+s3], $0x80, v3, vm0, $0xb8;
	[tilespmem:$0x18280] =	vst v63  }
0x3c: {  	s17 =	simm.s32 $0x5280  }
0x3d: {  	[tilespmem:s17], [sflag:$0x1] =	stream.indirect_vreg.gather [hbm4b:s5+s3], $0x80, v3, vm0, $0xb8;
	[tilespmem:$0x18280] =	vst v63  }
0x3e: {  	s18 =	simm.s32 $0x5A80  }
0x3f: {  	[tilespmem:s18], [sflag:$0x1] =	stream.indirect_vreg.gather [hbm4b:s6+s3], $0x80, v3, vm0, $0xb8;
	[tilespmem:$0x18280] =	vst v63  }
0x40: {  	v3 =	vld [tilespmem:$0x20];
	_ =	sdelay $0x4  }
0x41: {  	v26 =	vshrl.u32 v3, $0x3  }
0x42: {  	v4 =	vmul.u32 $0x30, v26  }
0x43: {  	v3 =	vand.u32 $0x7, v3  }
0x44: {  	v3 =	vor.u32 v3, v4  }
0x45: {  	v4 =	vperm.xlane v3, v0;
	_ =	sdelay $0x1  }
0x46: {  	v4 =	vadd.s32 v1, v4;
	_ =	sdelay $0x3  }
0x47: {  	s19 =	simm.s32 $0x6280;
	v3 =	vperm.xlane v3, v2  }
0x48: {  	[tilespmem:s19], [sflag:$0x1] =	stream.indirect_vreg.gather [hbm4b:s2+s3], $0x80, v4, vm0, $0xb8;
	[tilespmem:$0x18280] =	vst v63  }
0x49: {  	s20 =	simm.s32 $0x6A80;
	v3 =	vadd.s32 v1, v3  }
0x4a: {  	[tilespmem:s20], [sflag:$0x1] =	stream.indirect_vreg.gather [hbm4b:s5+s3], $0x80, v4, vm0, $0xb8;
	[tilespmem:$0x18280] =	vst v63  }
0x4b: {  	s21 =	simm.s32 $0x7280  }
0x4c: {  	[tilespmem:s21], [sflag:$0x1] =	stream.indirect_vreg.gather [hbm4b:s6+s3], $0x80, v4, vm0, $0xb8;
	[tilespmem:$0x18280] =	vst v63  }
0x4d: {  	s22 =	simm.s32 $0x7A80  }
0x4e: {  	[tilespmem:s22], [sflag:$0x1] =	stream.indirect_vreg.gather [hbm4b:s2+s3], $0x80, v3, vm0, $0xb8;
	[tilespmem:$0x18280] =	vst v63  }
0x4f: {  	s23 =	simm.s32 $0x8280  }
0x50: {  	[tilespmem:s23], [sflag:$0x1] =	stream.indirect_vreg.gather [hbm4b:s5+s3], $0x80, v3, vm0, $0xb8;
	[tilespmem:$0x18280] =	vst v63  }
0x51: {  	s24 =	simm.s32 $0x8A80  }
0x52: {  	[tilespmem:s24], [sflag:$0x1] =	stream.indirect_vreg.gather [hbm4b:s6+s3], $0x80, v3, vm0, $0xb8;
	[tilespmem:$0x18280] =	vst v63  }
0x53: {  	v3 =	vld [tilespmem:$0x30];
	_ =	sdelay $0x4  }
0x54: {  	v27 =	vshrl.u32 v3, $0x3  }
0x55: {  	v4 =	vmul.u32 $0x30, v27  }
0x56: {  	v3 =	vand.u32 $0x7, v3  }
0x57: {  	v3 =	vor.u32 v3, v4  }
0x58: {  	v4 =	vperm.xlane v3, v0;
	_ =	sdelay $0x1  }
0x59: {  	v4 =	vadd.s32 v1, v4;
	_ =	sdelay $0x3  }
0x5a: {  	s28 =	simm.s32 $0x9280;
	v3 =	vperm.xlane v3, v2  }
0x5b: {  	[tilespmem:s28], [sflag:$0x1] =	stream.indirect_vreg.gather [hbm4b:s2+s3], $0x80, v4, vm0, $0xb8;
	[tilespmem:$0x18280] =	vst v63  }
0x5c: {  	s29 =	simm.s32 $0x9A80;
	v3 =	vadd.s32 v1, v3  }
0x5d: {  	[tilespmem:s29], [sflag:$0x1] =	stream.indirect_vreg.gather [hbm4b:s5+s3], $0x80, v4, vm0, $0xb8;
	[tilespmem:$0x18280] =	vst v63  }
0x5e: {  	s1 =	simm.s32 $0xA280  }
0x5f: {  	[tilespmem:s1], [sflag:$0x1] =	stream.indirect_vreg.gather [hbm4b:s6+s3], $0x80, v4, vm0, $0xb8;
	[tilespmem:$0x18280] =	vst v63  }
0x60: {  	s9 =	simm.s32 $0xAA80  }
0x61: {  	[tilespmem:s9], [sflag:$0x1] =	stream.indirect_vreg.gather [hbm4b:s2+s3], $0x80, v3, vm0, $0xb8;
	[tilespmem:$0x18280] =	vst v63  }
0x62: {  	s12 =	simm.s32 $0xB280  }
0x63: {  	[tilespmem:s12], [sflag:$0x1] =	stream.indirect_vreg.gather [hbm4b:s5+s3], $0x80, v3, vm0, $0xb8;
	[tilespmem:$0x18280] =	vst v63  }
0x64: {  	s15 =	simm.s32 $0xBA80  }
0x65: {  	[tilespmem:s15], [sflag:$0x1] =	stream.indirect_vreg.gather [hbm4b:s6+s3], $0x80, v3, vm0, $0xb8;
	[tilespmem:$0x18280] =	vst v63  }
0x66: {  	v3 =	vld [tilespmem:$0x40];
	_ =	sdelay $0x4  }
0x67: {  	v28 =	vshrl.u32 v3, $0x3  }
0x68: {  	v4 =	vmul.u32 $0x30, v28  }
0x69: {  	v3 =	vand.u32 $0x7, v3  }
0x6a: {  	v3 =	vor.u32 v3, v4  }
0x6b: {  	v4 =	vperm.xlane v3, v0;
	_ =	sdelay $0x1  }
0x6c: {  	v4 =	vadd.s32 v1, v4;
	_ =	sdelay $0x3  }
0x6d: {  	v3 =	vperm.xlane v3, v2  }
0x6e: {  	[tilespmem:s4], [sflag:$0x2] =	stream.indirect_vreg.gather [hbm4b:s2+s3], $0x80, v4, vm0, $0xb8;
	[tilespmem:$0x18280] =	vst v63  }
0x6f: {  	s17 =	simm.s32 $0xCA80;
	v3 =	vadd.s32 v1, v3  }
0x70: {  	[tilespmem:s17], [sflag:$0x2] =	stream.indirect_vreg.gather [hbm4b:s5+s3], $0x80, v4, vm0, $0xb8;
	[tilespmem:$0x18280] =	vst v63  }
0x71: {  	s18 =	simm.s32 $0xD280  }
0x72: {  	[tilespmem:s18], [sflag:$0x2] =	stream.indirect_vreg.gather [hbm4b:s6+s3], $0x80, v4, vm0, $0xb8;
	[tilespmem:$0x18280] =	vst v63  }
0x73: {  	s19 =	simm.s32 $0xDA80  }
0x74: {  	[tilespmem:s19], [sflag:$0x2] =	stream.indirect_vreg.gather [hbm4b:s2+s3], $0x80, v3, vm0, $0xb8;
	[tilespmem:$0x18280] =	vst v63  }
0x75: {  	s20 =	simm.s32 $0xE280  }
0x76: {  	[tilespmem:s20], [sflag:$0x2] =	stream.indirect_vreg.gather [hbm4b:s5+s3], $0x80, v3, vm0, $0xb8;
	[tilespmem:$0x18280] =	vst v63  }
0x77: {  	s21 =	simm.s32 $0xEA80  }
0x78: {  	[tilespmem:s21], [sflag:$0x2] =	stream.indirect_vreg.gather [hbm4b:s6+s3], $0x80, v3, vm0, $0xb8;
	[tilespmem:$0x18280] =	vst v63  }
0x79: {  	v3 =	vld [tilespmem:$0x50];
	_ =	sdelay $0x4  }
0x7a: {  	v29 =	vshrl.u32 v3, $0x3  }
0x7b: {  	v4 =	vmul.u32 $0x30, v29  }
0x7c: {  	v3 =	vand.u32 $0x7, v3  }
0x7d: {  	v3 =	vor.u32 v3, v4  }
0x7e: {  	v4 =	vperm.xlane v3, v0;
	_ =	sdelay $0x1  }
0x7f: {  	v4 =	vadd.s32 v1, v4;
	_ =	sdelay $0x3  }
0x80: {  	s22 =	simm.s32 $0xF280;
	v3 =	vperm.xlane v3, v2  }
0x81: {  	[tilespmem:s22], [sflag:$0x2] =	stream.indirect_vreg.gather [hbm4b:s2+s3], $0x80, v4, vm0, $0xb8;
	[tilespmem:$0x18280] =	vst v63  }
0x82: {  	s23 =	simm.s32 $0xFA80;
	v3 =	vadd.s32 v1, v3  }
0x83: {  	[tilespmem:s23], [sflag:$0x2] =	stream.indirect_vreg.gather [hbm4b:s5+s3], $0x80, v4, vm0, $0xb8;
	[tilespmem:$0x18280] =	vst v63  }
0x84: {  	s24 =	simm.s32 $0x10280  }
0x85: {  	[tilespmem:s24], [sflag:$0x2] =	stream.indirect_vreg.gather [hbm4b:s6+s3], $0x80, v4, vm0, $0xb8;
	[tilespmem:$0x18280] =	vst v63  }
0x86: {  	s28 =	simm.s32 $0x10A80  }
0x87: {  	[tilespmem:s28], [sflag:$0x2] =	stream.indirect_vreg.gather [hbm4b:s2+s3], $0x80, v3, vm0, $0xb8;
	[tilespmem:$0x18280] =	vst v63  }
0x88: {  	s29 =	simm.s32 $0x11280  }
0x89: {  	[tilespmem:s29], [sflag:$0x2] =	stream.indirect_vreg.gather [hbm4b:s5+s3], $0x80, v3, vm0, $0xb8;
	[tilespmem:$0x18280] =	vst v63  }
0x8a: {  	s0 =	simm.s32 $0x11A80  }
0x8b: {  	[tilespmem:s0], [sflag:$0x2] =	stream.indirect_vreg.gather [hbm4b:s6+s3], $0x80, v3, vm0, $0xb8;
	[tilespmem:$0x18280] =	vst v63  }
0x8c: {  	v3 =	vld [tilespmem:$0x60];
	_ =	sdelay $0x4  }
0x8d: {  	v30 =	vshrl.u32 v3, $0x3  }
0x8e: {  	v4 =	vmul.u32 $0x30, v30  }
0x8f: {  	v3 =	vand.u32 $0x7, v3  }
0x90: {  	v3 =	vor.u32 v3, v4  }
0x91: {  	v4 =	vperm.xlane v3, v0;
	_ =	sdelay $0x1  }
0x92: {  	v4 =	vadd.s32 v1, v4;
	_ =	sdelay $0x3  }
0x93: {  	s1 =	simm.s32 $0x12280;
	v3 =	vperm.xlane v3, v2  }
0x94: {  	[tilespmem:s1], [sflag:$0x2] =	stream.indirect_vreg.gather [hbm4b:s2+s3], $0x80, v4, vm0, $0xb8;
	[tilespmem:$0x18280] =	vst v63  }
0x95: {  	s9 =	simm.s32 $0x12A80;
	v3 =	vadd.s32 v1, v3  }
0x96: {  	[tilespmem:s9], [sflag:$0x2] =	stream.indirect_vreg.gather [hbm4b:s5+s3], $0x80, v4, vm0, $0xb8;
	[tilespmem:$0x18280] =	vst v63  }
0x97: {  	s17 =	simm.s32 $0x13280  }
0x98: {  	[tilespmem:s17], [sflag:$0x2] =	stream.indirect_vreg.gather [hbm4b:s6+s3], $0x80, v4, vm0, $0xb8;
	[tilespmem:$0x18280] =	vst v63  }
0x99: {  	s20 =	simm.s32 $0x13A80  }
0x9a: {  	[tilespmem:s20], [sflag:$0x2] =	stream.indirect_vreg.gather [hbm4b:s2+s3], $0x80, v3, vm0, $0xb8;
	[tilespmem:$0x18280] =	vst v63  }
0x9b: {  	s21 =	simm.s32 $0x14280  }
0x9c: {  	[tilespmem:s21], [sflag:$0x2] =	stream.indirect_vreg.gather [hbm4b:s5+s3], $0x80, v3, vm0, $0xb8;
	[tilespmem:$0x18280] =	vst v63  }
0x9d: {  	s22 =	simm.s32 $0x14A80  }
0x9e: {  	[tilespmem:s22], [sflag:$0x2] =	stream.indirect_vreg.gather [hbm4b:s6+s3], $0x80, v3, vm0, $0xb8;
	[tilespmem:$0x18280] =	vst v63  }
0x9f: {  	v3 =	vld [tilespmem:$0x70];
	_ =	sdelay $0x4  }
0xa0: {  	v31 =	vshrl.u32 v3, $0x3  }
0xa1: {  	v4 =	vmul.u32 $0x30, v31  }
0xa2: {  	v3 =	vand.u32 $0x7, v3  }
0xa3: {  	v3 =	vor.u32 v3, v4  }
0xa4: {  	v4 =	vperm.xlane v3, v0;
	_ =	sdelay $0x1  }
0xa5: {  	v4 =	vadd.s32 v1, v4;
	_ =	sdelay $0x3  }
0xa6: {  	s23 =	simm.s32 $0x15280;
	v3 =	vperm.xlane v3, v2  }
0xa7: {  	[tilespmem:s23], [sflag:$0x2] =	stream.indirect_vreg.gather [hbm4b:s2+s3], $0x80, v4, vm0, $0xb8;
	[tilespmem:$0x18280] =	vst v63  }
0xa8: {  	s24 =	simm.s32 $0x15A80;
	v3 =	vadd.s32 v1, v3  }
0xa9: {  	[tilespmem:s24], [sflag:$0x2] =	stream.indirect_vreg.gather [hbm4b:s5+s3], $0x80, v4, vm0, $0xb8;
	[tilespmem:$0x18280] =	vst v63  }
0xaa: {  	s28 =	simm.s32 $0x16280  }
0xab: {  	[tilespmem:s28], [sflag:$0x2] =	stream.indirect_vreg.gather [hbm4b:s6+s3], $0x80, v4, vm0, $0xb8;
	[tilespmem:$0x18280] =	vst v63  }
0xac: {  	s29 =	simm.s32 $0x16A80  }
0xad: {  	[tilespmem:s29], [sflag:$0x2] =	stream.indirect_vreg.gather [hbm4b:s2+s3], $0x80, v3, vm0, $0xb8;
	[tilespmem:$0x18280] =	vst v63  }
0xae: {  	s0 =	simm.s32 $0x17280  }
0xaf: {  	[tilespmem:s0], [sflag:$0x2] =	stream.indirect_vreg.gather [hbm4b:s5+s3], $0x80, v3, vm0, $0xb8;
	[tilespmem:$0x18280] =	vst v63  }
0xb0: {  	s1 =	simm.s32 $0x17A80  }
0xb1: {  	[tilespmem:s1], [sflag:$0x2] =	stream.indirect_vreg.gather [hbm4b:s6+s3], $0x80, v3, vm0, $0xb8;
	[tilespmem:$0x18280] =	vst v63  }
0xb2: {  	_ =	swait.ge [sflag:s10], $0xC000  }
0xb3: {  	[sflag:s10] =	ssyncset.done $0x0  }
0xb4: {  	s9 =	rddreg [dreg:$0xe];
	[sflag:s10] =	ssyncadd.s32 $0xFFFF4000  }
0xb5: {  	[hbm4b:s9+s3] =	stream.linear.scatter [tilespmem:s16], [sflag:$0x3], $0xC000, $0x38;
	[tilespmem:$0x18280] =	vst v63  }
0xb6: {  	_ =	swait.ge [sflag:s8], $0xC000  }
0xb7: {  	[sflag:s8] =	ssyncset.done $0x0  }
0xb8: {  	[sflag:s8] =	ssyncadd.s32 $0xFFFF4000  }
0xb9: {  	v3 =	vld [tilespmem:$0x80];
	_ =	sdelay $0x4  }
0xba: {  	v32 =	vshrl.u32 v3, $0x3  }
0xbb: {  	v4 =	vmul.u32 $0x30, v32  }
0xbc: {  	v3 =	vand.u32 $0x7, v3  }
0xbd: {  	v3 =	vor.u32 v3, v4  }
0xbe: {  	v4 =	vperm.xlane v3, v0;
	_ =	sdelay $0x1  }
0xbf: {  	v4 =	vadd.s32 v1, v4;
	_ =	sdelay $0x3  }
0xc0: {  	v3 =	vperm.xlane v3, v2  }
0xc1: {  	[tilespmem:s16], [sflag:$0x1] =	stream.indirect_vreg.gather [hbm4b:s2+s3], $0x80, v4, vm0, $0xb8;
	[tilespmem:$0x18280] =	vst v63  }
0xc2: {  	s0 =	simm.s32 $0xA80;
	v3 =	vadd.s32 v1, v3  }
0xc3: {  	[tilespmem:s0], [sflag:$0x1] =	stream.indirect_vreg.gather [hbm4b:s5+s3], $0x80, v4, vm0, $0xb8;
	[tilespmem:$0x18280] =	vst v63  }
0xc4: {  	s1 =	simm.s32 $0x1280  }
0xc5: {  	[tilespmem:s1], [sflag:$0x1] =	stream.indirect_vreg.gather [hbm4b:s6+s3], $0x80, v4, vm0, $0xb8;
	[tilespmem:$0x18280] =	vst v63  }
0xc6: {  	s9 =	simm.s32 $0x1A80  }
0xc7: {  	[tilespmem:s9], [sflag:$0x1] =	stream.indirect_vreg.gather [hbm4b:s2+s3], $0x80, v3, vm0, $0xb8;
	[tilespmem:$0x18280] =	vst v63  }
0xc8: {  	s20 =	simm.s32 $0x2280  }
0xc9: {  	[tilespmem:s20], [sflag:$0x1] =	stream.indirect_vreg.gather [hbm4b:s5+s3], $0x80, v3, vm0, $0xb8;
	[tilespmem:$0x18280] =	vst v63  }
0xca: {  	s13 =	simm.s32 $0x2A80  }
0xcb: {  	[tilespmem:s13], [sflag:$0x1] =	stream.indirect_vreg.gather [hbm4b:s6+s3], $0x80, v3, vm0, $0xb8;
	[tilespmem:$0x18280] =	vst v63  }
0xcc: {  	v3 =	vld [tilespmem:$0x90];
	_ =	sdelay $0x4  }
0xcd: {  	v33 =	vshrl.u32 v3, $0x3  }
0xce: {  	v4 =	vmul.u32 $0x30, v33  }
0xcf: {  	v3 =	vand.u32 $0x7, v3  }
0xd0: {  	v3 =	vor.u32 v3, v4  }
0xd1: {  	v4 =	vperm.xlane v3, v0;
	_ =	sdelay $0x1  }
0xd2: {  	v4 =	vadd.s32 v1, v4;
	_ =	sdelay $0x3  }
0xd3: {  	s14 =	simm.s32 $0x3280;
	v3 =	vperm.xlane v3, v2  }
0xd4: {  	[tilespmem:s14], [sflag:$0x1] =	stream.indirect_vreg.gather [hbm4b:s2+s3], $0x80, v4, vm0, $0xb8;
	[tilespmem:$0x18280] =	vst v63  }
0xd5: {  	s21 =	simm.s32 $0x3A80;
	v3 =	vadd.s32 v1, v3  }
0xd6: {  	[tilespmem:s21], [sflag:$0x1] =	stream.indirect_vreg.gather [hbm4b:s5+s3], $0x80, v4, vm0, $0xb8;
	[tilespmem:$0x18280] =	vst v63  }
0xd7: {  	s22 =	simm.s32 $0x4280  }
0xd8: {  	[tilespmem:s22], [sflag:$0x1] =	stream.indirect_vreg.gather [hbm4b:s6+s3], $0x80, v4, vm0, $0xb8;
	[tilespmem:$0x18280] =	vst v63  }
0xd9: {  	s23 =	simm.s32 $0x4A80  }
0xda: {  	[tilespmem:s23], [sflag:$0x1] =	stream.indirect_vreg.gather [hbm4b:s2+s3], $0x80, v3, vm0, $0xb8;
	[tilespmem:$0x18280] =	vst v63  }
0xdb: {  	s24 =	simm.s32 $0x5280  }
0xdc: {  	[tilespmem:s24], [sflag:$0x1] =	stream.indirect_vreg.gather [hbm4b:s5+s3], $0x80, v3, vm0, $0xb8;
	[tilespmem:$0x18280] =	vst v63  }
0xdd: {  	s25 =	simm.s32 $0x5A80  }
0xde: {  	[tilespmem:s25], [sflag:$0x1] =	stream.indirect_vreg.gather [hbm4b:s6+s3], $0x80, v3, vm0, $0xb8;
	[tilespmem:$0x18280] =	vst v63  }
0xdf: {  	v3 =	vld [tilespmem:$0xA0];
	_ =	sdelay $0x4  }
0xe0: {  	v34 =	vshrl.u32 v3, $0x3  }
0xe1: {  	v4 =	vmul.u32 $0x30, v34  }
0xe2: {  	v3 =	vand.u32 $0x7, v3  }
0xe3: {  	v3 =	vor.u32 v3, v4  }
0xe4: {  	v4 =	vperm.xlane v3, v0;
	_ =	sdelay $0x1  }
0xe5: {  	v4 =	vadd.s32 v1, v4;
	_ =	sdelay $0x3  }
0xe6: {  	s26 =	simm.s32 $0x6280;
	v3 =	vperm.xlane v3, v2  }
0xe7: {  	[tilespmem:s26], [sflag:$0x1] =	stream.indirect_vreg.gather [hbm4b:s2+s3], $0x80, v4, vm0, $0xb8;
	[tilespmem:$0x18280] =	vst v63  }
0xe8: {  	s25 =	simm.s32 $0x6A80;
	v3 =	vadd.s32 v1, v3  }
0xe9: {  	[tilespmem:s25], [sflag:$0x1] =	stream.indirect_vreg.gather [hbm4b:s5+s3], $0x80, v4, vm0, $0xb8;
	[tilespmem:$0x18280] =	vst v63  }
0xea: {  	s26 =	simm.s32 $0x7280  }
0xeb: {  	[tilespmem:s26], [sflag:$0x1] =	stream.indirect_vreg.gather [hbm4b:s6+s3], $0x80, v4, vm0, $0xb8;
	[tilespmem:$0x18280] =	vst v63  }
0xec: {  	s28 =	simm.s32 $0x7A80  }
0xed: {  	[tilespmem:s28], [sflag:$0x1] =	stream.indirect_vreg.gather [hbm4b:s2+s3], $0x80, v3, vm0, $0xb8;
	[tilespmem:$0x18280] =	vst v63  }
0xee: {  	s29 =	simm.s32 $0x8280  }
0xef: {  	[tilespmem:s29], [sflag:$0x1] =	stream.indirect_vreg.gather [hbm4b:s5+s3], $0x80, v3, vm0, $0xb8;
	[tilespmem:$0x18280] =	vst v63  }
0xf0: {  	s30 =	simm.s32 $0x8A80  }
0xf1: {  	[tilespmem:s30], [sflag:$0x1] =	stream.indirect_vreg.gather [hbm4b:s6+s3], $0x80, v3, vm0, $0xb8;
	[tilespmem:$0x18280] =	vst v63  }
0xf2: {  	v3 =	vld [tilespmem:$0xB0];
	_ =	sdelay $0x4  }
0xf3: {  	v35 =	vshrl.u32 v3, $0x3  }
0xf4: {  	v4 =	vmul.u32 $0x30, v35  }
0xf5: {  	v3 =	vand.u32 $0x7, v3  }
0xf6: {  	v3 =	vor.u32 v3, v4  }
0xf7: {  	v4 =	vperm.xlane v3, v0;
	_ =	sdelay $0x1  }
0xf8: {  	v4 =	vadd.s32 v1, v4;
	_ =	sdelay $0x3  }
0xf9: {  	s31 =	simm.s32 $0x9280;
	v3 =	vperm.xlane v3, v2  }
0xfa: {  	[tilespmem:s31], [sflag:$0x1] =	stream.indirect_vreg.gather [hbm4b:s2+s3], $0x80, v4, vm0, $0xb8;
	[tilespmem:$0x18280] =	vst v63  }
0xfb: {  	s30 =	simm.s32 $0x9A80;
	v3 =	vadd.s32 v1, v3  }
0xfc: {  	[tilespmem:s30], [sflag:$0x1] =	stream.indirect_vreg.gather [hbm4b:s5+s3], $0x80, v4, vm0, $0xb8;
	[tilespmem:$0x18280] =	vst v63  }
0xfd: {  	s31 =	simm.s32 $0xA280  }
0xfe: {  	[tilespmem:s31], [sflag:$0x1] =	stream.indirect_vreg.gather [hbm4b:s6+s3], $0x80, v4, vm0, $0xb8;
	[tilespmem:$0x18280] =	vst v63  }
0xff: {  	s13 =	simm.s32 $0xAA80  }
0x100: {  	[tilespmem:s13], [sflag:$0x1] =	stream.indirect_vreg.gather [hbm4b:s2+s3], $0x80, v3, vm0, $0xb8;
	[tilespmem:$0x18280] =	vst v63  }
0x101: {  	s14 =	simm.s32 $0xB280  }
0x102: {  	[tilespmem:s14], [sflag:$0x1] =	stream.indirect_vreg.gather [hbm4b:s5+s3], $0x80, v3, vm0, $0xb8;
	[tilespmem:$0x18280] =	vst v63  }
0x103: {  	s15 =	simm.s32 $0xBA80  }
0x104: {  	[tilespmem:s15], [sflag:$0x1] =	stream.indirect_vreg.gather [hbm4b:s6+s3], $0x80, v3, vm0, $0xb8;
	[tilespmem:$0x18280] =	vst v63  }
0x105: {  	_ =	swait.ge [sflag:s11], $0xC000  }
0x106: {  	[sflag:s11] =	ssyncset.done $0x0  }
0x107: {  	s15 =	rddreg [dreg:$0x5];
	[sflag:s11] =	ssyncadd.s32 $0xFFFF4000  }
0x108: {  	[hbm4b:s15+s3] =	stream.linear.scatter [tilespmem:s4], [sflag:$0x3], $0xC000, $0x38;
	[tilespmem:$0x18280] =	vst v63  }
0x109: {  	_ =	swait.ge [sflag:s8], $0xC000  }
0x10a: {  	[sflag:s8] =	ssyncset.done $0x0  }
0x10b: {  	[sflag:s8] =	ssyncadd.s32 $0xFFFF4000  }
0x10c: {  	v3 =	vld [tilespmem:$0xC0];
	_ =	sdelay $0x4  }
0x10d: {  	v36 =	vshrl.u32 v3, $0x3  }
0x10e: {  	v4 =	vmul.u32 $0x30, v36  }
0x10f: {  	v3 =	vand.u32 $0x7, v3  }
0x110: {  	v3 =	vor.u32 v3, v4  }
0x111: {  	v4 =	vperm.xlane v3, v0;
	_ =	sdelay $0x1  }
0x112: {  	v4 =	vadd.s32 v1, v4;
	_ =	sdelay $0x3  }
0x113: {  	v3 =	vperm.xlane v3, v2  }
0x114: {  	[tilespmem:s4], [sflag:$0x2] =	stream.indirect_vreg.gather [hbm4b:s2+s3], $0x80, v4, vm0, $0xb8;
	[tilespmem:$0x18280] =	vst v63  }
0x115: {  	s15 =	simm.s32 $0xCA80;
	v3 =	vadd.s32 v1, v3  }
0x116: {  	[tilespmem:s15], [sflag:$0x2] =	stream.indirect_vreg.gather [hbm4b:s5+s3], $0x80, v4, vm0, $0xb8;
	[tilespmem:$0x18280] =	vst v63  }
0x117: {  	s12 =	simm.s32 $0xD280  }
0x118: {  	[tilespmem:s12], [sflag:$0x2] =	stream.indirect_vreg.gather [hbm4b:s6+s3], $0x80, v4, vm0, $0xb8;
	[tilespmem:$0x18280] =	vst v63  }
0x119: {  	s12 =	simm.s32 $0xDA80  }
0x11a: {  	[tilespmem:s12], [sflag:$0x2] =	stream.indirect_vreg.gather [hbm4b:s2+s3], $0x80, v3, vm0, $0xb8;
	[tilespmem:$0x18280] =	vst v63  }
0x11b: {  	s12 =	simm.s32 $0xE280  }
0x11c: {  	[tilespmem:s12], [sflag:$0x2] =	stream.indirect_vreg.gather [hbm4b:s5+s3], $0x80, v3, vm0, $0xb8;
	[tilespmem:$0x18280] =	vst v63  }
0x11d: {  	s18 =	simm.s32 $0xEA80  }
0x11e: {  	[tilespmem:s18], [sflag:$0x2] =	stream.indirect_vreg.gather [hbm4b:s6+s3], $0x80, v3, vm0, $0xb8;
	[tilespmem:$0x18280] =	vst v63  }
0x11f: {  	v3 =	vld [tilespmem:$0xD0];
	_ =	sdelay $0x4  }
0x120: {  	v37 =	vshrl.u32 v3, $0x3  }
0x121: {  	v4 =	vmul.u32 $0x30, v37  }
0x122: {  	v3 =	vand.u32 $0x7, v3  }
0x123: {  	v3 =	vor.u32 v3, v4  }
0x124: {  	v4 =	vperm.xlane v3, v0;
	_ =	sdelay $0x1  }
0x125: {  	v4 =	vadd.s32 v1, v4;
	_ =	sdelay $0x3  }
0x126: {  	s19 =	simm.s32 $0xF280;
	v3 =	vperm.xlane v3, v2  }
0x127: {  	[tilespmem:s19], [sflag:$0x2] =	stream.indirect_vreg.gather [hbm4b:s2+s3], $0x80, v4, vm0, $0xb8;
	[tilespmem:$0x18280] =	vst v63  }
0x128: {  	s18 =	simm.s32 $0xFA80;
	v3 =	vadd.s32 v1, v3  }
0x129: {  	[tilespmem:s18], [sflag:$0x2] =	stream.indirect_vreg.gather [hbm4b:s5+s3], $0x80, v4, vm0, $0xb8;
	[tilespmem:$0x18280] =	vst v63  }
0x12a: {  	s19 =	simm.s32 $0x10280  }
0x12b: {  	[tilespmem:s19], [sflag:$0x2] =	stream.indirect_vreg.gather [hbm4b:s6+s3], $0x80, v4, vm0, $0xb8;
	[tilespmem:$0x18280] =	vst v63  }
0x12c: {  	s12 =	simm.s32 $0x10A80  }
0x12d: {  	[tilespmem:s12], [sflag:$0x2] =	stream.indirect_vreg.gather [hbm4b:s2+s3], $0x80, v3, vm0, $0xb8;
	[tilespmem:$0x18280] =	vst v63  }
0x12e: {  	s12 =	simm.s32 $0x11280  }
0x12f: {  	[tilespmem:s12], [sflag:$0x2] =	stream.indirect_vreg.gather [hbm4b:s5+s3], $0x80, v3, vm0, $0xb8;
	[tilespmem:$0x18280] =	vst v63  }
0x130: {  	s12 =	simm.s32 $0x11A80  }
0x131: {  	[tilespmem:s12], [sflag:$0x2] =	stream.indirect_vreg.gather [hbm4b:s6+s3], $0x80, v3, vm0, $0xb8;
	[tilespmem:$0x18280] =	vst v63  }
0x132: {  	v3 =	vld [tilespmem:$0xE0];
	_ =	sdelay $0x4  }
0x133: {  	v38 =	vshrl.u32 v3, $0x3  }
0x134: {  	v4 =	vmul.u32 $0x30, v38  }
0x135: {  	v3 =	vand.u32 $0x7, v3  }
0x136: {  	v3 =	vor.u32 v3, v4  }
0x137: {  	v4 =	vperm.xlane v3, v0;
	_ =	sdelay $0x1  }
0x138: {  	v4 =	vadd.s32 v1, v4;
	_ =	sdelay $0x3  }
0x139: {  	s12 =	simm.s32 $0x12280;
	v3 =	vperm.xlane v3, v2  }
0x13a: {  	[tilespmem:s12], [sflag:$0x2] =	stream.indirect_vreg.gather [hbm4b:s2+s3], $0x80, v4, vm0, $0xb8;
	[tilespmem:$0x18280] =	vst v63  }
0x13b: {  	v3 =	vadd.s32 v1, v3;
	s12 =	simm.s32 $0x12A80  }
0x13c: {  	[tilespmem:s12], [sflag:$0x2] =	stream.indirect_vreg.gather [hbm4b:s5+s3], $0x80, v4, vm0, $0xb8;
	[tilespmem:$0x18280] =	vst v63  }
0x13d: {  	s12 =	simm.s32 $0x13280  }
0x13e: {  	[tilespmem:s12], [sflag:$0x2] =	stream.indirect_vreg.gather [hbm4b:s6+s3], $0x80, v4, vm0, $0xb8;
	[tilespmem:$0x18280] =	vst v63  }
0x13f: {  	s12 =	simm.s32 $0x13A80  }
0x140: {  	[tilespmem:s12], [sflag:$0x2] =	stream.indirect_vreg.gather [hbm4b:s2+s3], $0x80, v3, vm0, $0xb8;
	[tilespmem:$0x18280] =	vst v63  }
0x141: {  	s12 =	simm.s32 $0x14280  }
0x142: {  	[tilespmem:s12], [sflag:$0x2] =	stream.indirect_vreg.gather [hbm4b:s5+s3], $0x80, v3, vm0, $0xb8;
	[tilespmem:$0x18280] =	vst v63  }
0x143: {  	s12 =	simm.s32 $0x14A80  }
0x144: {  	[tilespmem:s12], [sflag:$0x2] =	stream.indirect_vreg.gather [hbm4b:s6+s3], $0x80, v3, vm0, $0xb8;
	[tilespmem:$0x18280] =	vst v63  }
0x145: {  	v3 =	vld [tilespmem:$0xF0];
	_ =	sdelay $0x4  }
0x146: {  	v39 =	vshrl.u32 v3, $0x3  }
0x147: {  	v4 =	vmul.u32 $0x30, v39  }
0x148: {  	v3 =	vand.u32 $0x7, v3  }
0x149: {  	v3 =	vor.u32 v3, v4  }
0x14a: {  	v4 =	vperm.xlane v3, v0;
	_ =	sdelay $0x1  }
0x14b: {  	v4 =	vadd.s32 v1, v4;
	_ =	sdelay $0x3  }
0x14c: {  	s12 =	simm.s32 $0x15280;
	v3 =	vperm.xlane v3, v2  }
0x14d: {  	[tilespmem:s12], [sflag:$0x2] =	stream.indirect_vreg.gather [hbm4b:s2+s3], $0x80, v4, vm0, $0xb8;
	[tilespmem:$0x18280] =	vst v63  }
0x14e: {  	v3 =	vadd.s32 v1, v3;
	s12 =	simm.s32 $0x15A80  }
0x14f: {  	[tilespmem:s12], [sflag:$0x2] =	stream.indirect_vreg.gather [hbm4b:s5+s3], $0x80, v4, vm0, $0xb8;
	[tilespmem:$0x18280] =	vst v63  }
0x150: {  	s12 =	simm.s32 $0x16280  }
0x151: {  	[tilespmem:s12], [sflag:$0x2] =	stream.indirect_vreg.gather [hbm4b:s6+s3], $0x80, v4, vm0, $0xb8;
	[tilespmem:$0x18280] =	vst v63  }
0x152: {  	s12 =	simm.s32 $0x16A80  }
0x153: {  	[tilespmem:s12], [sflag:$0x2] =	stream.indirect_vreg.gather [hbm4b:s2+s3], $0x80, v3, vm0, $0xb8;
	[tilespmem:$0x18280] =	vst v63  }
0x154: {  	s12 =	simm.s32 $0x17280  }
0x155: {  	[tilespmem:s12], [sflag:$0x2] =	stream.indirect_vreg.gather [hbm4b:s5+s3], $0x80, v3, vm0, $0xb8;
	[tilespmem:$0x18280] =	vst v63  }
0x156: {  	s17 =	simm.s32 $0x17A80  }
0x157: {  	[tilespmem:s17], [sflag:$0x2] =	stream.indirect_vreg.gather [hbm4b:s6+s3], $0x80, v3, vm0, $0xb8;
	[tilespmem:$0x18280] =	vst v63  }
0x158: {  	_ =	swait.ge [sflag:s10], $0xC000  }
0x159: {  	[sflag:s10] =	ssyncset.done $0x0  }
0x15a: {  	s12 =	rddreg [dreg:$0x6];
	[sflag:s10] =	ssyncadd.s32 $0xFFFF4000  }
0x15b: {  	[hbm4b:s12+s3] =	stream.linear.scatter [tilespmem:s16], [sflag:$0x3], $0xC000, $0x38;
	[tilespmem:$0x18280] =	vst v63  }
0x15c: {  	_ =	swait.ge [sflag:s8], $0xC000  }
0x15d: {  	[sflag:s8] =	ssyncset.done $0x0  }
0x15e: {  	[sflag:s8] =	ssyncadd.s32 $0xFFFF4000  }
0x15f: {  	v3 =	vld [tilespmem:$0x100];
	_ =	sdelay $0x4  }
0x160: {  	v40 =	vshrl.u32 v3, $0x3  }
0x161: {  	v4 =	vmul.u32 $0x30, v40  }
0x162: {  	v3 =	vand.u32 $0x7, v3  }
0x163: {  	v3 =	vor.u32 v3, v4  }
0x164: {  	v4 =	vperm.xlane v3, v0;
	_ =	sdelay $0x1  }
0x165: {  	v4 =	vadd.s32 v1, v4;
	_ =	sdelay $0x3  }
0x166: {  	v3 =	vperm.xlane v3, v2  }
0x167: {  	[tilespmem:s16], [sflag:$0x1] =	stream.indirect_vreg.gather [hbm4b:s2+s3], $0x80, v4, vm0, $0xb8;
	[tilespmem:$0x18280] =	vst v63  }
0x168: {  	v3 =	vadd.s32 v1, v3  }
0x169: {  	[tilespmem:s0], [sflag:$0x1] =	stream.indirect_vreg.gather [hbm4b:s5+s3], $0x80, v4, vm0, $0xb8;
	[tilespmem:$0x18280] =	vst v63  }
0x16a: {  	_ = 	snop  }
0x16b: {  	[tilespmem:s1], [sflag:$0x1] =	stream.indirect_vreg.gather [hbm4b:s6+s3], $0x80, v4, vm0, $0xb8;
	[tilespmem:$0x18280] =	vst v63  }
0x16c: {  	_ = 	snop  }
0x16d: {  	[tilespmem:s9], [sflag:$0x1] =	stream.indirect_vreg.gather [hbm4b:s2+s3], $0x80, v3, vm0, $0xb8;
	[tilespmem:$0x18280] =	vst v63  }
0x16e: {  	_ = 	snop  }
0x16f: {  	[tilespmem:s20], [sflag:$0x1] =	stream.indirect_vreg.gather [hbm4b:s5+s3], $0x80, v3, vm0, $0xb8;
	[tilespmem:$0x18280] =	vst v63  }
0x170: {  	s12 =	simm.s32 $0x2A80  }
0x171: {  	[tilespmem:s12], [sflag:$0x1] =	stream.indirect_vreg.gather [hbm4b:s6+s3], $0x80, v3, vm0, $0xb8;
	[tilespmem:$0x18280] =	vst v63  }
0x172: {  	v3 =	vld [tilespmem:$0x110];
	_ =	sdelay $0x4  }
0x173: {  	v41 =	vshrl.u32 v3, $0x3  }
0x174: {  	v4 =	vmul.u32 $0x30, v41  }
0x175: {  	v3 =	vand.u32 $0x7, v3  }
0x176: {  	v3 =	vor.u32 v3, v4  }
0x177: {  	v4 =	vperm.xlane v3, v0;
	_ =	sdelay $0x1  }
0x178: {  	v4 =	vadd.s32 v1, v4;
	_ =	sdelay $0x3  }
0x179: {  	s12 =	simm.s32 $0x3280;
	v3 =	vperm.xlane v3, v2  }
0x17a: {  	[tilespmem:s12], [sflag:$0x1] =	stream.indirect_vreg.gather [hbm4b:s2+s3], $0x80, v4, vm0, $0xb8;
	[tilespmem:$0x18280] =	vst v63  }
0x17b: {  	v3 =	vadd.s32 v1, v3  }
0x17c: {  	[tilespmem:s21], [sflag:$0x1] =	stream.indirect_vreg.gather [hbm4b:s5+s3], $0x80, v4, vm0, $0xb8;
	[tilespmem:$0x18280] =	vst v63  }
0x17d: {  	_ = 	snop  }
0x17e: {  	[tilespmem:s22], [sflag:$0x1] =	stream.indirect_vreg.gather [hbm4b:s6+s3], $0x80, v4, vm0, $0xb8;
	[tilespmem:$0x18280] =	vst v63  }
0x17f: {  	_ = 	snop  }
0x180: {  	[tilespmem:s23], [sflag:$0x1] =	stream.indirect_vreg.gather [hbm4b:s2+s3], $0x80, v3, vm0, $0xb8;
	[tilespmem:$0x18280] =	vst v63  }
0x181: {  	_ = 	snop  }
0x182: {  	[tilespmem:s24], [sflag:$0x1] =	stream.indirect_vreg.gather [hbm4b:s5+s3], $0x80, v3, vm0, $0xb8;
	[tilespmem:$0x18280] =	vst v63  }
0x183: {  	s12 =	simm.s32 $0x5A80  }
0x184: {  	[tilespmem:s12], [sflag:$0x1] =	stream.indirect_vreg.gather [hbm4b:s6+s3], $0x80, v3, vm0, $0xb8;
	[tilespmem:$0x18280] =	vst v63  }
0x185: {  	v3 =	vld [tilespmem:$0x120];
	_ =	sdelay $0x4  }
0x186: {  	v42 =	vshrl.u32 v3, $0x3  }
0x187: {  	v4 =	vmul.u32 $0x30, v42  }
0x188: {  	v3 =	vand.u32 $0x7, v3  }
0x189: {  	v3 =	vor.u32 v3, v4  }
0x18a: {  	v4 =	vperm.xlane v3, v0;
	_ =	sdelay $0x1  }
0x18b: {  	v4 =	vadd.s32 v1, v4;
	_ =	sdelay $0x3  }
0x18c: {  	s12 =	simm.s32 $0x6280;
	v3 =	vperm.xlane v3, v2  }
0x18d: {  	[tilespmem:s12], [sflag:$0x1] =	stream.indirect_vreg.gather [hbm4b:s2+s3], $0x80, v4, vm0, $0xb8;
	[tilespmem:$0x18280] =	vst v63  }
0x18e: {  	v3 =	vadd.s32 v1, v3  }
0x18f: {  	[tilespmem:s25], [sflag:$0x1] =	stream.indirect_vreg.gather [hbm4b:s5+s3], $0x80, v4, vm0, $0xb8;
	[tilespmem:$0x18280] =	vst v63  }
0x190: {  	_ = 	snop  }
0x191: {  	[tilespmem:s26], [sflag:$0x1] =	stream.indirect_vreg.gather [hbm4b:s6+s3], $0x80, v4, vm0, $0xb8;
	[tilespmem:$0x18280] =	vst v63  }
0x192: {  	_ = 	snop  }
0x193: {  	[tilespmem:s28], [sflag:$0x1] =	stream.indirect_vreg.gather [hbm4b:s2+s3], $0x80, v3, vm0, $0xb8;
	[tilespmem:$0x18280] =	vst v63  }
0x194: {  	_ = 	snop  }
0x195: {  	[tilespmem:s29], [sflag:$0x1] =	stream.indirect_vreg.gather [hbm4b:s5+s3], $0x80, v3, vm0, $0xb8;
	[tilespmem:$0x18280] =	vst v63  }
0x196: {  	s12 =	simm.s32 $0x8A80  }
0x197: {  	[tilespmem:s12], [sflag:$0x1] =	stream.indirect_vreg.gather [hbm4b:s6+s3], $0x80, v3, vm0, $0xb8;
	[tilespmem:$0x18280] =	vst v63  }
0x198: {  	v3 =	vld [tilespmem:$0x130];
	_ =	sdelay $0x4  }
0x199: {  	v43 =	vshrl.u32 v3, $0x3  }
0x19a: {  	v4 =	vmul.u32 $0x30, v43  }
0x19b: {  	v3 =	vand.u32 $0x7, v3  }
0x19c: {  	v3 =	vor.u32 v3, v4  }
0x19d: {  	v4 =	vperm.xlane v3, v0;
	_ =	sdelay $0x1  }
0x19e: {  	v4 =	vadd.s32 v1, v4;
	_ =	sdelay $0x3  }
0x19f: {  	s12 =	simm.s32 $0x9280;
	v3 =	vperm.xlane v3, v2  }
0x1a0: {  	[tilespmem:s12], [sflag:$0x1] =	stream.indirect_vreg.gather [hbm4b:s2+s3], $0x80, v4, vm0, $0xb8;
	[tilespmem:$0x18280] =	vst v63  }
0x1a1: {  	v3 =	vadd.s32 v1, v3  }
0x1a2: {  	[tilespmem:s30], [sflag:$0x1] =	stream.indirect_vreg.gather [hbm4b:s5+s3], $0x80, v4, vm0, $0xb8;
	[tilespmem:$0x18280] =	vst v63  }
0x1a3: {  	_ = 	snop  }
0x1a4: {  	[tilespmem:s31], [sflag:$0x1] =	stream.indirect_vreg.gather [hbm4b:s6+s3], $0x80, v4, vm0, $0xb8;
	[tilespmem:$0x18280] =	vst v63  }
0x1a5: {  	_ = 	snop  }
0x1a6: {  	[tilespmem:s13], [sflag:$0x1] =	stream.indirect_vreg.gather [hbm4b:s2+s3], $0x80, v3, vm0, $0xb8;
	[tilespmem:$0x18280] =	vst v63  }
0x1a7: {  	_ = 	snop  }
0x1a8: {  	[tilespmem:s14], [sflag:$0x1] =	stream.indirect_vreg.gather [hbm4b:s5+s3], $0x80, v3, vm0, $0xb8;
	[tilespmem:$0x18280] =	vst v63  }
0x1a9: {  	s12 =	simm.s32 $0xBA80  }
0x1aa: {  	[tilespmem:s12], [sflag:$0x1] =	stream.indirect_vreg.gather [hbm4b:s6+s3], $0x80, v3, vm0, $0xb8;
	[tilespmem:$0x18280] =	vst v63  }
0x1ab: {  	_ =	swait.ge [sflag:s11], $0xC000  }
0x1ac: {  	[sflag:s11] =	ssyncset.done $0x0  }
0x1ad: {  	s12 =	rddreg [dreg:$0x7];
	[sflag:s11] =	ssyncadd.s32 $0xFFFF4000  }
0x1ae: {  	[hbm4b:s12+s3] =	stream.linear.scatter [tilespmem:s4], [sflag:$0x3], $0xC000, $0x38;
	[tilespmem:$0x18280] =	vst v63  }
0x1af: {  	_ =	swait.ge [sflag:s8], $0xC000  }
0x1b0: {  	[sflag:s8] =	ssyncset.done $0x0  }
0x1b1: {  	[sflag:s8] =	ssyncadd.s32 $0xFFFF4000  }
0x1b2: {  	v3 =	vld [tilespmem:$0x140];
	_ =	sdelay $0x4  }
0x1b3: {  	v44 =	vshrl.u32 v3, $0x3  }
0x1b4: {  	v4 =	vmul.u32 $0x30, v44  }
0x1b5: {  	v3 =	vand.u32 $0x7, v3  }
0x1b6: {  	v3 =	vor.u32 v3, v4  }
0x1b7: {  	v4 =	vperm.xlane v3, v0;
	_ =	sdelay $0x1  }
0x1b8: {  	v4 =	vadd.s32 v1, v4;
	_ =	sdelay $0x3  }
0x1b9: {  	v3 =	vperm.xlane v3, v2  }
0x1ba: {  	[tilespmem:s4], [sflag:$0x2] =	stream.indirect_vreg.gather [hbm4b:s2+s3], $0x80, v4, vm0, $0xb8;
	[tilespmem:$0x18280] =	vst v63  }
0x1bb: {  	s15 =	simm.s32 $0xCA80;
	v3 =	vadd.s32 v1, v3  }
0x1bc: {  	[tilespmem:s15], [sflag:$0x2] =	stream.indirect_vreg.gather [hbm4b:s5+s3], $0x80, v4, vm0, $0xb8;
	[tilespmem:$0x18280] =	vst v63  }
0x1bd: {  	s12 =	simm.s32 $0xD280  }
0x1be: {  	[tilespmem:s12], [sflag:$0x2] =	stream.indirect_vreg.gather [hbm4b:s6+s3], $0x80, v4, vm0, $0xb8;
	[tilespmem:$0x18280] =	vst v63  }
0x1bf: {  	s12 =	simm.s32 $0xDA80  }
0x1c0: {  	[tilespmem:s12], [sflag:$0x2] =	stream.indirect_vreg.gather [hbm4b:s2+s3], $0x80, v3, vm0, $0xb8;
	[tilespmem:$0x18280] =	vst v63  }
0x1c1: {  	s12 =	simm.s32 $0xE280  }
0x1c2: {  	[tilespmem:s12], [sflag:$0x2] =	stream.indirect_vreg.gather [hbm4b:s5+s3], $0x80, v3, vm0, $0xb8;
	[tilespmem:$0x18280] =	vst v63  }
0x1c3: {  	s12 =	simm.s32 $0xEA80  }
0x1c4: {  	[tilespmem:s12], [sflag:$0x2] =	stream.indirect_vreg.gather [hbm4b:s6+s3], $0x80, v3, vm0, $0xb8;
	[tilespmem:$0x18280] =	vst v63  }
0x1c5: {  	v3 =	vld [tilespmem:$0x150];
	_ =	sdelay $0x4  }
0x1c6: {  	v45 =	vshrl.u32 v3, $0x3  }
0x1c7: {  	v4 =	vmul.u32 $0x30, v45  }
0x1c8: {  	v3 =	vand.u32 $0x7, v3  }
0x1c9: {  	v3 =	vor.u32 v3, v4  }
0x1ca: {  	v4 =	vperm.xlane v3, v0;
	_ =	sdelay $0x1  }
0x1cb: {  	v4 =	vadd.s32 v1, v4;
	_ =	sdelay $0x3  }
0x1cc: {  	s12 =	simm.s32 $0xF280;
	v3 =	vperm.xlane v3, v2  }
0x1cd: {  	[tilespmem:s12], [sflag:$0x2] =	stream.indirect_vreg.gather [hbm4b:s2+s3], $0x80, v4, vm0, $0xb8;
	[tilespmem:$0x18280] =	vst v63  }
0x1ce: {  	s18 =	simm.s32 $0xFA80;
	v3 =	vadd.s32 v1, v3  }
0x1cf: {  	[tilespmem:s18], [sflag:$0x2] =	stream.indirect_vreg.gather [hbm4b:s5+s3], $0x80, v4, vm0, $0xb8;
	[tilespmem:$0x18280] =	vst v63  }
0x1d0: {  	s19 =	simm.s32 $0x10280  }
0x1d1: {  	[tilespmem:s19], [sflag:$0x2] =	stream.indirect_vreg.gather [hbm4b:s6+s3], $0x80, v4, vm0, $0xb8;
	[tilespmem:$0x18280] =	vst v63  }
0x1d2: {  	s19 =	simm.s32 $0x10A80  }
0x1d3: {  	[tilespmem:s19], [sflag:$0x2] =	stream.indirect_vreg.gather [hbm4b:s2+s3], $0x80, v3, vm0, $0xb8;
	[tilespmem:$0x18280] =	vst v63  }
0x1d4: {  	s18 =	simm.s32 $0x11280  }
0x1d5: {  	[tilespmem:s18], [sflag:$0x2] =	stream.indirect_vreg.gather [hbm4b:s5+s3], $0x80, v3, vm0, $0xb8;
	[tilespmem:$0x18280] =	vst v63  }
0x1d6: {  	s19 =	simm.s32 $0x11A80  }
0x1d7: {  	[tilespmem:s19], [sflag:$0x2] =	stream.indirect_vreg.gather [hbm4b:s6+s3], $0x80, v3, vm0, $0xb8;
	[tilespmem:$0x18280] =	vst v63  }
0x1d8: {  	v3 =	vld [tilespmem:$0x160];
	_ =	sdelay $0x4  }
0x1d9: {  	v46 =	vshrl.u32 v3, $0x3  }
0x1da: {  	v4 =	vmul.u32 $0x30, v46  }
0x1db: {  	v3 =	vand.u32 $0x7, v3  }
0x1dc: {  	v3 =	vor.u32 v3, v4  }
0x1dd: {  	v4 =	vperm.xlane v3, v0;
	_ =	sdelay $0x1  }
0x1de: {  	v4 =	vadd.s32 v1, v4;
	_ =	sdelay $0x3  }
0x1df: {  	s18 =	simm.s32 $0x12280;
	v3 =	vperm.xlane v3, v2  }
0x1e0: {  	[tilespmem:s18], [sflag:$0x2] =	stream.indirect_vreg.gather [hbm4b:s2+s3], $0x80, v4, vm0, $0xb8;
	[tilespmem:$0x18280] =	vst v63  }
0x1e1: {  	s19 =	simm.s32 $0x12A80;
	v3 =	vadd.s32 v1, v3  }
0x1e2: {  	[tilespmem:s19], [sflag:$0x2] =	stream.indirect_vreg.gather [hbm4b:s5+s3], $0x80, v4, vm0, $0xb8;
	[tilespmem:$0x18280] =	vst v63  }
0x1e3: {  	s18 =	simm.s32 $0x13280  }
0x1e4: {  	[tilespmem:s18], [sflag:$0x2] =	stream.indirect_vreg.gather [hbm4b:s6+s3], $0x80, v4, vm0, $0xb8;
	[tilespmem:$0x18280] =	vst v63  }
0x1e5: {  	s19 =	simm.s32 $0x13A80  }
0x1e6: {  	[tilespmem:s19], [sflag:$0x2] =	stream.indirect_vreg.gather [hbm4b:s2+s3], $0x80, v3, vm0, $0xb8;
	[tilespmem:$0x18280] =	vst v63  }
0x1e7: {  	s18 =	simm.s32 $0x14280  }
0x1e8: {  	[tilespmem:s18], [sflag:$0x2] =	stream.indirect_vreg.gather [hbm4b:s5+s3], $0x80, v3, vm0, $0xb8;
	[tilespmem:$0x18280] =	vst v63  }
0x1e9: {  	s19 =	simm.s32 $0x14A80  }
0x1ea: {  	[tilespmem:s19], [sflag:$0x2] =	stream.indirect_vreg.gather [hbm4b:s6+s3], $0x80, v3, vm0, $0xb8;
	[tilespmem:$0x18280] =	vst v63  }
0x1eb: {  	v3 =	vld [tilespmem:$0x170];
	_ =	sdelay $0x4  }
0x1ec: {  	v47 =	vshrl.u32 v3, $0x3  }
0x1ed: {  	v4 =	vmul.u32 $0x30, v47  }
0x1ee: {  	v3 =	vand.u32 $0x7, v3  }
0x1ef: {  	v3 =	vor.u32 v3, v4  }
0x1f0: {  	v4 =	vperm.xlane v3, v0;
	_ =	sdelay $0x1  }
0x1f1: {  	v4 =	vadd.s32 v1, v4;
	_ =	sdelay $0x3  }
0x1f2: {  	s18 =	simm.s32 $0x15280;
	v3 =	vperm.xlane v3, v2  }
0x1f3: {  	[tilespmem:s18], [sflag:$0x2] =	stream.indirect_vreg.gather [hbm4b:s2+s3], $0x80, v4, vm0, $0xb8;
	[tilespmem:$0x18280] =	vst v63  }
0x1f4: {  	s19 =	simm.s32 $0x15A80;
	v3 =	vadd.s32 v1, v3  }
0x1f5: {  	[tilespmem:s19], [sflag:$0x2] =	stream.indirect_vreg.gather [hbm4b:s5+s3], $0x80, v4, vm0, $0xb8;
	[tilespmem:$0x18280] =	vst v63  }
0x1f6: {  	s18 =	simm.s32 $0x16280  }
0x1f7: {  	[tilespmem:s18], [sflag:$0x2] =	stream.indirect_vreg.gather [hbm4b:s6+s3], $0x80, v4, vm0, $0xb8;
	[tilespmem:$0x18280] =	vst v63  }
0x1f8: {  	s19 =	simm.s32 $0x16A80  }
0x1f9: {  	[tilespmem:s19], [sflag:$0x2] =	stream.indirect_vreg.gather [hbm4b:s2+s3], $0x80, v3, vm0, $0xb8;
	[tilespmem:$0x18280] =	vst v63  }
0x1fa: {  	s18 =	simm.s32 $0x17280  }
0x1fb: {  	[tilespmem:s18], [sflag:$0x2] =	stream.indirect_vreg.gather [hbm4b:s5+s3], $0x80, v3, vm0, $0xb8;
	[tilespmem:$0x18280] =	vst v63  }
0x1fc: {  	s17 =	simm.s32 $0x17A80  }
0x1fd: {  	[tilespmem:s17], [sflag:$0x2] =	stream.indirect_vreg.gather [hbm4b:s6+s3], $0x80, v3, vm0, $0xb8;
	[tilespmem:$0x18280] =	vst v63  }
0x1fe: {  	_ =	swait.ge [sflag:s10], $0xC000  }
0x1ff: {  	[sflag:s10] =	ssyncset.done $0x0  }
0x200: {  	s19 =	rddreg [dreg:$0x8];
	[sflag:s10] =	ssyncadd.s32 $0xFFFF4000  }
0x201: {  	[hbm4b:s19+s3] =	stream.linear.scatter [tilespmem:s16], [sflag:$0x3], $0xC000, $0x38;
	[tilespmem:$0x18280] =	vst v63  }
0x202: {  	_ =	swait.ge [sflag:s8], $0xC000  }
0x203: {  	[sflag:s8] =	ssyncset.done $0x0  }
0x204: {  	[sflag:s8] =	ssyncadd.s32 $0xFFFF4000  }
0x205: {  	v3 =	vld [tilespmem:$0x180];
	_ =	sdelay $0x4  }
0x206: {  	v48 =	vshrl.u32 v3, $0x3  }
0x207: {  	v4 =	vmul.u32 $0x30, v48  }
0x208: {  	v3 =	vand.u32 $0x7, v3  }
0x209: {  	v3 =	vor.u32 v3, v4  }
0x20a: {  	v4 =	vperm.xlane v3, v0;
	_ =	sdelay $0x1  }
0x20b: {  	v4 =	vadd.s32 v1, v4;
	_ =	sdelay $0x3  }
0x20c: {  	v3 =	vperm.xlane v3, v2  }
0x20d: {  	[tilespmem:s16], [sflag:$0x1] =	stream.indirect_vreg.gather [hbm4b:s2+s3], $0x80, v4, vm0, $0xb8;
	[tilespmem:$0x18280] =	vst v63  }
0x20e: {  	s0 =	simm.s32 $0xA80;
	v3 =	vadd.s32 v1, v3  }
0x20f: {  	[tilespmem:s0], [sflag:$0x1] =	stream.indirect_vreg.gather [hbm4b:s5+s3], $0x80, v4, vm0, $0xb8;
	[tilespmem:$0x18280] =	vst v63  }
0x210: {  	s1 =	simm.s32 $0x1280  }
0x211: {  	[tilespmem:s1], [sflag:$0x1] =	stream.indirect_vreg.gather [hbm4b:s6+s3], $0x80, v4, vm0, $0xb8;
	[tilespmem:$0x18280] =	vst v63  }
0x212: {  	s9 =	simm.s32 $0x1A80  }
0x213: {  	[tilespmem:s9], [sflag:$0x1] =	stream.indirect_vreg.gather [hbm4b:s2+s3], $0x80, v3, vm0, $0xb8;
	[tilespmem:$0x18280] =	vst v63  }
0x214: {  	s20 =	simm.s32 $0x2280  }
0x215: {  	[tilespmem:s20], [sflag:$0x1] =	stream.indirect_vreg.gather [hbm4b:s5+s3], $0x80, v3, vm0, $0xb8;
	[tilespmem:$0x18280] =	vst v63  }
0x216: {  	s20 =	simm.s32 $0x2A80  }
0x217: {  	[tilespmem:s20], [sflag:$0x1] =	stream.indirect_vreg.gather [hbm4b:s6+s3], $0x80, v3, vm0, $0xb8;
	[tilespmem:$0x18280] =	vst v63  }
0x218: {  	v3 =	vld [tilespmem:$0x190];
	_ =	sdelay $0x4  }
0x219: {  	v49 =	vshrl.u32 v3, $0x3  }
0x21a: {  	v4 =	vmul.u32 $0x30, v49  }
0x21b: {  	v3 =	vand.u32 $0x7, v3  }
0x21c: {  	v3 =	vor.u32 v3, v4  }
0x21d: {  	v4 =	vperm.xlane v3, v0;
	_ =	sdelay $0x1  }
0x21e: {  	v4 =	vadd.s32 v1, v4;
	_ =	sdelay $0x3  }
0x21f: {  	s18 =	simm.s32 $0x3280;
	v3 =	vperm.xlane v3, v2  }
0x220: {  	[tilespmem:s18], [sflag:$0x1] =	stream.indirect_vreg.gather [hbm4b:s2+s3], $0x80, v4, vm0, $0xb8;
	[tilespmem:$0x18280] =	vst v63  }
0x221: {  	s21 =	simm.s32 $0x3A80;
	v3 =	vadd.s32 v1, v3  }
0x222: {  	[tilespmem:s21], [sflag:$0x1] =	stream.indirect_vreg.gather [hbm4b:s5+s3], $0x80, v4, vm0, $0xb8;
	[tilespmem:$0x18280] =	vst v63  }
0x223: {  	s22 =	simm.s32 $0x4280  }
0x224: {  	[tilespmem:s22], [sflag:$0x1] =	stream.indirect_vreg.gather [hbm4b:s6+s3], $0x80, v4, vm0, $0xb8;
	[tilespmem:$0x18280] =	vst v63  }
0x225: {  	s23 =	simm.s32 $0x4A80  }
0x226: {  	[tilespmem:s23], [sflag:$0x1] =	stream.indirect_vreg.gather [hbm4b:s2+s3], $0x80, v3, vm0, $0xb8;
	[tilespmem:$0x18280] =	vst v63  }
0x227: {  	s24 =	simm.s32 $0x5280  }
0x228: {  	[tilespmem:s24], [sflag:$0x1] =	stream.indirect_vreg.gather [hbm4b:s5+s3], $0x80, v3, vm0, $0xb8;
	[tilespmem:$0x18280] =	vst v63  }
0x229: {  	s19 =	simm.s32 $0x5A80  }
0x22a: {  	[tilespmem:s19], [sflag:$0x1] =	stream.indirect_vreg.gather [hbm4b:s6+s3], $0x80, v3, vm0, $0xb8;
	[tilespmem:$0x18280] =	vst v63  }
0x22b: {  	v3 =	vld [tilespmem:$0x1A0];
	_ =	sdelay $0x4  }
0x22c: {  	v50 =	vshrl.u32 v3, $0x3  }
0x22d: {  	v4 =	vmul.u32 $0x30, v50  }
0x22e: {  	v3 =	vand.u32 $0x7, v3  }
0x22f: {  	v3 =	vor.u32 v3, v4  }
0x230: {  	v4 =	vperm.xlane v3, v0;
	_ =	sdelay $0x1  }
0x231: {  	v4 =	vadd.s32 v1, v4;
	_ =	sdelay $0x3  }
0x232: {  	s24 =	simm.s32 $0x6280;
	v3 =	vperm.xlane v3, v2  }
0x233: {  	[tilespmem:s24], [sflag:$0x1] =	stream.indirect_vreg.gather [hbm4b:s2+s3], $0x80, v4, vm0, $0xb8;
	[tilespmem:$0x18280] =	vst v63  }
0x234: {  	s25 =	simm.s32 $0x6A80;
	v3 =	vadd.s32 v1, v3  }
0x235: {  	[tilespmem:s25], [sflag:$0x1] =	stream.indirect_vreg.gather [hbm4b:s5+s3], $0x80, v4, vm0, $0xb8;
	[tilespmem:$0x18280] =	vst v63  }
0x236: {  	s26 =	simm.s32 $0x7280  }
0x237: {  	[tilespmem:s26], [sflag:$0x1] =	stream.indirect_vreg.gather [hbm4b:s6+s3], $0x80, v4, vm0, $0xb8;
	[tilespmem:$0x18280] =	vst v63  }
0x238: {  	s28 =	simm.s32 $0x7A80  }
0x239: {  	[tilespmem:s28], [sflag:$0x1] =	stream.indirect_vreg.gather [hbm4b:s2+s3], $0x80, v3, vm0, $0xb8;
	[tilespmem:$0x18280] =	vst v63  }
0x23a: {  	s29 =	simm.s32 $0x8280  }
0x23b: {  	[tilespmem:s29], [sflag:$0x1] =	stream.indirect_vreg.gather [hbm4b:s5+s3], $0x80, v3, vm0, $0xb8;
	[tilespmem:$0x18280] =	vst v63  }
0x23c: {  	s29 =	simm.s32 $0x8A80  }
0x23d: {  	[tilespmem:s29], [sflag:$0x1] =	stream.indirect_vreg.gather [hbm4b:s6+s3], $0x80, v3, vm0, $0xb8;
	[tilespmem:$0x18280] =	vst v63  }
0x23e: {  	v3 =	vld [tilespmem:$0x1B0];
	_ =	sdelay $0x4  }
0x23f: {  	v51 =	vshrl.u32 v3, $0x3  }
0x240: {  	v4 =	vmul.u32 $0x30, v51  }
0x241: {  	v3 =	vand.u32 $0x7, v3  }
0x242: {  	v3 =	vor.u32 v3, v4  }
0x243: {  	v4 =	vperm.xlane v3, v0;
	_ =	sdelay $0x1  }
0x244: {  	v4 =	vadd.s32 v1, v4;
	_ =	sdelay $0x3  }
0x245: {  	s18 =	simm.s32 $0x9280;
	v3 =	vperm.xlane v3, v2  }
0x246: {  	[tilespmem:s18], [sflag:$0x1] =	stream.indirect_vreg.gather [hbm4b:s2+s3], $0x80, v4, vm0, $0xb8;
	[tilespmem:$0x18280] =	vst v63  }
0x247: {  	s30 =	simm.s32 $0x9A80;
	v3 =	vadd.s32 v1, v3  }
0x248: {  	[tilespmem:s30], [sflag:$0x1] =	stream.indirect_vreg.gather [hbm4b:s5+s3], $0x80, v4, vm0, $0xb8;
	[tilespmem:$0x18280] =	vst v63  }
0x249: {  	s31 =	simm.s32 $0xA280  }
0x24a: {  	[tilespmem:s31], [sflag:$0x1] =	stream.indirect_vreg.gather [hbm4b:s6+s3], $0x80, v4, vm0, $0xb8;
	[tilespmem:$0x18280] =	vst v63  }
0x24b: {  	s13 =	simm.s32 $0xAA80  }
0x24c: {  	[tilespmem:s13], [sflag:$0x1] =	stream.indirect_vreg.gather [hbm4b:s2+s3], $0x80, v3, vm0, $0xb8;
	[tilespmem:$0x18280] =	vst v63  }
0x24d: {  	s14 =	simm.s32 $0xB280  }
0x24e: {  	[tilespmem:s14], [sflag:$0x1] =	stream.indirect_vreg.gather [hbm4b:s5+s3], $0x80, v3, vm0, $0xb8;
	[tilespmem:$0x18280] =	vst v63  }
0x24f: {  	s19 =	simm.s32 $0xBA80  }
0x250: {  	[tilespmem:s19], [sflag:$0x1] =	stream.indirect_vreg.gather [hbm4b:s6+s3], $0x80, v3, vm0, $0xb8;
	[tilespmem:$0x18280] =	vst v63  }
0x251: {  	_ =	swait.ge [sflag:s11], $0xC000  }
0x252: {  	[sflag:s11] =	ssyncset.done $0x0  }
0x253: {  	s14 =	rddreg [dreg:$0x9];
	[sflag:s11] =	ssyncadd.s32 $0xFFFF4000  }
0x254: {  	[hbm4b:s14+s3] =	stream.linear.scatter [tilespmem:s4], [sflag:$0x3], $0xC000, $0x38;
	[tilespmem:$0x18280] =	vst v63  }
0x255: {  	_ =	swait.ge [sflag:s8], $0xC000  }
0x256: {  	[sflag:s8] =	ssyncset.done $0x0  }
0x257: {  	[sflag:s8] =	ssyncadd.s32 $0xFFFF4000  }
0x258: {  	v3 =	vld [tilespmem:$0x1C0];
	_ =	sdelay $0x4  }
0x259: {  	v52 =	vshrl.u32 v3, $0x3  }
0x25a: {  	v4 =	vmul.u32 $0x30, v52  }
0x25b: {  	v3 =	vand.u32 $0x7, v3  }
0x25c: {  	v3 =	vor.u32 v3, v4  }
0x25d: {  	v4 =	vperm.xlane v3, v0;
	_ =	sdelay $0x1  }
0x25e: {  	v4 =	vadd.s32 v1, v4;
	_ =	sdelay $0x3  }
0x25f: {  	v3 =	vperm.xlane v3, v2  }
0x260: {  	[tilespmem:s4], [sflag:$0x2] =	stream.indirect_vreg.gather [hbm4b:s2+s3], $0x80, v4, vm0, $0xb8;
	[tilespmem:$0x18280] =	vst v63  }
0x261: {  	s15 =	simm.s32 $0xCA80;
	v3 =	vadd.s32 v1, v3  }
0x262: {  	[tilespmem:s15], [sflag:$0x2] =	stream.indirect_vreg.gather [hbm4b:s5+s3], $0x80, v4, vm0, $0xb8;
	[tilespmem:$0x18280] =	vst v63  }
0x263: {  	s15 =	simm.s32 $0xD280  }
0x264: {  	[tilespmem:s15], [sflag:$0x2] =	stream.indirect_vreg.gather [hbm4b:s6+s3], $0x80, v4, vm0, $0xb8;
	[tilespmem:$0x18280] =	vst v63  }
0x265: {  	s18 =	simm.s32 $0xDA80  }
0x266: {  	[tilespmem:s18], [sflag:$0x2] =	stream.indirect_vreg.gather [hbm4b:s2+s3], $0x80, v3, vm0, $0xb8;
	[tilespmem:$0x18280] =	vst v63  }
0x267: {  	s19 =	simm.s32 $0xE280  }
0x268: {  	[tilespmem:s19], [sflag:$0x2] =	stream.indirect_vreg.gather [hbm4b:s5+s3], $0x80, v3, vm0, $0xb8;
	[tilespmem:$0x18280] =	vst v63  }
0x269: {  	s12 =	simm.s32 $0xEA80  }
0x26a: {  	[tilespmem:s12], [sflag:$0x2] =	stream.indirect_vreg.gather [hbm4b:s6+s3], $0x80, v3, vm0, $0xb8;
	[tilespmem:$0x18280] =	vst v63  }
0x26b: {  	v3 =	vld [tilespmem:$0x1D0];
	_ =	sdelay $0x4  }
0x26c: {  	v53 =	vshrl.u32 v3, $0x3  }
0x26d: {  	v4 =	vmul.u32 $0x30, v53  }
0x26e: {  	v3 =	vand.u32 $0x7, v3  }
0x26f: {  	v3 =	vor.u32 v3, v4  }
0x270: {  	v4 =	vperm.xlane v3, v0;
	_ =	sdelay $0x1  }
0x271: {  	v4 =	vadd.s32 v1, v4;
	_ =	sdelay $0x3  }
0x272: {  	s12 =	simm.s32 $0xF280;
	v3 =	vperm.xlane v3, v2  }
0x273: {  	[tilespmem:s12], [sflag:$0x2] =	stream.indirect_vreg.gather [hbm4b:s2+s3], $0x80, v4, vm0, $0xb8;
	[tilespmem:$0x18280] =	vst v63  }
0x274: {  	v3 =	vadd.s32 v1, v3;
	s12 =	simm.s32 $0xFA80  }
0x275: {  	[tilespmem:s12], [sflag:$0x2] =	stream.indirect_vreg.gather [hbm4b:s5+s3], $0x80, v4, vm0, $0xb8;
	[tilespmem:$0x18280] =	vst v63  }
0x276: {  	s12 =	simm.s32 $0x10280  }
0x277: {  	[tilespmem:s12], [sflag:$0x2] =	stream.indirect_vreg.gather [hbm4b:s6+s3], $0x80, v4, vm0, $0xb8;
	[tilespmem:$0x18280] =	vst v63  }
0x278: {  	s12 =	simm.s32 $0x10A80  }
0x279: {  	[tilespmem:s12], [sflag:$0x2] =	stream.indirect_vreg.gather [hbm4b:s2+s3], $0x80, v3, vm0, $0xb8;
	[tilespmem:$0x18280] =	vst v63  }
0x27a: {  	s12 =	simm.s32 $0x11280  }
0x27b: {  	[tilespmem:s12], [sflag:$0x2] =	stream.indirect_vreg.gather [hbm4b:s5+s3], $0x80, v3, vm0, $0xb8;
	[tilespmem:$0x18280] =	vst v63  }
0x27c: {  	s12 =	simm.s32 $0x11A80  }
0x27d: {  	[tilespmem:s12], [sflag:$0x2] =	stream.indirect_vreg.gather [hbm4b:s6+s3], $0x80, v3, vm0, $0xb8;
	[tilespmem:$0x18280] =	vst v63  }
0x27e: {  	v3 =	vld [tilespmem:$0x1E0];
	_ =	sdelay $0x4  }
0x27f: {  	v54 =	vshrl.u32 v3, $0x3  }
0x280: {  	v4 =	vmul.u32 $0x30, v54  }
0x281: {  	v3 =	vand.u32 $0x7, v3  }
0x282: {  	v3 =	vor.u32 v3, v4  }
0x283: {  	v4 =	vperm.xlane v3, v0;
	_ =	sdelay $0x1  }
0x284: {  	v4 =	vadd.s32 v1, v4;
	_ =	sdelay $0x3  }
0x285: {  	s12 =	simm.s32 $0x12280;
	v3 =	vperm.xlane v3, v2  }
0x286: {  	[tilespmem:s12], [sflag:$0x2] =	stream.indirect_vreg.gather [hbm4b:s2+s3], $0x80, v4, vm0, $0xb8;
	[tilespmem:$0x18280] =	vst v63  }
0x287: {  	v3 =	vadd.s32 v1, v3;
	s12 =	simm.s32 $0x12A80  }
0x288: {  	[tilespmem:s12], [sflag:$0x2] =	stream.indirect_vreg.gather [hbm4b:s5+s3], $0x80, v4, vm0, $0xb8;
	[tilespmem:$0x18280] =	vst v63  }
0x289: {  	s12 =	simm.s32 $0x13280  }
0x28a: {  	[tilespmem:s12], [sflag:$0x2] =	stream.indirect_vreg.gather [hbm4b:s6+s3], $0x80, v4, vm0, $0xb8;
	[tilespmem:$0x18280] =	vst v63  }
0x28b: {  	s12 =	simm.s32 $0x13A80  }
0x28c: {  	[tilespmem:s12], [sflag:$0x2] =	stream.indirect_vreg.gather [hbm4b:s2+s3], $0x80, v3, vm0, $0xb8;
	[tilespmem:$0x18280] =	vst v63  }
0x28d: {  	s12 =	simm.s32 $0x14280  }
0x28e: {  	[tilespmem:s12], [sflag:$0x2] =	stream.indirect_vreg.gather [hbm4b:s5+s3], $0x80, v3, vm0, $0xb8;
	[tilespmem:$0x18280] =	vst v63  }
0x28f: {  	s12 =	simm.s32 $0x14A80  }
0x290: {  	[tilespmem:s12], [sflag:$0x2] =	stream.indirect_vreg.gather [hbm4b:s6+s3], $0x80, v3, vm0, $0xb8;
	[tilespmem:$0x18280] =	vst v63  }
0x291: {  	v3 =	vld [tilespmem:$0x1F0];
	_ =	sdelay $0x4  }
0x292: {  	v55 =	vshrl.u32 v3, $0x3  }
0x293: {  	v4 =	vmul.u32 $0x30, v55  }
0x294: {  	v3 =	vand.u32 $0x7, v3  }
0x295: {  	v3 =	vor.u32 v3, v4  }
0x296: {  	v4 =	vperm.xlane v3, v0;
	_ =	sdelay $0x1  }
0x297: {  	v4 =	vadd.s32 v1, v4;
	_ =	sdelay $0x3  }
0x298: {  	s12 =	simm.s32 $0x15280;
	v3 =	vperm.xlane v3, v2  }
0x299: {  	[tilespmem:s12], [sflag:$0x2] =	stream.indirect_vreg.gather [hbm4b:s2+s3], $0x80, v4, vm0, $0xb8;
	[tilespmem:$0x18280] =	vst v63  }
0x29a: {  	v3 =	vadd.s32 v1, v3;
	s12 =	simm.s32 $0x15A80  }
0x29b: {  	[tilespmem:s12], [sflag:$0x2] =	stream.indirect_vreg.gather [hbm4b:s5+s3], $0x80, v4, vm0, $0xb8;
	[tilespmem:$0x18280] =	vst v63  }
0x29c: {  	s12 =	simm.s32 $0x16280  }
0x29d: {  	[tilespmem:s12], [sflag:$0x2] =	stream.indirect_vreg.gather [hbm4b:s6+s3], $0x80, v4, vm0, $0xb8;
	[tilespmem:$0x18280] =	vst v63  }
0x29e: {  	s12 =	simm.s32 $0x16A80  }
0x29f: {  	[tilespmem:s12], [sflag:$0x2] =	stream.indirect_vreg.gather [hbm4b:s2+s3], $0x80, v3, vm0, $0xb8;
	[tilespmem:$0x18280] =	vst v63  }
0x2a0: {  	s12 =	simm.s32 $0x17280  }
0x2a1: {  	[tilespmem:s12], [sflag:$0x2] =	stream.indirect_vreg.gather [hbm4b:s5+s3], $0x80, v3, vm0, $0xb8;
	[tilespmem:$0x18280] =	vst v63  }
0x2a2: {  	s12 =	simm.s32 $0x17A80  }
0x2a3: {  	[tilespmem:s12], [sflag:$0x2] =	stream.indirect_vreg.gather [hbm4b:s6+s3], $0x80, v3, vm0, $0xb8;
	[tilespmem:$0x18280] =	vst v63  }
0x2a4: {  	_ =	swait.ge [sflag:s10], $0xC000  }
0x2a5: {  	[sflag:s10] =	ssyncset.done $0x0  }
0x2a6: {  	s12 =	rddreg [dreg:$0xa];
	[sflag:s10] =	ssyncadd.s32 $0xFFFF4000  }
0x2a7: {  	[hbm4b:s12+s3] =	stream.linear.scatter [tilespmem:s16], [sflag:$0x3], $0xC000, $0x38;
	[tilespmem:$0x18280] =	vst v63  }
0x2a8: {  	_ =	swait.ge [sflag:s8], $0xC000  }
0x2a9: {  	[sflag:s8] =	ssyncset.done $0x0  }
0x2aa: {  	[sflag:s8] =	ssyncadd.s32 $0xFFFF4000  }
0x2ab: {  	v3 =	vld [tilespmem:$0x200];
	_ =	sdelay $0x4  }
0x2ac: {  	v56 =	vshrl.u32 v3, $0x3  }
0x2ad: {  	v4 =	vmul.u32 $0x30, v56  }
0x2ae: {  	v3 =	vand.u32 $0x7, v3  }
0x2af: {  	v3 =	vor.u32 v3, v4  }
0x2b0: {  	v4 =	vperm.xlane v3, v0;
	_ =	sdelay $0x1  }
0x2b1: {  	v4 =	vadd.s32 v1, v4;
	_ =	sdelay $0x3  }
0x2b2: {  	v3 =	vperm.xlane v3, v2  }
0x2b3: {  	[tilespmem:s16], [sflag:$0x1] =	stream.indirect_vreg.gather [hbm4b:s2+s3], $0x80, v4, vm0, $0xb8;
	[tilespmem:$0x18280] =	vst v63  }
0x2b4: {  	s17 =	simm.s32 $0xA80;
	v3 =	vadd.s32 v1, v3  }
0x2b5: {  	[tilespmem:s17], [sflag:$0x1] =	stream.indirect_vreg.gather [hbm4b:s5+s3], $0x80, v4, vm0, $0xb8;
	[tilespmem:$0x18280] =	vst v63  }
0x2b6: {  	s0 =	simm.s32 $0x1280  }
0x2b7: {  	[tilespmem:s0], [sflag:$0x1] =	stream.indirect_vreg.gather [hbm4b:s6+s3], $0x80, v4, vm0, $0xb8;
	[tilespmem:$0x18280] =	vst v63  }
0x2b8: {  	s1 =	simm.s32 $0x1A80  }
0x2b9: {  	[tilespmem:s1], [sflag:$0x1] =	stream.indirect_vreg.gather [hbm4b:s2+s3], $0x80, v3, vm0, $0xb8;
	[tilespmem:$0x18280] =	vst v63  }
0x2ba: {  	s9 =	simm.s32 $0x2280  }
0x2bb: {  	[tilespmem:s9], [sflag:$0x1] =	stream.indirect_vreg.gather [hbm4b:s5+s3], $0x80, v3, vm0, $0xb8;
	[tilespmem:$0x18280] =	vst v63  }
0x2bc: {  	s12 =	simm.s32 $0x2A80  }
0x2bd: {  	[tilespmem:s12], [sflag:$0x1] =	stream.indirect_vreg.gather [hbm4b:s6+s3], $0x80, v3, vm0, $0xb8;
	[tilespmem:$0x18280] =	vst v63  }
0x2be: {  	v3 =	vld [tilespmem:$0x210];
	_ =	sdelay $0x4  }
0x2bf: {  	v57 =	vshrl.u32 v3, $0x3  }
0x2c0: {  	v4 =	vmul.u32 $0x30, v57  }
0x2c1: {  	v3 =	vand.u32 $0x7, v3  }
0x2c2: {  	v3 =	vor.u32 v3, v4  }
0x2c3: {  	v4 =	vperm.xlane v3, v0;
	_ =	sdelay $0x1  }
0x2c4: {  	v4 =	vadd.s32 v1, v4;
	_ =	sdelay $0x3  }
0x2c5: {  	s17 =	simm.s32 $0x3280;
	v3 =	vperm.xlane v3, v2  }
0x2c6: {  	[tilespmem:s17], [sflag:$0x1] =	stream.indirect_vreg.gather [hbm4b:s2+s3], $0x80, v4, vm0, $0xb8;
	[tilespmem:$0x18280] =	vst v63  }
0x2c7: {  	s20 =	simm.s32 $0x3A80;
	v3 =	vadd.s32 v1, v3  }
0x2c8: {  	[tilespmem:s20], [sflag:$0x1] =	stream.indirect_vreg.gather [hbm4b:s5+s3], $0x80, v4, vm0, $0xb8;
	[tilespmem:$0x18280] =	vst v63  }
0x2c9: {  	s21 =	simm.s32 $0x4280  }
0x2ca: {  	[tilespmem:s21], [sflag:$0x1] =	stream.indirect_vreg.gather [hbm4b:s6+s3], $0x80, v4, vm0, $0xb8;
	[tilespmem:$0x18280] =	vst v63  }
0x2cb: {  	s22 =	simm.s32 $0x4A80  }
0x2cc: {  	[tilespmem:s22], [sflag:$0x1] =	stream.indirect_vreg.gather [hbm4b:s2+s3], $0x80, v3, vm0, $0xb8;
	[tilespmem:$0x18280] =	vst v63  }
0x2cd: {  	s23 =	simm.s32 $0x5280  }
0x2ce: {  	[tilespmem:s23], [sflag:$0x1] =	stream.indirect_vreg.gather [hbm4b:s5+s3], $0x80, v3, vm0, $0xb8;
	[tilespmem:$0x18280] =	vst v63  }
0x2cf: {  	s22 =	simm.s32 $0x5A80  }
0x2d0: {  	[tilespmem:s22], [sflag:$0x1] =	stream.indirect_vreg.gather [hbm4b:s6+s3], $0x80, v3, vm0, $0xb8;
	[tilespmem:$0x18280] =	vst v63  }
0x2d1: {  	v3 =	vld [tilespmem:$0x220];
	_ =	sdelay $0x4  }
0x2d2: {  	v58 =	vshrl.u32 v3, $0x3  }
0x2d3: {  	v4 =	vmul.u32 $0x30, v58  }
0x2d4: {  	v3 =	vand.u32 $0x7, v3  }
0x2d5: {  	v3 =	vor.u32 v3, v4  }
0x2d6: {  	v4 =	vperm.xlane v3, v0;
	_ =	sdelay $0x1  }
0x2d7: {  	v4 =	vadd.s32 v1, v4;
	_ =	sdelay $0x3  }
0x2d8: {  	s23 =	simm.s32 $0x6280;
	v3 =	vperm.xlane v3, v2  }
0x2d9: {  	[tilespmem:s23], [sflag:$0x1] =	stream.indirect_vreg.gather [hbm4b:s2+s3], $0x80, v4, vm0, $0xb8;
	[tilespmem:$0x18280] =	vst v63  }
0x2da: {  	s24 =	simm.s32 $0x6A80;
	v3 =	vadd.s32 v1, v3  }
0x2db: {  	[tilespmem:s24], [sflag:$0x1] =	stream.indirect_vreg.gather [hbm4b:s5+s3], $0x80, v4, vm0, $0xb8;
	[tilespmem:$0x18280] =	vst v63  }
0x2dc: {  	s25 =	simm.s32 $0x7280  }
0x2dd: {  	[tilespmem:s25], [sflag:$0x1] =	stream.indirect_vreg.gather [hbm4b:s6+s3], $0x80, v4, vm0, $0xb8;
	[tilespmem:$0x18280] =	vst v63  }
0x2de: {  	s26 =	simm.s32 $0x7A80  }
0x2df: {  	[tilespmem:s26], [sflag:$0x1] =	stream.indirect_vreg.gather [hbm4b:s2+s3], $0x80, v3, vm0, $0xb8;
	[tilespmem:$0x18280] =	vst v63  }
0x2e0: {  	s28 =	simm.s32 $0x8280  }
0x2e1: {  	[tilespmem:s28], [sflag:$0x1] =	stream.indirect_vreg.gather [hbm4b:s5+s3], $0x80, v3, vm0, $0xb8;
	[tilespmem:$0x18280] =	vst v63  }
0x2e2: {  	s26 =	simm.s32 $0x8A80  }
0x2e3: {  	[tilespmem:s26], [sflag:$0x1] =	stream.indirect_vreg.gather [hbm4b:s6+s3], $0x80, v3, vm0, $0xb8;
	[tilespmem:$0x18280] =	vst v63  }
0x2e4: {  	v3 =	vld [tilespmem:$0x230];
	_ =	sdelay $0x4  }
0x2e5: {  	v59 =	vshrl.u32 v3, $0x3  }
0x2e6: {  	v4 =	vmul.u32 $0x30, v59  }
0x2e7: {  	v3 =	vand.u32 $0x7, v3  }
0x2e8: {  	v3 =	vor.u32 v3, v4  }
0x2e9: {  	v4 =	vperm.xlane v3, v0;
	_ =	sdelay $0x1  }
0x2ea: {  	v4 =	vadd.s32 v1, v4;
	_ =	sdelay $0x3  }
0x2eb: {  	s28 =	simm.s32 $0x9280;
	v3 =	vperm.xlane v3, v2  }
0x2ec: {  	[tilespmem:s28], [sflag:$0x1] =	stream.indirect_vreg.gather [hbm4b:s2+s3], $0x80, v4, vm0, $0xb8;
	[tilespmem:$0x18280] =	vst v63  }
0x2ed: {  	s29 =	simm.s32 $0x9A80;
	v3 =	vadd.s32 v1, v3  }
0x2ee: {  	[tilespmem:s29], [sflag:$0x1] =	stream.indirect_vreg.gather [hbm4b:s5+s3], $0x80, v4, vm0, $0xb8;
	[tilespmem:$0x18280] =	vst v63  }
0x2ef: {  	s30 =	simm.s32 $0xA280  }
0x2f0: {  	[tilespmem:s30], [sflag:$0x1] =	stream.indirect_vreg.gather [hbm4b:s6+s3], $0x80, v4, vm0, $0xb8;
	[tilespmem:$0x18280] =	vst v63  }
0x2f1: {  	s31 =	simm.s32 $0xAA80  }
0x2f2: {  	[tilespmem:s31], [sflag:$0x1] =	stream.indirect_vreg.gather [hbm4b:s2+s3], $0x80, v3, vm0, $0xb8;
	[tilespmem:$0x18280] =	vst v63  }
0x2f3: {  	s13 =	simm.s32 $0xB280  }
0x2f4: {  	[tilespmem:s13], [sflag:$0x1] =	stream.indirect_vreg.gather [hbm4b:s5+s3], $0x80, v3, vm0, $0xb8;
	[tilespmem:$0x18280] =	vst v63  }
0x2f5: {  	s29 =	simm.s32 $0xBA80  }
0x2f6: {  	[tilespmem:s29], [sflag:$0x1] =	stream.indirect_vreg.gather [hbm4b:s6+s3], $0x80, v3, vm0, $0xb8;
	[tilespmem:$0x18280] =	vst v63  }
0x2f7: {  	_ =	swait.ge [sflag:s11], $0xC000  }
0x2f8: {  	[sflag:s11] =	ssyncset.done $0x0  }
0x2f9: {  	s30 =	rddreg [dreg:$0xb];
	[sflag:s11] =	ssyncadd.s32 $0xFFFF4000  }
0x2fa: {  	[hbm4b:s30+s3] =	stream.linear.scatter [tilespmem:s4], [sflag:$0x3], $0xC000, $0x38;
	[tilespmem:$0x18280] =	vst v63  }
0x2fb: {  	_ =	swait.ge [sflag:s8], $0xC000  }
0x2fc: {  	[sflag:s8] =	ssyncset.done $0x0  }
0x2fd: {  	[sflag:s8] =	ssyncadd.s32 $0xFFFF4000  }
0x2fe: {  	v3 =	vld [tilespmem:$0x240];
	_ =	sdelay $0x4  }
0x2ff: {  	v60 =	vshrl.u32 v3, $0x3  }
0x300: {  	v4 =	vmul.u32 $0x30, v60  }
0x301: {  	v3 =	vand.u32 $0x7, v3  }
0x302: {  	v3 =	vor.u32 v3, v4  }
0x303: {  	v4 =	vperm.xlane v3, v0;
	_ =	sdelay $0x1  }
0x304: {  	v4 =	vadd.s32 v1, v4;
	_ =	sdelay $0x3  }
0x305: {  	v3 =	vperm.xlane v3, v2  }
0x306: {  	[tilespmem:s4], [sflag:$0x2] =	stream.indirect_vreg.gather [hbm4b:s2+s3], $0x80, v4, vm0, $0xb8;
	[tilespmem:$0x18280] =	vst v63  }
0x307: {  	s14 =	simm.s32 $0xCA80;
	v3 =	vadd.s32 v1, v3  }
0x308: {  	[tilespmem:s14], [sflag:$0x2] =	stream.indirect_vreg.gather [hbm4b:s5+s3], $0x80, v4, vm0, $0xb8;
	[tilespmem:$0x18280] =	vst v63  }
0x309: {  	s15 =	simm.s32 $0xD280  }
0x30a: {  	[tilespmem:s15], [sflag:$0x2] =	stream.indirect_vreg.gather [hbm4b:s6+s3], $0x80, v4, vm0, $0xb8;
	[tilespmem:$0x18280] =	vst v63  }
0x30b: {  	s18 =	simm.s32 $0xDA80  }
0x30c: {  	[tilespmem:s18], [sflag:$0x2] =	stream.indirect_vreg.gather [hbm4b:s2+s3], $0x80, v3, vm0, $0xb8;
	[tilespmem:$0x18280] =	vst v63  }
0x30d: {  	s19 =	simm.s32 $0xE280  }
0x30e: {  	[tilespmem:s19], [sflag:$0x2] =	stream.indirect_vreg.gather [hbm4b:s5+s3], $0x80, v3, vm0, $0xb8;
	[tilespmem:$0x18280] =	vst v63  }
0x30f: {  	s31 =	simm.s32 $0xEA80  }
0x310: {  	[tilespmem:s31], [sflag:$0x2] =	stream.indirect_vreg.gather [hbm4b:s6+s3], $0x80, v3, vm0, $0xb8;
	[tilespmem:$0x18280] =	vst v63  }
0x311: {  	v3 =	vld [tilespmem:$0x250];
	_ =	sdelay $0x4  }
0x312: {  	v61 =	vshrl.u32 v3, $0x3  }
0x313: {  	v4 =	vmul.u32 $0x30, v61  }
0x314: {  	v3 =	vand.u32 $0x7, v3  }
0x315: {  	v3 =	vor.u32 v3, v4  }
0x316: {  	v4 =	vperm.xlane v3, v0;
	_ =	sdelay $0x1  }
0x317: {  	v4 =	vadd.s32 v1, v4;
	_ =	sdelay $0x3  }
0x318: {  	s1 =	simm.s32 $0xF280;
	v3 =	vperm.xlane v3, v2  }
0x319: {  	[tilespmem:s1], [sflag:$0x2] =	stream.indirect_vreg.gather [hbm4b:s2+s3], $0x80, v4, vm0, $0xb8;
	[tilespmem:$0x18280] =	vst v63  }
0x31a: {  	s9 =	simm.s32 $0xFA80;
	v3 =	vadd.s32 v1, v3  }
0x31b: {  	[tilespmem:s9], [sflag:$0x2] =	stream.indirect_vreg.gather [hbm4b:s5+s3], $0x80, v4, vm0, $0xb8;
	[tilespmem:$0x18280] =	vst v63  }
0x31c: {  	s12 =	simm.s32 $0x10280  }
0x31d: {  	[tilespmem:s12], [sflag:$0x2] =	stream.indirect_vreg.gather [hbm4b:s6+s3], $0x80, v4, vm0, $0xb8;
	[tilespmem:$0x18280] =	vst v63  }
0x31e: {  	s13 =	simm.s32 $0x10A80  }
0x31f: {  	[tilespmem:s13], [sflag:$0x2] =	stream.indirect_vreg.gather [hbm4b:s2+s3], $0x80, v3, vm0, $0xb8;
	[tilespmem:$0x18280] =	vst v63  }
0x320: {  	s14 =	simm.s32 $0x11280  }
0x321: {  	[tilespmem:s14], [sflag:$0x2] =	stream.indirect_vreg.gather [hbm4b:s5+s3], $0x80, v3, vm0, $0xb8;
	[tilespmem:$0x18280] =	vst v63  }
0x322: {  	s15 =	simm.s32 $0x11A80  }
0x323: {  	[tilespmem:s15], [sflag:$0x2] =	stream.indirect_vreg.gather [hbm4b:s6+s3], $0x80, v3, vm0, $0xb8;
	[tilespmem:$0x18280] =	vst v63  }
0x324: {  	v3 =	vld [tilespmem:$0x260];
	_ =	sdelay $0x4  }
0x325: {  	v62 =	vshrl.u32 v3, $0x3  }
0x326: {  	v4 =	vmul.u32 $0x30, v62  }
0x327: {  	v3 =	vand.u32 $0x7, v3  }
0x328: {  	v3 =	vor.u32 v3, v4  }
0x329: {  	v4 =	vperm.xlane v3, v0;
	_ =	sdelay $0x1  }
0x32a: {  	v4 =	vadd.s32 v1, v4;
	_ =	sdelay $0x3  }
0x32b: {  	s17 =	simm.s32 $0x12280;
	v3 =	vperm.xlane v3, v2  }
0x32c: {  	[tilespmem:s17], [sflag:$0x2] =	stream.indirect_vreg.gather [hbm4b:s2+s3], $0x80, v4, vm0, $0xb8;
	[tilespmem:$0x18280] =	vst v63  }
0x32d: {  	s18 =	simm.s32 $0x12A80;
	v3 =	vadd.s32 v1, v3  }
0x32e: {  	[tilespmem:s18], [sflag:$0x2] =	stream.indirect_vreg.gather [hbm4b:s5+s3], $0x80, v4, vm0, $0xb8;
	[tilespmem:$0x18280] =	vst v63  }
0x32f: {  	s19 =	simm.s32 $0x13280  }
0x330: {  	[tilespmem:s19], [sflag:$0x2] =	stream.indirect_vreg.gather [hbm4b:s6+s3], $0x80, v4, vm0, $0xb8;
	[tilespmem:$0x18280] =	vst v63  }
0x331: {  	s20 =	simm.s32 $0x13A80  }
0x332: {  	[tilespmem:s20], [sflag:$0x2] =	stream.indirect_vreg.gather [hbm4b:s2+s3], $0x80, v3, vm0, $0xb8;
	[tilespmem:$0x18280] =	vst v63  }
0x333: {  	s21 =	simm.s32 $0x14280  }
0x334: {  	[tilespmem:s21], [sflag:$0x2] =	stream.indirect_vreg.gather [hbm4b:s5+s3], $0x80, v3, vm0, $0xb8;
	[tilespmem:$0x18280] =	vst v63  }
0x335: {  	s22 =	simm.s32 $0x14A80  }
0x336: {  	[tilespmem:s22], [sflag:$0x2] =	stream.indirect_vreg.gather [hbm4b:s6+s3], $0x80, v3, vm0, $0xb8;
	[tilespmem:$0x18280] =	vst v63  }
0x337: {  	v3 =	vld [tilespmem:$0x270];
	_ =	sdelay $0x4  }
0x338: {  	v63 =	vshrl.u32 v3, $0x3  }
0x339: {  	v4 =	vmul.u32 $0x30, v63  }
0x33a: {  	v3 =	vand.u32 $0x7, v3  }
0x33b: {  	v3 =	vor.u32 v3, v4  }
0x33c: {  	v4 =	vperm.xlane v3, v0;
	_ =	sdelay $0x1  }
0x33d: {  	v4 =	vadd.s32 v1, v4;
	_ =	sdelay $0x3  }
0x33e: {  	s23 =	simm.s32 $0x15280;
	v3 =	vperm.xlane v3, v2  }
0x33f: {  	[tilespmem:s23], [sflag:$0x2] =	stream.indirect_vreg.gather [hbm4b:s2+s3], $0x80, v4, vm0, $0xb8;
	[tilespmem:$0x18280] =	vst v63  }
0x340: {  	s24 =	simm.s32 $0x15A80;
	v3 =	vadd.s32 v1, v3  }
0x341: {  	[tilespmem:s24], [sflag:$0x2] =	stream.indirect_vreg.gather [hbm4b:s5+s3], $0x80, v4, vm0, $0xb8;
	[tilespmem:$0x18280] =	vst v63  }
0x342: {  	s25 =	simm.s32 $0x16280  }
0x343: {  	[tilespmem:s25], [sflag:$0x2] =	stream.indirect_vreg.gather [hbm4b:s6+s3], $0x80, v4, vm0, $0xb8;
	[tilespmem:$0x18280] =	vst v63  }
0x344: {  	s26 =	simm.s32 $0x16A80  }
0x345: {  	[tilespmem:s26], [sflag:$0x2] =	stream.indirect_vreg.gather [hbm4b:s2+s3], $0x80, v3, vm0, $0xb8;
	[tilespmem:$0x18280] =	vst v63  }
0x346: {  	s28 =	simm.s32 $0x17280  }
0x347: {  	[tilespmem:s28], [sflag:$0x2] =	stream.indirect_vreg.gather [hbm4b:s5+s3], $0x80, v3, vm0, $0xb8;
	[tilespmem:$0x18280] =	vst v63  }
0x348: {  	s29 =	simm.s32 $0x17A80  }
0x349: {  	[tilespmem:s29], [sflag:$0x2] =	stream.indirect_vreg.gather [hbm4b:s6+s3], $0x80, v3, vm0, $0xb8;
	[tilespmem:$0x18280] =	vst v63  }
0x34a: {  	_ =	swait.ge [sflag:s10], $0xC000  }
0x34b: {  	[sflag:s10] =	ssyncset.done $0x0  }
0x34c: {  	s30 =	rddreg [dreg:$0xc];
	[sflag:s10] =	ssyncadd.s32 $0xFFFF4000  }
0x34d: {  	[hbm4b:s30+s3] =	stream.linear.scatter [tilespmem:s16], [sflag:$0x3], $0xC000, $0x38;
	[tilespmem:$0x18280] =	vst v63  }
0x34e: {  	_ =	swait.ge [sflag:s8], $0xC000  }
0x34f: {  	[sflag:s8] =	ssyncset.done $0x0  }
0x350: {  	[sflag:s8] =	ssyncadd.s32 $0xFFFF4000  }
0x351: {  	_ =	swait.ge [sflag:s11], $0xC000  }
0x352: {  	p0 =	sne.s32 s7, $0x1;
	[sflag:s11] =	ssyncset.done $0x0  }
.Ltmp0:
0x353: {  	s31 =	rddreg [dreg:$0xd];
	[sflag:s11] =	ssyncadd.s32 $0xFFFF4000;
	(pc) =	sbr.rel @p0 .LBB2_1-.Ltmp0, $4  }
0x354: {  	[hbm4b:s31+s3] =	stream.linear.scatter [tilespmem:s4], [sflag:$0x3], $0xC000, $0x38;
	[tilespmem:$0x18280] =	vst v63  }
0x355: {  	_ =	swait.ge [sflag:s8], $0xC000  }
0x356: {  	[sflag:s8] =	ssyncset.done $0x0  }
0x357: {  	s7 =	sadd.s32 $0xFFFFFFFF, s7;
	[sflag:s8] =	ssyncadd.s32 $0xFFFF4000  }
0x358: {  	_ =	sfence.sel $0x180000  }
0x359: {  	[bflag:$0x0] =	sbarrier.arrive $0xFFFF  }
0x35a: {  	_ =	strace $0x90000047  }
0x35b: {  	s0 =	stileid.u32;
	[bflag:$0x2] =	sbarrier.arrive $0xFFFF  }
0x35c: {  	p0 =	sne.s32 s0, $0x0;
	s0 =	rddreg [dreg:$0x3]  }
0x35d: {  	s0 =	sadd.s32 @!p0 $0x100000, s0  }
0x35e: {  	[sflag:s0] =	ssyncadd.tile.s32 @!p0 $0x1;
	_ =	shalt  }
.Lfunc_end2:
_tile_overlayer_lowered:
.L_overlay_start_2:
0x35f: {  	(tag) =	ssettag $0x2  }
0x360: {  	s0 =	rddreg [dreg:$0x0];
	s2 =	stileid.u32  }
0x361: {  	s1 =	rddreg [dreg:$0x1];
	p0 =	sne.s32 s2, $0x0  }
0x362: {  	s3 =	rddreg [dreg:$0x2];
	[bflag:$0x3] =	sbarrier.arrive $0xFFFF;
	s2 =	simm.s32 @!p0 $0x1C03  }
0x363: {  	[timem:s3], [sflag:s2] =	dma.local @!p0 [hbm:s0], s1  }
0x364: {  	s0 =	simm.s32 @!p0 $0x3  }
0x365: {  	_ =	swait.ge @!p0 [sflag:s0], s1  }
0x366: {  	s1 =	ssub.s32 @!p0 $0x0, s1;
	[sflag:s0] =	ssyncset.done @!p0 $0x0  }
0x367: {  	[sflag:s0] =	ssyncadd.s32 @!p0 s1  }
0x368: {  	[bflag:$0x3] =	sbarrier.arrive $0xFFFF  }
0x369: {  	_ =	shalt  }

</sc_bundles>
